<compile_context>
chip_gen: v7x
topology: tpu7x:2x2x1
jax: 0.10.2.dev20260603
libtpu: 0.0.44.dev20260713+nightly
codegen_flags: <defaults>
</compile_context>

<pallas_src>
import jax
import jax.numpy as jnp
from jax import lax
from jax.experimental import pallas as pl
from jax.experimental.pallas import tpu as pltpu
from jax.experimental.pallas import tpu_sc as plsc

N = 10000
D = 128
E = 320000
NS = 16
L = 16
BLK = 72
NBUF = 5
GRAN = NBUF * BLK
EPT = ((E + NS * GRAN - 1) // (NS * GRAN)) * GRAN
NBLK = EPT // BLK
EPAD = EPT * NS
ACC_ROWS = 10240
ZR = ACC_ROWS // NS
ZC = 80


def _sc_body(tab, src, dst, out_u, out_i, cnt_u, cnt_i, acc, *scr):
    cid = lax.axis_index("c")
    sid = lax.axis_index("s")
    r0 = sid * ZR
    base = cid * EPAD + sid * EPT
    scr = list(scr)
    idx_s = scr[0:NBUF]
    idx_d = scr[NBUF:2 * NBUF]
    rows = scr[2 * NBUF:3 * NBUF]
    gsem = scr[3 * NBUF:4 * NBUF]
    ssem = scr[4 * NBUF:5 * NBUF]
    isem = scr[5 * NBUF:6 * NBUF]
    dsem = scr[6 * NBUF:7 * NBUF]
    rows0 = rows[0]
    ones = rows[0]

    def start_idx(b, j):
        off = base + j * BLK
        pltpu.async_copy(src.at[pl.ds(off, BLK)], idx_s[b], isem[b])
        pltpu.async_copy(dst.at[pl.ds(off, BLK)], idx_d[b], dsem[b])

    def start_idx_d(b, j):
        off = base + j * BLK
        pltpu.async_copy(dst.at[pl.ds(off, BLK)], idx_d[b], dsem[b])

    def wait_idx_s(b):
        pltpu.make_async_copy(src.at[pl.ds(base, BLK)], idx_s[b], isem[b]).wait()

    def wait_idx_d(b):
        pltpu.make_async_copy(dst.at[pl.ds(base, BLK)], idx_d[b], dsem[b]).wait()

    def start_gather(r, i):
        pltpu.async_copy(tab.at[idx_s[i]], rows[r], gsem[r])

    def wait_gather(r):
        pltpu.make_async_copy(tab.at[idx_s[0]], rows[r], gsem[r]).wait()

    def start_scatter(r, i, src_buf):
        pltpu.async_copy(src_buf, acc.at[idx_d[i]], ssem[r], add=True)

    def wait_scatter(r, src_buf):
        pltpu.make_async_copy(src_buf, acc.at[idx_d[0]], ssem[r]).wait()

    pltpu.sync_copy(tab.at[pl.ds(2 * N, ZC)], rows0.at[pl.ds(0, ZC)])
    for k in range(ZR // ZC):
        pltpu.sync_copy(rows0.at[pl.ds(0, ZC)],
                        acc.at[pl.ds(r0 + k * ZC, ZC)])
    plsc.subcore_barrier()

    for b in range(NBUF):
        start_idx(b, b)
    for b in range(NBUF):
        wait_idx_s(b)
        start_gather(b, b)

    def outer1(g, carry):
        j0 = g * NBUF
        for b in range(NBUF):
            wait_gather(b)
            wait_idx_d(b)
            start_scatter(b, b, rows[b])
        for b in range(NBUF):
            wait_scatter(b, rows[b])
            start_idx(b, j0 + NBUF + b)
        for b in range(NBUF):
            wait_idx_s(b)
            start_gather(b, b)
        return carry

    lax.fori_loop(0, NBLK // NBUF - 1, outer1, 0)
    for b in range(NBUF):
        wait_gather(b)
        wait_idx_d(b)
        start_scatter(b, b, rows[b])
    for b in range(NBUF):
        wait_scatter(b, rows[b])
    plsc.subcore_barrier()

    @pl.when(cid == 0)
    def _():
        pltpu.sync_copy(acc.at[pl.ds(r0, ZR)], out_u.at[pl.ds(r0, ZR)])

    @pl.when(cid == 1)
    def _():
        pltpu.sync_copy(acc.at[pl.ds(r0, ZR)], out_i.at[pl.ds(r0, ZR)])

    pltpu.sync_copy(tab.at[pl.ds(2 * N, ZC)], rows0.at[pl.ds(0, ZC)])
    for k in range(ZR // ZC):
        pltpu.sync_copy(rows0.at[pl.ds(0, ZC)],
                        acc.at[pl.ds(r0 + k * ZC, ZC)])
    pltpu.sync_copy(tab.at[pl.ds(2 * N + BLK, BLK)], ones)
    plsc.subcore_barrier()

    for b in range(NBUF):
        start_idx_d(b, b)

    def outer2(g, carry):
        j0 = g * NBUF
        for b in range(NBUF):
            wait_idx_d(b)
            start_scatter(b, b, ones)
        for b in range(NBUF):
            wait_scatter(b, ones)
            start_idx_d(b, j0 + NBUF + b)
        return carry

    lax.fori_loop(0, NBLK // NBUF - 1, outer2, 0)
    for b in range(NBUF):
        wait_idx_d(b)
        start_scatter(b, b, ones)
    for b in range(NBUF):
        wait_scatter(b, ones)
    plsc.subcore_barrier()

    @pl.when(cid == 0)
    def _():
        pltpu.sync_copy(acc.at[pl.ds(r0, ZR)], cnt_u.at[pl.ds(r0, ZR)])

    @pl.when(cid == 1)
    def _():
        pltpu.sync_copy(acc.at[pl.ds(r0, ZR)], cnt_i.at[pl.ds(r0, ZR)])


_sc_call = pl.kernel(
    _sc_body,
    out_type=(
        jax.ShapeDtypeStruct((ACC_ROWS, D), jnp.float32),
        jax.ShapeDtypeStruct((ACC_ROWS, D), jnp.float32),
        jax.ShapeDtypeStruct((ACC_ROWS, D), jnp.float32),
        jax.ShapeDtypeStruct((ACC_ROWS, D), jnp.float32),
    ),
    mesh=plsc.VectorSubcoreMesh(core_axis_name="c", subcore_axis_name="s"),
    scratch_types=(
        [pltpu.VMEM_SHARED((ACC_ROWS, D), jnp.float32)]
        + [pltpu.VMEM((BLK,), jnp.int32) for _ in range(2 * NBUF)]
        + [pltpu.VMEM((BLK, D), jnp.float32) for _ in range(NBUF)]
        + [pltpu.SemaphoreType.DMA for _ in range(4 * NBUF)]
    ),
)


def _tc_body(x_ref, agg_ref, cnt_ref, ws_ref, wc_ref, b_ref, y_ref, p_ref):
    i = pl.program_id(0)
    x = x_ref[...]
    h = jnp.dot(x, ws_ref[...], preferred_element_type=jnp.float32)
    h += jnp.dot(agg_ref[...], wc_ref[...], preferred_element_type=jnp.float32)
    h += b_ref[...]
    mask = (cnt_ref[:, :1] > 0).astype(jnp.float32)
    delta = jnp.maximum(h, 0.0) * mask
    y_ref[...] = x + delta

    @pl.when(i == 0)
    def _():
        p_ref[...] = jnp.zeros_like(p_ref)

    lanes = lax.broadcasted_iota(jnp.int32, (1, D), 1)
    contrib = (jnp.where(lanes == 0, jnp.sum(delta * delta), 0.0)
               + jnp.where(lanes == 1, jnp.sum(mask), 0.0))
    p_ref[...] += contrib


TCB = 400


def _tc_call(x, agg, cnt, ws_t, wc_t, b):
    return pl.pallas_call(
        _tc_body,
        grid=(N // TCB,),
        in_specs=[
            pl.BlockSpec((TCB, D), lambda i: (i, 0)),
            pl.BlockSpec((TCB, D), lambda i: (i, 0)),
            pl.BlockSpec((TCB, D), lambda i: (i, 0)),
            pl.BlockSpec((D, D), lambda i: (0, 0)),
            pl.BlockSpec((D, D), lambda i: (0, 0)),
            pl.BlockSpec((1, D), lambda i: (0, 0)),
        ],
        out_specs=(
            pl.BlockSpec((TCB, D), lambda i: (i, 0)),
            pl.BlockSpec((1, D), lambda i: (0, 0)),
        ),
        out_shape=(
            jax.ShapeDtypeStruct((N, D), jnp.float32),
            jax.ShapeDtypeStruct((1, D), jnp.float32),
        ),
    )(x, agg, cnt, ws_t, wc_t, b)


def kernel(xu_t_minus, xi_t_minus, adj_ins_i2u, adj_ins_u2i,
           W_uu, b_uu, W_ii, b_ii, W_ui, W_iu):
    dst_u = adj_ins_i2u[0].astype(jnp.int32)
    src_i = adj_ins_i2u[1].astype(jnp.int32)
    dst_i = adj_ins_u2i[0].astype(jnp.int32)
    src_u = adj_ins_u2i[1].astype(jnp.int32)

    tab = jnp.concatenate(
        [xi_t_minus, xu_t_minus, jnp.zeros((BLK, D), jnp.float32),
         jnp.ones((BLK, D), jnp.float32)], axis=0)

    pad = EPAD - E
    src = jnp.concatenate([
        jnp.pad(src_i, (0, pad)),
        jnp.pad(src_u, (0, pad)) + N,
    ])
    dst = jnp.concatenate([
        jnp.pad(dst_u, (0, pad), constant_values=N),
        jnp.pad(dst_i, (0, pad), constant_values=N),
    ])

    agg_u, agg_i, cnt_u, cnt_i = _sc_call(tab, src, dst)
    y_u, p_u = _tc_call(xu_t_minus, agg_u, cnt_u, W_uu.T, W_iu.T, b_uu[None, :])
    y_i, p_i = _tc_call(xi_t_minus, agg_i, cnt_i, W_ii.T, W_ui.T, b_ii[None, :])

    loss = p_u[0, 0] / p_u[0, 1] + p_i[0, 0] / p_i[0, 1]
    return (y_u, y_i, loss)

# --- scband reference (transcript-rebuilt; emitter-appended) ---
"""Pipeline reference for scband-disc-update-unit-55465207660625 (READ-ONLY COPY).

The authoritative reference and input builder live on the scoring server;
editing this copy changes nothing except your own understanding.
"""

import jax, jax.numpy as jnp
import numpy as np

NU = 10000
NI = 10000
D = 128
E = 320000


def setup_inputs(seed: int = 0) -> dict:
    key = jax.random.key(seed)
    ks = jax.random.split(key, 10)
    xu = jax.random.normal(ks[0], (NU, D), dtype=jnp.float32)
    xi = jax.random.normal(ks[1], (NI, D), dtype=jnp.float32)
    # sparse adjacency represented as edge lists: row 0 = dst index, row 1 = src index
    adj_ins_i2u = jax.random.randint(ks[2], (2, E), 0, NU, dtype=jnp.int64)  # [Nu x Ni] sparse, dst=user, src=item
    adj_ins_u2i = jax.random.randint(ks[3], (2, E), 0, NI, dtype=jnp.int64)  # [Ni x Nu] sparse, dst=item, src=user
    s = 1.0 / np.sqrt(D)
    W_uu = jax.random.uniform(ks[4], (D, D), jnp.float32, -s, s)
    b_uu = jax.random.uniform(ks[5], (D,), jnp.float32, -s, s)
    W_ii = jax.random.uniform(ks[6], (D, D), jnp.float32, -s, s)
    b_ii = jax.random.uniform(ks[7], (D,), jnp.float32, -s, s)
    W_ui = jax.random.uniform(ks[8], (D, D), jnp.float32, -s, s)
    W_iu = jax.random.uniform(ks[9], (D, D), jnp.float32, -s, s)
    return {
        "xu_t_minus": xu,
        "xi_t_minus": xi,
        "adj_ins_i2u": adj_ins_i2u,
        "adj_ins_u2i": adj_ins_u2i,
        "W_uu": W_uu,
        "b_uu": b_uu,
        "W_ii": W_ii,
        "b_ii": b_ii,
        "W_ui": W_ui,
        "W_iu": W_iu,
    }


def reference(xu_t_minus, xi_t_minus, adj_ins_i2u, adj_ins_u2i,
              W_uu, b_uu, W_ii, b_ii, W_ui, W_iu):
    dst_u = adj_ins_i2u[0]
    src_i = adj_ins_i2u[1]
    dst_i = adj_ins_u2i[0]
    src_u = adj_ins_u2i[1]

    # fc_iu(xi) then sparse matmul A_i2u @ (.) via gather + segment_sum
    xi_iu = xi_t_minus @ W_iu.T
    msg_u = jax.ops.segment_sum(jnp.take(xi_iu, src_i, axis=0), dst_u, num_segments=NU)
    delta_u = jax.nn.relu(xu_t_minus @ W_uu.T + b_uu + msg_u)

    xu_ui = xu_t_minus @ W_ui.T
    msg_i = jax.ops.segment_sum(jnp.take(xu_ui, src_u, axis=0), dst_i, num_segments=NI)
    delta_i = jax.nn.relu(xi_t_minus @ W_ii.T + b_ii + msg_i)

    # row-sum masks (adjacency values are 1.0)
    row_u = jax.ops.segment_sum(jnp.ones((E,), jnp.float32), dst_u, num_segments=NU)
    row_i = jax.ops.segment_sum(jnp.ones((E,), jnp.float32), dst_i, num_segments=NI)
    mask_u = (row_u > 0).astype(jnp.float32)
    mask_i = (row_i > 0).astype(jnp.float32)

    delta_u = delta_u * mask_u[:, None]
    delta_i = delta_i * mask_i[:, None]

    xu_t_plus = xu_t_minus + delta_u
    xi_t_plus = xi_t_minus + delta_i
    loss_jump = (delta_u ** 2).sum() / mask_u.sum() + (delta_i ** 2).sum() / mask_i.sum()
    return (xu_t_plus, xi_t_plus, loss_jump)

if __name__ == "__main__":
    import jax
    _d = setup_inputs()
    print(jax.jit(kernel)(*tuple(_d.values())))

</pallas_src>

<mosaic_0001>
#map = affine_map<(d0, d1) -> (0, 0)>
#map1 = affine_map<(d0, d1) -> (0)>
module attributes {stable_mosaic.version = 14 : i64} {
  func.func @_sc_body(%arg0: i32, %arg1: i32, %arg2: memref<20144x128xf32, #tpu.memory_space<hbm>>, %arg3: memref<645120xi32, #tpu.memory_space<hbm>>, %arg4: memref<645120xi32, #tpu.memory_space<hbm>>, %arg5: memref<10240x128xf32, #tpu.memory_space<hbm>>, %arg6: memref<10240x128xf32, #tpu.memory_space<hbm>>, %arg7: memref<10240x128xf32, #tpu.memory_space<hbm>>, %arg8: memref<10240x128xf32, #tpu.memory_space<hbm>>, %arg9: memref<10240x128xf32, #tpu.memory_space<vmem_shared>>, %arg10: memref<72xi32, #tpu.memory_space<vmem>>, %arg11: memref<72xi32, #tpu.memory_space<vmem>>, %arg12: memref<72xi32, #tpu.memory_space<vmem>>, %arg13: memref<72xi32, #tpu.memory_space<vmem>>, %arg14: memref<72xi32, #tpu.memory_space<vmem>>, %arg15: memref<72xi32, #tpu.memory_space<vmem>>, %arg16: memref<72xi32, #tpu.memory_space<vmem>>, %arg17: memref<72xi32, #tpu.memory_space<vmem>>, %arg18: memref<72xi32, #tpu.memory_space<vmem>>, %arg19: memref<72xi32, #tpu.memory_space<vmem>>, %arg20: memref<72x128xf32, #tpu.memory_space<vmem>>, %arg21: memref<72x128xf32, #tpu.memory_space<vmem>>, %arg22: memref<72x128xf32, #tpu.memory_space<vmem>>, %arg23: memref<72x128xf32, #tpu.memory_space<vmem>>, %arg24: memref<72x128xf32, #tpu.memory_space<vmem>>, %arg25: memref<!tpu.dma_semaphore, #tpu.memory_space<semaphore_mem>>, %arg26: memref<!tpu.dma_semaphore, #tpu.memory_space<semaphore_mem>>, %arg27: memref<!tpu.dma_semaphore, #tpu.memory_space<semaphore_mem>>, %arg28: memref<!tpu.dma_semaphore, #tpu.memory_space<semaphore_mem>>, %arg29: memref<!tpu.dma_semaphore, #tpu.memory_space<semaphore_mem>>, %arg30: memref<!tpu.dma_semaphore, #tpu.memory_space<semaphore_mem>>, %arg31: memref<!tpu.dma_semaphore, #tpu.memory_space<semaphore_mem>>, %arg32: memref<!tpu.dma_semaphore, #tpu.memory_space<semaphore_mem>>, %arg33: memref<!tpu.dma_semaphore, #tpu.memory_space<semaphore_mem>>, %arg34: memref<!tpu.dma_semaphore, #tpu.memory_space<semaphore_mem>>, %arg35: memref<!tpu.dma_semaphore, #tpu.memory_space<semaphore_mem>>, %arg36: memref<!tpu.dma_semaphore, #tpu.memory_space<semaphore_mem>>, %arg37: memref<!tpu.dma_semaphore, #tpu.memory_space<semaphore_mem>>, %arg38: memref<!tpu.dma_semaphore, #tpu.memory_space<semaphore_mem>>, %arg39: memref<!tpu.dma_semaphore, #tpu.memory_space<semaphore_mem>>, %arg40: memref<!tpu.dma_semaphore, #tpu.memory_space<semaphore_mem>>, %arg41: memref<!tpu.dma_semaphore, #tpu.memory_space<semaphore_mem>>, %arg42: memref<!tpu.dma_semaphore, #tpu.memory_space<semaphore_mem>>, %arg43: memref<!tpu.dma_semaphore, #tpu.memory_space<semaphore_mem>>, %arg44: memref<!tpu.dma_semaphore, #tpu.memory_space<semaphore_mem>>) attributes {dimension_semantics = [#tpu.dimension_semantics<core_parallel>, #tpu.dimension_semantics<subcore_parallel>], iteration_bounds = array<i64: 2, 16>, scalar_prefetch = 0 : i64, scratch_operands = 36 : i64, tpu.core_type = #tpu.core_type<sc_vector_subcore>, window_params = [{transform_indices = #map}, {transform_indices = #map1}, {transform_indices = #map1}, {transform_indices = #map}, {transform_indices = #map}, {transform_indices = #map}, {transform_indices = #map}]} {
    %mul3A = arith.constant 640 : i32
    %mul3A_0 = arith.muli %arg1, %mul3A : i32
    %mul3A_1 = arith.constant 322560 : i32
    %mul3A_2 = arith.muli %arg0, %mul3A_1 : i32
    %mul3A_3 = arith.constant 20160 : i32
    %mul3A_4 = arith.muli %arg1, %mul3A_3 : i32
    %add3A = arith.addi %mul3A_2, %mul3A_4 : i32
    "tpu.region"() ({
      %run_scoped3A = tpu.sem_alloc : memref<!tpu.dma_semaphore, #tpu.memory_space<semaphore_mem>>
      %dma_start3A_236 = arith.constant 0 : i32
      %dma_start3A_237 = arith.constant 0 : i32
      %dma_start3A_238 = tpu.memref_slice %arg20[%dma_start3A_236, %dma_start3A_237] : memref<72x128xf32, #tpu.memory_space<vmem>> -> memref<80x128xf32, #tpu.memory_space<vmem>>
      %dma_start3A_239 = arith.constant 20000 : i32
      %dma_start3A_240 = arith.constant 0 : i32
      %dma_start3A_241 = tpu.memref_slice %arg2[%dma_start3A_239, %dma_start3A_240] : memref<20144x128xf32, #tpu.memory_space<hbm>> -> memref<80x128xf32, #tpu.memory_space<hbm>>
      %dma_start3A_242 = arith.constant 0 : i32
      %dma_start3A_243 = arith.constant 0 : i32
      %dma_start3A_244 = tpu.memref_slice %arg20[%dma_start3A_242, %dma_start3A_243] : memref<72x128xf32, #tpu.memory_space<vmem>> -> memref<80x128xf32, #tpu.memory_space<vmem>>
      %dma_start3A_245 = arith.constant 20000 : i32
      %dma_start3A_246 = arith.constant 0 : i32
      %dma_start3A_247 = tpu.memref_slice %arg2[%dma_start3A_245, %dma_start3A_246] : memref<20144x128xf32, #tpu.memory_space<hbm>> -> memref<80x128xf32, #tpu.memory_space<hbm>>
      tpu.enqueue_dma source(%dma_start3A_247 : memref<80x128xf32, #tpu.memory_space<hbm>>) target(%dma_start3A_244 : memref<80x128xf32, #tpu.memory_space<vmem>>) target_semaphore(%run_scoped3A : memref<!tpu.dma_semaphore, #tpu.memory_space<semaphore_mem>>)
      %dma_wait3A_248 = arith.constant 0 : i32
      %dma_wait3A_249 = arith.constant 0 : i32
      %dma_wait3A_250 = tpu.memref_slice %arg20[%dma_wait3A_248, %dma_wait3A_249] : memref<72x128xf32, #tpu.memory_space<vmem>> -> memref<80x128xf32, #tpu.memory_space<vmem>>
      %dma_wait3A_251 = arith.constant 20000 : i32
      %dma_wait3A_252 = arith.constant 0 : i32
      %dma_wait3A_253 = tpu.memref_slice %arg2[%dma_wait3A_251, %dma_wait3A_252] : memref<20144x128xf32, #tpu.memory_space<hbm>> -> memref<80x128xf32, #tpu.memory_space<hbm>>
      %dma_wait3A_254 = arith.constant 0 : i32
      %dma_wait3A_255 = arith.constant 0 : i32
      %dma_wait3A_256 = tpu.memref_slice %arg20[%dma_wait3A_254, %dma_wait3A_255] : memref<72x128xf32, #tpu.memory_space<vmem>> -> memref<80x128xf32, #tpu.memory_space<vmem>>
      %dma_wait3A_257 = arith.constant 20000 : i32
      %dma_wait3A_258 = arith.constant 0 : i32
      %dma_wait3A_259 = tpu.memref_slice %arg2[%dma_wait3A_257, %dma_wait3A_258] : memref<20144x128xf32, #tpu.memory_space<hbm>> -> memref<80x128xf32, #tpu.memory_space<hbm>>
      tpu.wait_dma2 semaphore(%run_scoped3A : memref<!tpu.dma_semaphore, #tpu.memory_space<semaphore_mem>>) src(%dma_wait3A_259 : memref<80x128xf32, #tpu.memory_space<hbm>>) dst(%dma_wait3A_256 : memref<80x128xf32, #tpu.memory_space<vmem>>)
      tpu.yield
    }) : () -> ()
    %add3A_5 = arith.constant 0 : i32
    %add3A_6 = arith.addi %mul3A_0, %add3A_5 : i32
    "tpu.region"() ({
      %run_scoped3A = tpu.sem_alloc : memref<!tpu.dma_semaphore, #tpu.memory_space<semaphore_mem>>
      %dma_start3A_236 = arith.constant 0 : i32
      %dma_start3A_237 = arith.constant 0 : i32
      %dma_start3A_238 = tpu.memref_slice %arg20[%dma_start3A_236, %dma_start3A_237] : memref<72x128xf32, #tpu.memory_space<vmem>> -> memref<80x128xf32, #tpu.memory_space<vmem>>
      %dma_start3A_239 = arith.constant 0 : i32
      %dma_start3A_240 = tpu.memref_slice %arg9[%add3A_6, %dma_start3A_239] : memref<10240x128xf32, #tpu.memory_space<vmem_shared>> -> memref<80x128xf32, #tpu.memory_space<vmem_shared>>
      %dma_start3A_241 = arith.constant 0 : i32
      %dma_start3A_242 = tpu.memref_slice %arg9[%add3A_6, %dma_start3A_241] : memref<10240x128xf32, #tpu.memory_space<vmem_shared>> -> memref<80x128xf32, #tpu.memory_space<vmem_shared>>
      %dma_start3A_243 = arith.constant 0 : i32
      %dma_start3A_244 = arith.constant 0 : i32
      %dma_start3A_245 = tpu.memref_slice %arg20[%dma_start3A_243, %dma_start3A_244] : memref<72x128xf32, #tpu.memory_space<vmem>> -> memref<80x128xf32, #tpu.memory_space<vmem>>
      tpu.enqueue_dma source(%dma_start3A_245 : memref<80x128xf32, #tpu.memory_space<vmem>>) target(%dma_start3A_242 : memref<80x128xf32, #tpu.memory_space<vmem_shared>>) target_semaphore(%run_scoped3A : memref<!tpu.dma_semaphore, #tpu.memory_space<semaphore_mem>>)
      %dma_wait3A_246 = arith.constant 0 : i32
      %dma_wait3A_247 = arith.constant 0 : i32
      %dma_wait3A_248 = tpu.memref_slice %arg20[%dma_wait3A_246, %dma_wait3A_247] : memref<72x128xf32, #tpu.memory_space<vmem>> -> memref<80x128xf32, #tpu.memory_space<vmem>>
      %dma_wait3A_249 = arith.constant 0 : i32
      %dma_wait3A_250 = tpu.memref_slice %arg9[%add3A_6, %dma_wait3A_249] : memref<10240x128xf32, #tpu.memory_space<vmem_shared>> -> memref<80x128xf32, #tpu.memory_space<vmem_shared>>
      %dma_wait3A_251 = arith.constant 0 : i32
      %dma_wait3A_252 = tpu.memref_slice %arg9[%add3A_6, %dma_wait3A_251] : memref<10240x128xf32, #tpu.memory_space<vmem_shared>> -> memref<80x128xf32, #tpu.memory_space<vmem_shared>>
      %dma_wait3A_253 = arith.constant 0 : i32
      %dma_wait3A_254 = arith.constant 0 : i32
      %dma_wait3A_255 = tpu.memref_slice %arg20[%dma_wait3A_253, %dma_wait3A_254] : memref<72x128xf32, #tpu.memory_space<vmem>> -> memref<80x128xf32, #tpu.memory_space<vmem>>
      tpu.wait_dma2 semaphore(%run_scoped3A : memref<!tpu.dma_semaphore, #tpu.memory_space<semaphore_mem>>) src(%dma_wait3A_255 : memref<80x128xf32, #tpu.memory_space<vmem>>) dst(%dma_wait3A_252 : memref<80x128xf32, #tpu.memory_space<vmem_shared>>)
      tpu.yield
    }) : () -> ()
    %add3A_7 = arith.constant 80 : i32
    %add3A_8 = arith.addi %mul3A_0, %add3A_7 : i32
    "tpu.region"() ({
      %run_scoped3A = tpu.sem_alloc : memref<!tpu.dma_semaphore, #tpu.memory_space<semaphore_mem>>
      %dma_start3A_236 = arith.constant 0 : i32
      %dma_start3A_237 = arith.constant 0 : i32
      %dma_start3A_238 = tpu.memref_slice %arg20[%dma_start3A_236, %dma_start3A_237] : memref<72x128xf32, #tpu.memory_space<vmem>> -> memref<80x128xf32, #tpu.memory_space<vmem>>
      %dma_start3A_239 = arith.constant 0 : i32
      %dma_start3A_240 = tpu.memref_slice %arg9[%add3A_8, %dma_start3A_239] : memref<10240x128xf32, #tpu.memory_space<vmem_shared>> -> memref<80x128xf32, #tpu.memory_space<vmem_shared>>
      %dma_start3A_241 = arith.constant 0 : i32
      %dma_start3A_242 = tpu.memref_slice %arg9[%add3A_8, %dma_start3A_241] : memref<10240x128xf32, #tpu.memory_space<vmem_shared>> -> memref<80x128xf32, #tpu.memory_space<vmem_shared>>
      %dma_start3A_243 = arith.constant 0 : i32
      %dma_start3A_244 = arith.constant 0 : i32
      %dma_start3A_245 = tpu.memref_slice %arg20[%dma_start3A_243, %dma_start3A_244] : memref<72x128xf32, #tpu.memory_space<vmem>> -> memref<80x128xf32, #tpu.memory_space<vmem>>
      tpu.enqueue_dma source(%dma_start3A_245 : memref<80x128xf32, #tpu.memory_space<vmem>>) target(%dma_start3A_242 : memref<80x128xf32, #tpu.memory_space<vmem_shared>>) target_semaphore(%run_scoped3A : memref<!tpu.dma_semaphore, #tpu.memory_space<semaphore_mem>>)
      %dma_wait3A_246 = arith.constant 0 : i32
      %dma_wait3A_247 = arith.constant 0 : i32
      %dma_wait3A_248 = tpu.memref_slice %arg20[%dma_wait3A_246, %dma_wait3A_247] : memref<72x128xf32, #tpu.memory_space<vmem>> -> memref<80x128xf32, #tpu.memory_space<vmem>>
      %dma_wait3A_249 = arith.constant 0 : i32
      %dma_wait3A_250 = tpu.memref_slice %arg9[%add3A_8, %dma_wait3A_249] : memref<10240x128xf32, #tpu.memory_space<vmem_shared>> -> memref<80x128xf32, #tpu.memory_space<vmem_shared>>
      %dma_wait3A_251 = arith.constant 0 : i32
      %dma_wait3A_252 = tpu.memref_slice %arg9[%add3A_8, %dma_wait3A_251] : memref<10240x128xf32, #tpu.memory_space<vmem_shared>> -> memref<80x128xf32, #tpu.memory_space<vmem_shared>>
      %dma_wait3A_253 = arith.constant 0 : i32
      %dma_wait3A_254 = arith.constant 0 : i32
      %dma_wait3A_255 = tpu.memref_slice %arg20[%dma_wait3A_253, %dma_wait3A_254] : memref<72x128xf32, #tpu.memory_space<vmem>> -> memref<80x128xf32, #tpu.memory_space<vmem>>
      tpu.wait_dma2 semaphore(%run_scoped3A : memref<!tpu.dma_semaphore, #tpu.memory_space<semaphore_mem>>) src(%dma_wait3A_255 : memref<80x128xf32, #tpu.memory_space<vmem>>) dst(%dma_wait3A_252 : memref<80x128xf32, #tpu.memory_space<vmem_shared>>)
      tpu.yield
    }) : () -> ()
    %add3A_9 = arith.constant 160 : i32
    %add3A_10 = arith.addi %mul3A_0, %add3A_9 : i32
    "tpu.region"() ({
      %run_scoped3A = tpu.sem_alloc : memref<!tpu.dma_semaphore, #tpu.memory_space<semaphore_mem>>
      %dma_start3A_236 = arith.constant 0 : i32
      %dma_start3A_237 = arith.constant 0 : i32
      %dma_start3A_238 = tpu.memref_slice %arg20[%dma_start3A_236, %dma_start3A_237] : memref<72x128xf32, #tpu.memory_space<vmem>> -> memref<80x128xf32, #tpu.memory_space<vmem>>
      %dma_start3A_239 = arith.constant 0 : i32
      %dma_start3A_240 = tpu.memref_slice %arg9[%add3A_10, %dma_start3A_239] : memref<10240x128xf32, #tpu.memory_space<vmem_shared>> -> memref<80x128xf32, #tpu.memory_space<vmem_shared>>
      %dma_start3A_241 = arith.constant 0 : i32
      %dma_start3A_242 = tpu.memref_slice %arg9[%add3A_10, %dma_start3A_241] : memref<10240x128xf32, #tpu.memory_space<vmem_shared>> -> memref<80x128xf32, #tpu.memory_space<vmem_shared>>
      %dma_start3A_243 = arith.constant 0 : i32
      %dma_start3A_244 = arith.constant 0 : i32
      %dma_start3A_245 = tpu.memref_slice %arg20[%dma_start3A_243, %dma_start3A_244] : memref<72x128xf32, #tpu.memory_space<vmem>> -> memref<80x128xf32, #tpu.memory_space<vmem>>
      tpu.enqueue_dma source(%dma_start3A_245 : memref<80x128xf32, #tpu.memory_space<vmem>>) target(%dma_start3A_242 : memref<80x128xf32, #tpu.memory_space<vmem_shared>>) target_semaphore(%run_scoped3A : memref<!tpu.dma_semaphore, #tpu.memory_space<semaphore_mem>>)
      %dma_wait3A_246 = arith.constant 0 : i32
      %dma_wait3A_247 = arith.constant 0 : i32
      %dma_wait3A_248 = tpu.memref_slice %arg20[%dma_wait3A_246, %dma_wait3A_247] : memref<72x128xf32, #tpu.memory_space<vmem>> -> memref<80x128xf32, #tpu.memory_space<vmem>>
      %dma_wait3A_249 = arith.constant 0 : i32
      %dma_wait3A_250 = tpu.memref_slice %arg9[%add3A_10, %dma_wait3A_249] : memref<10240x128xf32, #tpu.memory_space<vmem_shared>> -> memref<80x128xf32, #tpu.memory_space<vmem_shared>>
      %dma_wait3A_251 = arith.constant 0 : i32
      %dma_wait3A_252 = tpu.memref_slice %arg9[%add3A_10, %dma_wait3A_251] : memref<10240x128xf32, #tpu.memory_space<vmem_shared>> -> memref<80x128xf32, #tpu.memory_space<vmem_shared>>
      %dma_wait3A_253 = arith.constant 0 : i32
      %dma_wait3A_254 = arith.constant 0 : i32
      %dma_wait3A_255 = tpu.memref_slice %arg20[%dma_wait3A_253, %dma_wait3A_254] : memref<72x128xf32, #tpu.memory_space<vmem>> -> memref<80x128xf32, #tpu.memory_space<vmem>>
      tpu.wait_dma2 semaphore(%run_scoped3A : memref<!tpu.dma_semaphore, #tpu.memory_space<semaphore_mem>>) src(%dma_wait3A_255 : memref<80x128xf32, #tpu.memory_space<vmem>>) dst(%dma_wait3A_252 : memref<80x128xf32, #tpu.memory_space<vmem_shared>>)
      tpu.yield
    }) : () -> ()
    %add3A_11 = arith.constant 240 : i32
    %add3A_12 = arith.addi %mul3A_0, %add3A_11 : i32
    "tpu.region"() ({
      %run_scoped3A = tpu.sem_alloc : memref<!tpu.dma_semaphore, #tpu.memory_space<semaphore_mem>>
      %dma_start3A_236 = arith.constant 0 : i32
      %dma_start3A_237 = arith.constant 0 : i32
      %dma_start3A_238 = tpu.memref_slice %arg20[%dma_start3A_236, %dma_start3A_237] : memref<72x128xf32, #tpu.memory_space<vmem>> -> memref<80x128xf32, #tpu.memory_space<vmem>>
      %dma_start3A_239 = arith.constant 0 : i32
      %dma_start3A_240 = tpu.memref_slice %arg9[%add3A_12, %dma_start3A_239] : memref<10240x128xf32, #tpu.memory_space<vmem_shared>> -> memref<80x128xf32, #tpu.memory_space<vmem_shared>>
      %dma_start3A_241 = arith.constant 0 : i32
      %dma_start3A_242 = tpu.memref_slice %arg9[%add3A_12, %dma_start3A_241] : memref<10240x128xf32, #tpu.memory_space<vmem_shared>> -> memref<80x128xf32, #tpu.memory_space<vmem_shared>>
      %dma_start3A_243 = arith.constant 0 : i32
      %dma_start3A_244 = arith.constant 0 : i32
      %dma_start3A_245 = tpu.memref_slice %arg20[%dma_start3A_243, %dma_start3A_244] : memref<72x128xf32, #tpu.memory_space<vmem>> -> memref<80x128xf32, #tpu.memory_space<vmem>>
      tpu.enqueue_dma source(%dma_start3A_245 : memref<80x128xf32, #tpu.memory_space<vmem>>) target(%dma_start3A_242 : memref<80x128xf32, #tpu.memory_space<vmem_shared>>) target_semaphore(%run_scoped3A : memref<!tpu.dma_semaphore, #tpu.memory_space<semaphore_mem>>)
      %dma_wait3A_246 = arith.constant 0 : i32
      %dma_wait3A_247 = arith.constant 0 : i32
      %dma_wait3A_248 = tpu.memref_slice %arg20[%dma_wait3A_246, %dma_wait3A_247] : memref<72x128xf32, #tpu.memory_space<vmem>> -> memref<80x128xf32, #tpu.memory_space<vmem>>
      %dma_wait3A_249 = arith.constant 0 : i32
      %dma_wait3A_250 = tpu.memref_slice %arg9[%add3A_12, %dma_wait3A_249] : memref<10240x128xf32, #tpu.memory_space<vmem_shared>> -> memref<80x128xf32, #tpu.memory_space<vmem_shared>>
      %dma_wait3A_251 = arith.constant 0 : i32
      %dma_wait3A_252 = tpu.memref_slice %arg9[%add3A_12, %dma_wait3A_251] : memref<10240x128xf32, #tpu.memory_space<vmem_shared>> -> memref<80x128xf32, #tpu.memory_space<vmem_shared>>
      %dma_wait3A_253 = arith.constant 0 : i32
      %dma_wait3A_254 = arith.constant 0 : i32
      %dma_wait3A_255 = tpu.memref_slice %arg20[%dma_wait3A_253, %dma_wait3A_254] : memref<72x128xf32, #tpu.memory_space<vmem>> -> memref<80x128xf32, #tpu.memory_space<vmem>>
      tpu.wait_dma2 semaphore(%run_scoped3A : memref<!tpu.dma_semaphore, #tpu.memory_space<semaphore_mem>>) src(%dma_wait3A_255 : memref<80x128xf32, #tpu.memory_space<vmem>>) dst(%dma_wait3A_252 : memref<80x128xf32, #tpu.memory_space<vmem_shared>>)
      tpu.yield
    }) : () -> ()
    %add3A_13 = arith.constant 320 : i32
    %add3A_14 = arith.addi %mul3A_0, %add3A_13 : i32
    "tpu.region"() ({
      %run_scoped3A = tpu.sem_alloc : memref<!tpu.dma_semaphore, #tpu.memory_space<semaphore_mem>>
      %dma_start3A_236 = arith.constant 0 : i32
      %dma_start3A_237 = arith.constant 0 : i32
      %dma_start3A_238 = tpu.memref_slice %arg20[%dma_start3A_236, %dma_start3A_237] : memref<72x128xf32, #tpu.memory_space<vmem>> -> memref<80x128xf32, #tpu.memory_space<vmem>>
      %dma_start3A_239 = arith.constant 0 : i32
      %dma_start3A_240 = tpu.memref_slice %arg9[%add3A_14, %dma_start3A_239] : memref<10240x128xf32, #tpu.memory_space<vmem_shared>> -> memref<80x128xf32, #tpu.memory_space<vmem_shared>>
      %dma_start3A_241 = arith.constant 0 : i32
      %dma_start3A_242 = tpu.memref_slice %arg9[%add3A_14, %dma_start3A_241] : memref<10240x128xf32, #tpu.memory_space<vmem_shared>> -> memref<80x128xf32, #tpu.memory_space<vmem_shared>>
      %dma_start3A_243 = arith.constant 0 : i32
      %dma_start3A_244 = arith.constant 0 : i32
      %dma_start3A_245 = tpu.memref_slice %arg20[%dma_start3A_243, %dma_start3A_244] : memref<72x128xf32, #tpu.memory_space<vmem>> -> memref<80x128xf32, #tpu.memory_space<vmem>>
      tpu.enqueue_dma source(%dma_start3A_245 : memref<80x128xf32, #tpu.memory_space<vmem>>) target(%dma_start3A_242 : memref<80x128xf32, #tpu.memory_space<vmem_shared>>) target_semaphore(%run_scoped3A : memref<!tpu.dma_semaphore, #tpu.memory_space<semaphore_mem>>)
      %dma_wait3A_246 = arith.constant 0 : i32
      %dma_wait3A_247 = arith.constant 0 : i32
      %dma_wait3A_248 = tpu.memref_slice %arg20[%dma_wait3A_246, %dma_wait3A_247] : memref<72x128xf32, #tpu.memory_space<vmem>> -> memref<80x128xf32, #tpu.memory_space<vmem>>
      %dma_wait3A_249 = arith.constant 0 : i32
      %dma_wait3A_250 = tpu.memref_slice %arg9[%add3A_14, %dma_wait3A_249] : memref<10240x128xf32, #tpu.memory_space<vmem_shared>> -> memref<80x128xf32, #tpu.memory_space<vmem_shared>>
      %dma_wait3A_251 = arith.constant 0 : i32
      %dma_wait3A_252 = tpu.memref_slice %arg9[%add3A_14, %dma_wait3A_251] : memref<10240x128xf32, #tpu.memory_space<vmem_shared>> -> memref<80x128xf32, #tpu.memory_space<vmem_shared>>
      %dma_wait3A_253 = arith.constant 0 : i32
      %dma_wait3A_254 = arith.constant 0 : i32
      %dma_wait3A_255 = tpu.memref_slice %arg20[%dma_wait3A_253, %dma_wait3A_254] : memref<72x128xf32, #tpu.memory_space<vmem>> -> memref<80x128xf32, #tpu.memory_space<vmem>>
      tpu.wait_dma2 semaphore(%run_scoped3A : memref<!tpu.dma_semaphore, #tpu.memory_space<semaphore_mem>>) src(%dma_wait3A_255 : memref<80x128xf32, #tpu.memory_space<vmem>>) dst(%dma_wait3A_252 : memref<80x128xf32, #tpu.memory_space<vmem_shared>>)
      tpu.yield
    }) : () -> ()
    %add3A_15 = arith.constant 400 : i32
    %add3A_16 = arith.addi %mul3A_0, %add3A_15 : i32
    "tpu.region"() ({
      %run_scoped3A = tpu.sem_alloc : memref<!tpu.dma_semaphore, #tpu.memory_space<semaphore_mem>>
      %dma_start3A_236 = arith.constant 0 : i32
      %dma_start3A_237 = arith.constant 0 : i32
      %dma_start3A_238 = tpu.memref_slice %arg20[%dma_start3A_236, %dma_start3A_237] : memref<72x128xf32, #tpu.memory_space<vmem>> -> memref<80x128xf32, #tpu.memory_space<vmem>>
      %dma_start3A_239 = arith.constant 0 : i32
      %dma_start3A_240 = tpu.memref_slice %arg9[%add3A_16, %dma_start3A_239] : memref<10240x128xf32, #tpu.memory_space<vmem_shared>> -> memref<80x128xf32, #tpu.memory_space<vmem_shared>>
      %dma_start3A_241 = arith.constant 0 : i32
      %dma_start3A_242 = tpu.memref_slice %arg9[%add3A_16, %dma_start3A_241] : memref<10240x128xf32, #tpu.memory_space<vmem_shared>> -> memref<80x128xf32, #tpu.memory_space<vmem_shared>>
      %dma_start3A_243 = arith.constant 0 : i32
      %dma_start3A_244 = arith.constant 0 : i32
      %dma_start3A_245 = tpu.memref_slice %arg20[%dma_start3A_243, %dma_start3A_244] : memref<72x128xf32, #tpu.memory_space<vmem>> -> memref<80x128xf32, #tpu.memory_space<vmem>>
      tpu.enqueue_dma source(%dma_start3A_245 : memref<80x128xf32, #tpu.memory_space<vmem>>) target(%dma_start3A_242 : memref<80x128xf32, #tpu.memory_space<vmem_shared>>) target_semaphore(%run_scoped3A : memref<!tpu.dma_semaphore, #tpu.memory_space<semaphore_mem>>)
      %dma_wait3A_246 = arith.constant 0 : i32
      %dma_wait3A_247 = arith.constant 0 : i32
      %dma_wait3A_248 = tpu.memref_slice %arg20[%dma_wait3A_246, %dma_wait3A_247] : memref<72x128xf32, #tpu.memory_space<vmem>> -> memref<80x128xf32, #tpu.memory_space<vmem>>
      %dma_wait3A_249 = arith.constant 0 : i32
      %dma_wait3A_250 = tpu.memref_slice %arg9[%add3A_16, %dma_wait3A_249] : memref<10240x128xf32, #tpu.memory_space<vmem_shared>> -> memref<80x128xf32, #tpu.memory_space<vmem_shared>>
      %dma_wait3A_251 = arith.constant 0 : i32
      %dma_wait3A_252 = tpu.memref_slice %arg9[%add3A_16, %dma_wait3A_251] : memref<10240x128xf32, #tpu.memory_space<vmem_shared>> -> memref<80x128xf32, #tpu.memory_space<vmem_shared>>
      %dma_wait3A_253 = arith.constant 0 : i32
      %dma_wait3A_254 = arith.constant 0 : i32
      %dma_wait3A_255 = tpu.memref_slice %arg20[%dma_wait3A_253, %dma_wait3A_254] : memref<72x128xf32, #tpu.memory_space<vmem>> -> memref<80x128xf32, #tpu.memory_space<vmem>>
      tpu.wait_dma2 semaphore(%run_scoped3A : memref<!tpu.dma_semaphore, #tpu.memory_space<semaphore_mem>>) src(%dma_wait3A_255 : memref<80x128xf32, #tpu.memory_space<vmem>>) dst(%dma_wait3A_252 : memref<80x128xf32, #tpu.memory_space<vmem_shared>>)
      tpu.yield
    }) : () -> ()
    %add3A_17 = arith.constant 480 : i32
    %add3A_18 = arith.addi %mul3A_0, %add3A_17 : i32
    "tpu.region"() ({
      %run_scoped3A = tpu.sem_alloc : memref<!tpu.dma_semaphore, #tpu.memory_space<semaphore_mem>>
      %dma_start3A_236 = arith.constant 0 : i32
      %dma_start3A_237 = arith.constant 0 : i32
      %dma_start3A_238 = tpu.memref_slice %arg20[%dma_start3A_236, %dma_start3A_237] : memref<72x128xf32, #tpu.memory_space<vmem>> -> memref<80x128xf32, #tpu.memory_space<vmem>>
      %dma_start3A_239 = arith.constant 0 : i32
      %dma_start3A_240 = tpu.memref_slice %arg9[%add3A_18, %dma_start3A_239] : memref<10240x128xf32, #tpu.memory_space<vmem_shared>> -> memref<80x128xf32, #tpu.memory_space<vmem_shared>>
      %dma_start3A_241 = arith.constant 0 : i32
      %dma_start3A_242 = tpu.memref_slice %arg9[%add3A_18, %dma_start3A_241] : memref<10240x128xf32, #tpu.memory_space<vmem_shared>> -> memref<80x128xf32, #tpu.memory_space<vmem_shared>>
      %dma_start3A_243 = arith.constant 0 : i32
      %dma_start3A_244 = arith.constant 0 : i32
      %dma_start3A_245 = tpu.memref_slice %arg20[%dma_start3A_243, %dma_start3A_244] : memref<72x128xf32, #tpu.memory_space<vmem>> -> memref<80x128xf32, #tpu.memory_space<vmem>>
      tpu.enqueue_dma source(%dma_start3A_245 : memref<80x128xf32, #tpu.memory_space<vmem>>) target(%dma_start3A_242 : memref<80x128xf32, #tpu.memory_space<vmem_shared>>) target_semaphore(%run_scoped3A : memref<!tpu.dma_semaphore, #tpu.memory_space<semaphore_mem>>)
      %dma_wait3A_246 = arith.constant 0 : i32
      %dma_wait3A_247 = arith.constant 0 : i32
      %dma_wait3A_248 = tpu.memref_slice %arg20[%dma_wait3A_246, %dma_wait3A_247] : memref<72x128xf32, #tpu.memory_space<vmem>> -> memref<80x128xf32, #tpu.memory_space<vmem>>
      %dma_wait3A_249 = arith.constant 0 : i32
      %dma_wait3A_250 = tpu.memref_slice %arg9[%add3A_18, %dma_wait3A_249] : memref<10240x128xf32, #tpu.memory_space<vmem_shared>> -> memref<80x128xf32, #tpu.memory_space<vmem_shared>>
      %dma_wait3A_251 = arith.constant 0 : i32
      %dma_wait3A_252 = tpu.memref_slice %arg9[%add3A_18, %dma_wait3A_251] : memref<10240x128xf32, #tpu.memory_space<vmem_shared>> -> memref<80x128xf32, #tpu.memory_space<vmem_shared>>
      %dma_wait3A_253 = arith.constant 0 : i32
      %dma_wait3A_254 = arith.constant 0 : i32
      %dma_wait3A_255 = tpu.memref_slice %arg20[%dma_wait3A_253, %dma_wait3A_254] : memref<72x128xf32, #tpu.memory_space<vmem>> -> memref<80x128xf32, #tpu.memory_space<vmem>>
      tpu.wait_dma2 semaphore(%run_scoped3A : memref<!tpu.dma_semaphore, #tpu.memory_space<semaphore_mem>>) src(%dma_wait3A_255 : memref<80x128xf32, #tpu.memory_space<vmem>>) dst(%dma_wait3A_252 : memref<80x128xf32, #tpu.memory_space<vmem_shared>>)
      tpu.yield
    }) : () -> ()
    %add3A_19 = arith.constant 560 : i32
    %add3A_20 = arith.addi %mul3A_0, %add3A_19 : i32
    "tpu.region"() ({
      %run_scoped3A = tpu.sem_alloc : memref<!tpu.dma_semaphore, #tpu.memory_space<semaphore_mem>>
      %dma_start3A_236 = arith.constant 0 : i32
      %dma_start3A_237 = arith.constant 0 : i32
      %dma_start3A_238 = tpu.memref_slice %arg20[%dma_start3A_236, %dma_start3A_237] : memref<72x128xf32, #tpu.memory_space<vmem>> -> memref<80x128xf32, #tpu.memory_space<vmem>>
      %dma_start3A_239 = arith.constant 0 : i32
      %dma_start3A_240 = tpu.memref_slice %arg9[%add3A_20, %dma_start3A_239] : memref<10240x128xf32, #tpu.memory_space<vmem_shared>> -> memref<80x128xf32, #tpu.memory_space<vmem_shared>>
      %dma_start3A_241 = arith.constant 0 : i32
      %dma_start3A_242 = tpu.memref_slice %arg9[%add3A_20, %dma_start3A_241] : memref<10240x128xf32, #tpu.memory_space<vmem_shared>> -> memref<80x128xf32, #tpu.memory_space<vmem_shared>>
      %dma_start3A_243 = arith.constant 0 : i32
      %dma_start3A_244 = arith.constant 0 : i32
      %dma_start3A_245 = tpu.memref_slice %arg20[%dma_start3A_243, %dma_start3A_244] : memref<72x128xf32, #tpu.memory_space<vmem>> -> memref<80x128xf32, #tpu.memory_space<vmem>>
      tpu.enqueue_dma source(%dma_start3A_245 : memref<80x128xf32, #tpu.memory_space<vmem>>) target(%dma_start3A_242 : memref<80x128xf32, #tpu.memory_space<vmem_shared>>) target_semaphore(%run_scoped3A : memref<!tpu.dma_semaphore, #tpu.memory_space<semaphore_mem>>)
      %dma_wait3A_246 = arith.constant 0 : i32
      %dma_wait3A_247 = arith.constant 0 : i32
      %dma_wait3A_248 = tpu.memref_slice %arg20[%dma_wait3A_246, %dma_wait3A_247] : memref<72x128xf32, #tpu.memory_space<vmem>> -> memref<80x128xf32, #tpu.memory_space<vmem>>
      %dma_wait3A_249 = arith.constant 0 : i32
      %dma_wait3A_250 = tpu.memref_slice %arg9[%add3A_20, %dma_wait3A_249] : memref<10240x128xf32, #tpu.memory_space<vmem_shared>> -> memref<80x128xf32, #tpu.memory_space<vmem_shared>>
      %dma_wait3A_251 = arith.constant 0 : i32
      %dma_wait3A_252 = tpu.memref_slice %arg9[%add3A_20, %dma_wait3A_251] : memref<10240x128xf32, #tpu.memory_space<vmem_shared>> -> memref<80x128xf32, #tpu.memory_space<vmem_shared>>
      %dma_wait3A_253 = arith.constant 0 : i32
      %dma_wait3A_254 = arith.constant 0 : i32
      %dma_wait3A_255 = tpu.memref_slice %arg20[%dma_wait3A_253, %dma_wait3A_254] : memref<72x128xf32, #tpu.memory_space<vmem>> -> memref<80x128xf32, #tpu.memory_space<vmem>>
      tpu.wait_dma2 semaphore(%run_scoped3A : memref<!tpu.dma_semaphore, #tpu.memory_space<semaphore_mem>>) src(%dma_wait3A_255 : memref<80x128xf32, #tpu.memory_space<vmem>>) dst(%dma_wait3A_252 : memref<80x128xf32, #tpu.memory_space<vmem_shared>>)
      tpu.yield
    }) : () -> ()
    %barrier3A = arith.constant 0 : index
    tpu.barrier barrier_id(%barrier3A)
    %add3A_21 = arith.constant 0 : i32
    %add3A_22 = arith.addi %add3A, %add3A_21 : i32
    %dma_start3A = tpu.memref_slice %arg3[%add3A_22] : memref<645120xi32, #tpu.memory_space<hbm>> -> memref<72xi32, #tpu.memory_space<hbm>>
    %dma_start3A_23 = tpu.memref_slice %arg3[%add3A_22] : memref<645120xi32, #tpu.memory_space<hbm>> -> memref<72xi32, #tpu.memory_space<hbm>>
    tpu.enqueue_dma source(%dma_start3A_23 : memref<72xi32, #tpu.memory_space<hbm>>) target(%arg10 : memref<72xi32, #tpu.memory_space<vmem>>) target_semaphore(%arg35 : memref<!tpu.dma_semaphore, #tpu.memory_space<semaphore_mem>>)
    %dma_start3A_24 = tpu.memref_slice %arg4[%add3A_22] : memref<645120xi32, #tpu.memory_space<hbm>> -> memref<72xi32, #tpu.memory_space<hbm>>
    %dma_start3A_25 = tpu.memref_slice %arg4[%add3A_22] : memref<645120xi32, #tpu.memory_space<hbm>> -> memref<72xi32, #tpu.memory_space<hbm>>
    tpu.enqueue_dma source(%dma_start3A_25 : memref<72xi32, #tpu.memory_space<hbm>>) target(%arg15 : memref<72xi32, #tpu.memory_space<vmem>>) target_semaphore(%arg40 : memref<!tpu.dma_semaphore, #tpu.memory_space<semaphore_mem>>)
    %add3A_26 = arith.constant 72 : i32
    %add3A_27 = arith.addi %add3A, %add3A_26 : i32
    %dma_start3A_28 = tpu.memref_slice %arg3[%add3A_27] : memref<645120xi32, #tpu.memory_space<hbm>> -> memref<72xi32, #tpu.memory_space<hbm>>
    %dma_start3A_29 = tpu.memref_slice %arg3[%add3A_27] : memref<645120xi32, #tpu.memory_space<hbm>> -> memref<72xi32, #tpu.memory_space<hbm>>
    tpu.enqueue_dma source(%dma_start3A_29 : memref<72xi32, #tpu.memory_space<hbm>>) target(%arg11 : memref<72xi32, #tpu.memory_space<vmem>>) target_semaphore(%arg36 : memref<!tpu.dma_semaphore, #tpu.memory_space<semaphore_mem>>)
    %dma_start3A_30 = tpu.memref_slice %arg4[%add3A_27] : memref<645120xi32, #tpu.memory_space<hbm>> -> memref<72xi32, #tpu.memory_space<hbm>>
    %dma_start3A_31 = tpu.memref_slice %arg4[%add3A_27] : memref<645120xi32, #tpu.memory_space<hbm>> -> memref<72xi32, #tpu.memory_space<hbm>>
    tpu.enqueue_dma source(%dma_start3A_31 : memref<72xi32, #tpu.memory_space<hbm>>) target(%arg16 : memref<72xi32, #tpu.memory_space<vmem>>) target_semaphore(%arg41 : memref<!tpu.dma_semaphore, #tpu.memory_space<semaphore_mem>>)
    %add3A_32 = arith.constant 144 : i32
    %add3A_33 = arith.addi %add3A, %add3A_32 : i32
    %dma_start3A_34 = tpu.memref_slice %arg3[%add3A_33] : memref<645120xi32, #tpu.memory_space<hbm>> -> memref<72xi32, #tpu.memory_space<hbm>>
    %dma_start3A_35 = tpu.memref_slice %arg3[%add3A_33] : memref<645120xi32, #tpu.memory_space<hbm>> -> memref<72xi32, #tpu.memory_space<hbm>>
    tpu.enqueue_dma source(%dma_start3A_35 : memref<72xi32, #tpu.memory_space<hbm>>) target(%arg12 : memref<72xi32, #tpu.memory_space<vmem>>) target_semaphore(%arg37 : memref<!tpu.dma_semaphore, #tpu.memory_space<semaphore_mem>>)
    %dma_start3A_36 = tpu.memref_slice %arg4[%add3A_33] : memref<645120xi32, #tpu.memory_space<hbm>> -> memref<72xi32, #tpu.memory_space<hbm>>
    %dma_start3A_37 = tpu.memref_slice %arg4[%add3A_33] : memref<645120xi32, #tpu.memory_space<hbm>> -> memref<72xi32, #tpu.memory_space<hbm>>
    tpu.enqueue_dma source(%dma_start3A_37 : memref<72xi32, #tpu.memory_space<hbm>>) target(%arg17 : memref<72xi32, #tpu.memory_space<vmem>>) target_semaphore(%arg42 : memref<!tpu.dma_semaphore, #tpu.memory_space<semaphore_mem>>)
    %add3A_38 = arith.constant 216 : i32
    %add3A_39 = arith.addi %add3A, %add3A_38 : i32
    %dma_start3A_40 = tpu.memref_slice %arg3[%add3A_39] : memref<645120xi32, #tpu.memory_space<hbm>> -> memref<72xi32, #tpu.memory_space<hbm>>
    %dma_start3A_41 = tpu.memref_slice %arg3[%add3A_39] : memref<645120xi32, #tpu.memory_space<hbm>> -> memref<72xi32, #tpu.memory_space<hbm>>
    tpu.enqueue_dma source(%dma_start3A_41 : memref<72xi32, #tpu.memory_space<hbm>>) target(%arg13 : memref<72xi32, #tpu.memory_space<vmem>>) target_semaphore(%arg38 : memref<!tpu.dma_semaphore, #tpu.memory_space<semaphore_mem>>)
    %dma_start3A_42 = tpu.memref_slice %arg4[%add3A_39] : memref<645120xi32, #tpu.memory_space<hbm>> -> memref<72xi32, #tpu.memory_space<hbm>>
    %dma_start3A_43 = tpu.memref_slice %arg4[%add3A_39] : memref<645120xi32, #tpu.memory_space<hbm>> -> memref<72xi32, #tpu.memory_space<hbm>>
    tpu.enqueue_dma source(%dma_start3A_43 : memref<72xi32, #tpu.memory_space<hbm>>) target(%arg18 : memref<72xi32, #tpu.memory_space<vmem>>) target_semaphore(%arg43 : memref<!tpu.dma_semaphore, #tpu.memory_space<semaphore_mem>>)
    %add3A_44 = arith.constant 288 : i32
    %add3A_45 = arith.addi %add3A, %add3A_44 : i32
    %dma_start3A_46 = tpu.memref_slice %arg3[%add3A_45] : memref<645120xi32, #tpu.memory_space<hbm>> -> memref<72xi32, #tpu.memory_space<hbm>>
    %dma_start3A_47 = tpu.memref_slice %arg3[%add3A_45] : memref<645120xi32, #tpu.memory_space<hbm>> -> memref<72xi32, #tpu.memory_space<hbm>>
    tpu.enqueue_dma source(%dma_start3A_47 : memref<72xi32, #tpu.memory_space<hbm>>) target(%arg14 : memref<72xi32, #tpu.memory_space<vmem>>) target_semaphore(%arg39 : memref<!tpu.dma_semaphore, #tpu.memory_space<semaphore_mem>>)
    %dma_start3A_48 = tpu.memref_slice %arg4[%add3A_45] : memref<645120xi32, #tpu.memory_space<hbm>> -> memref<72xi32, #tpu.memory_space<hbm>>
    %dma_start3A_49 = tpu.memref_slice %arg4[%add3A_45] : memref<645120xi32, #tpu.memory_space<hbm>> -> memref<72xi32, #tpu.memory_space<hbm>>
    tpu.enqueue_dma source(%dma_start3A_49 : memref<72xi32, #tpu.memory_space<hbm>>) target(%arg19 : memref<72xi32, #tpu.memory_space<vmem>>) target_semaphore(%arg44 : memref<!tpu.dma_semaphore, #tpu.memory_space<semaphore_mem>>)
    %dma_wait3A = tpu.memref_slice %arg3[%add3A] : memref<645120xi32, #tpu.memory_space<hbm>> -> memref<72xi32, #tpu.memory_space<hbm>>
    %dma_wait3A_50 = tpu.memref_slice %arg3[%add3A] : memref<645120xi32, #tpu.memory_space<hbm>> -> memref<72xi32, #tpu.memory_space<hbm>>
    tpu.wait_dma2 semaphore(%arg35 : memref<!tpu.dma_semaphore, #tpu.memory_space<semaphore_mem>>) src(%dma_wait3A_50 : memref<72xi32, #tpu.memory_space<hbm>>) dst(%arg10 : memref<72xi32, #tpu.memory_space<vmem>>)
    %dma_start3A_51 = arith.constant 0 : i32
    %dma_start3A_52 = arith.constant 0 : i32
    %dma_start3A_53 = tpu.memref_slice %arg2[%dma_start3A_51, %dma_start3A_52] : memref<20144x128xf32, #tpu.memory_space<hbm>> -> memref<20144x128xf32, #tpu.memory_space<hbm>>
    tpu.enqueue_indirect_dma source(%dma_start3A_53 : memref<20144x128xf32, #tpu.memory_space<hbm>>) target(%arg20 : memref<72x128xf32, #tpu.memory_space<vmem>>) offsets(%arg10 : memref<72xi32, #tpu.memory_space<vmem>>) semaphore(%arg25 : memref<!tpu.dma_semaphore, #tpu.memory_space<semaphore_mem>>)
    %dma_wait3A_54 = tpu.memref_slice %arg3[%add3A] : memref<645120xi32, #tpu.memory_space<hbm>> -> memref<72xi32, #tpu.memory_space<hbm>>
    %dma_wait3A_55 = tpu.memref_slice %arg3[%add3A] : memref<645120xi32, #tpu.memory_space<hbm>> -> memref<72xi32, #tpu.memory_space<hbm>>
    tpu.wait_dma2 semaphore(%arg36 : memref<!tpu.dma_semaphore, #tpu.memory_space<semaphore_mem>>) src(%dma_wait3A_55 : memref<72xi32, #tpu.memory_space<hbm>>) dst(%arg11 : memref<72xi32, #tpu.memory_space<vmem>>)
    %dma_start3A_56 = arith.constant 0 : i32
    %dma_start3A_57 = arith.constant 0 : i32
    %dma_start3A_58 = tpu.memref_slice %arg2[%dma_start3A_56, %dma_start3A_57] : memref<20144x128xf32, #tpu.memory_space<hbm>> -> memref<20144x128xf32, #tpu.memory_space<hbm>>
    tpu.enqueue_indirect_dma source(%dma_start3A_58 : memref<20144x128xf32, #tpu.memory_space<hbm>>) target(%arg21 : memref<72x128xf32, #tpu.memory_space<vmem>>) offsets(%arg11 : memref<72xi32, #tpu.memory_space<vmem>>) semaphore(%arg26 : memref<!tpu.dma_semaphore, #tpu.memory_space<semaphore_mem>>)
    %dma_wait3A_59 = tpu.memref_slice %arg3[%add3A] : memref<645120xi32, #tpu.memory_space<hbm>> -> memref<72xi32, #tpu.memory_space<hbm>>
    %dma_wait3A_60 = tpu.memref_slice %arg3[%add3A] : memref<645120xi32, #tpu.memory_space<hbm>> -> memref<72xi32, #tpu.memory_space<hbm>>
    tpu.wait_dma2 semaphore(%arg37 : memref<!tpu.dma_semaphore, #tpu.memory_space<semaphore_mem>>) src(%dma_wait3A_60 : memref<72xi32, #tpu.memory_space<hbm>>) dst(%arg12 : memref<72xi32, #tpu.memory_space<vmem>>)
    %dma_start3A_61 = arith.constant 0 : i32
    %dma_start3A_62 = arith.constant 0 : i32
    %dma_start3A_63 = tpu.memref_slice %arg2[%dma_start3A_61, %dma_start3A_62] : memref<20144x128xf32, #tpu.memory_space<hbm>> -> memref<20144x128xf32, #tpu.memory_space<hbm>>
    tpu.enqueue_indirect_dma source(%dma_start3A_63 : memref<20144x128xf32, #tpu.memory_space<hbm>>) target(%arg22 : memref<72x128xf32, #tpu.memory_space<vmem>>) offsets(%arg12 : memref<72xi32, #tpu.memory_space<vmem>>) semaphore(%arg27 : memref<!tpu.dma_semaphore, #tpu.memory_space<semaphore_mem>>)
    %dma_wait3A_64 = tpu.memref_slice %arg3[%add3A] : memref<645120xi32, #tpu.memory_space<hbm>> -> memref<72xi32, #tpu.memory_space<hbm>>
    %dma_wait3A_65 = tpu.memref_slice %arg3[%add3A] : memref<645120xi32, #tpu.memory_space<hbm>> -> memref<72xi32, #tpu.memory_space<hbm>>
    tpu.wait_dma2 semaphore(%arg38 : memref<!tpu.dma_semaphore, #tpu.memory_space<semaphore_mem>>) src(%dma_wait3A_65 : memref<72xi32, #tpu.memory_space<hbm>>) dst(%arg13 : memref<72xi32, #tpu.memory_space<vmem>>)
    %dma_start3A_66 = arith.constant 0 : i32
    %dma_start3A_67 = arith.constant 0 : i32
    %dma_start3A_68 = tpu.memref_slice %arg2[%dma_start3A_66, %dma_start3A_67] : memref<20144x128xf32, #tpu.memory_space<hbm>> -> memref<20144x128xf32, #tpu.memory_space<hbm>>
    tpu.enqueue_indirect_dma source(%dma_start3A_68 : memref<20144x128xf32, #tpu.memory_space<hbm>>) target(%arg23 : memref<72x128xf32, #tpu.memory_space<vmem>>) offsets(%arg13 : memref<72xi32, #tpu.memory_space<vmem>>) semaphore(%arg28 : memref<!tpu.dma_semaphore, #tpu.memory_space<semaphore_mem>>)
    %dma_wait3A_69 = tpu.memref_slice %arg3[%add3A] : memref<645120xi32, #tpu.memory_space<hbm>> -> memref<72xi32, #tpu.memory_space<hbm>>
    %dma_wait3A_70 = tpu.memref_slice %arg3[%add3A] : memref<645120xi32, #tpu.memory_space<hbm>> -> memref<72xi32, #tpu.memory_space<hbm>>
    tpu.wait_dma2 semaphore(%arg39 : memref<!tpu.dma_semaphore, #tpu.memory_space<semaphore_mem>>) src(%dma_wait3A_70 : memref<72xi32, #tpu.memory_space<hbm>>) dst(%arg14 : memref<72xi32, #tpu.memory_space<vmem>>)
    %dma_start3A_71 = arith.constant 0 : i32
    %dma_start3A_72 = arith.constant 0 : i32
    %dma_start3A_73 = tpu.memref_slice %arg2[%dma_start3A_71, %dma_start3A_72] : memref<20144x128xf32, #tpu.memory_space<hbm>> -> memref<20144x128xf32, #tpu.memory_space<hbm>>
    tpu.enqueue_indirect_dma source(%dma_start3A_73 : memref<20144x128xf32, #tpu.memory_space<hbm>>) target(%arg24 : memref<72x128xf32, #tpu.memory_space<vmem>>) offsets(%arg14 : memref<72xi32, #tpu.memory_space<vmem>>) semaphore(%arg29 : memref<!tpu.dma_semaphore, #tpu.memory_space<semaphore_mem>>)
    %scan3A = arith.constant 0 : i32
    %scan3A_74 = arith.constant 0 : i32
    %scan3A_75 = arith.constant 55 : i32
    %scan3A_76 = arith.addi %scan3A_74, %scan3A_75 : i32
    %scan3A_77 = arith.constant 1 : i32
    scf.for %scan3A_236 = %scan3A_74 to %scan3A_76 step %scan3A_77  : i32 {
      %mul3A_237 = arith.constant 5 : i32
      %mul3A_238 = arith.muli %scan3A_236, %mul3A_237 : i32
      %dma_wait3A_239 = arith.constant 0 : i32
      %dma_wait3A_240 = arith.constant 0 : i32
      %dma_wait3A_241 = tpu.memref_slice %arg2[%dma_wait3A_239, %dma_wait3A_240] : memref<20144x128xf32, #tpu.memory_space<hbm>> -> memref<20144x128xf32, #tpu.memory_space<hbm>>
      tpu.wait_indirect_dma semaphore(%arg25 : memref<!tpu.dma_semaphore, #tpu.memory_space<semaphore_mem>>) src(%dma_wait3A_241 : memref<20144x128xf32, #tpu.memory_space<hbm>>) dst(%arg20 : memref<72x128xf32, #tpu.memory_space<vmem>>)
      %dma_wait3A_242 = tpu.memref_slice %arg4[%add3A] : memref<645120xi32, #tpu.memory_space<hbm>> -> memref<72xi32, #tpu.memory_space<hbm>>
      %dma_wait3A_243 = tpu.memref_slice %arg4[%add3A] : memref<645120xi32, #tpu.memory_space<hbm>> -> memref<72xi32, #tpu.memory_space<hbm>>
      tpu.wait_dma2 semaphore(%arg40 : memref<!tpu.dma_semaphore, #tpu.memory_space<semaphore_mem>>) src(%dma_wait3A_243 : memref<72xi32, #tpu.memory_space<hbm>>) dst(%arg15 : memref<72xi32, #tpu.memory_space<vmem>>)
      %dma_start3A_244 = arith.constant 0 : i32
      %dma_start3A_245 = arith.constant 0 : i32
      %dma_start3A_246 = tpu.memref_slice %arg9[%dma_start3A_244, %dma_start3A_245] : memref<10240x128xf32, #tpu.memory_space<vmem_shared>> -> memref<10240x128xf32, #tpu.memory_space<vmem_shared>>
      tpu.enqueue_indirect_dma source(%arg20 : memref<72x128xf32, #tpu.memory_space<vmem>>) target(%dma_start3A_246 : memref<10240x128xf32, #tpu.memory_space<vmem_shared>>) offsets(%arg15 : memref<72xi32, #tpu.memory_space<vmem>>) semaphore(%arg30 : memref<!tpu.dma_semaphore, #tpu.memory_space<semaphore_mem>>) {add = true}
      %dma_wait3A_247 = arith.constant 0 : i32
      %dma_wait3A_248 = arith.constant 0 : i32
      %dma_wait3A_249 = tpu.memref_slice %arg2[%dma_wait3A_247, %dma_wait3A_248] : memref<20144x128xf32, #tpu.memory_space<hbm>> -> memref<20144x128xf32, #tpu.memory_space<hbm>>
      tpu.wait_indirect_dma semaphore(%arg26 : memref<!tpu.dma_semaphore, #tpu.memory_space<semaphore_mem>>) src(%dma_wait3A_249 : memref<20144x128xf32, #tpu.memory_space<hbm>>) dst(%arg21 : memref<72x128xf32, #tpu.memory_space<vmem>>)
      %dma_wait3A_250 = tpu.memref_slice %arg4[%add3A] : memref<645120xi32, #tpu.memory_space<hbm>> -> memref<72xi32, #tpu.memory_space<hbm>>
      %dma_wait3A_251 = tpu.memref_slice %arg4[%add3A] : memref<645120xi32, #tpu.memory_space<hbm>> -> memref<72xi32, #tpu.memory_space<hbm>>
      tpu.wait_dma2 semaphore(%arg41 : memref<!tpu.dma_semaphore, #tpu.memory_space<semaphore_mem>>) src(%dma_wait3A_251 : memref<72xi32, #tpu.memory_space<hbm>>) dst(%arg16 : memref<72xi32, #tpu.memory_space<vmem>>)
      %dma_start3A_252 = arith.constant 0 : i32
      %dma_start3A_253 = arith.constant 0 : i32
      %dma_start3A_254 = tpu.memref_slice %arg9[%dma_start3A_252, %dma_start3A_253] : memref<10240x128xf32, #tpu.memory_space<vmem_shared>> -> memref<10240x128xf32, #tpu.memory_space<vmem_shared>>
      tpu.enqueue_indirect_dma source(%arg21 : memref<72x128xf32, #tpu.memory_space<vmem>>) target(%dma_start3A_254 : memref<10240x128xf32, #tpu.memory_space<vmem_shared>>) offsets(%arg16 : memref<72xi32, #tpu.memory_space<vmem>>) semaphore(%arg31 : memref<!tpu.dma_semaphore, #tpu.memory_space<semaphore_mem>>) {add = true}
      %dma_wait3A_255 = arith.constant 0 : i32
      %dma_wait3A_256 = arith.constant 0 : i32
      %dma_wait3A_257 = tpu.memref_slice %arg2[%dma_wait3A_255, %dma_wait3A_256] : memref<20144x128xf32, #tpu.memory_space<hbm>> -> memref<20144x128xf32, #tpu.memory_space<hbm>>
      tpu.wait_indirect_dma semaphore(%arg27 : memref<!tpu.dma_semaphore, #tpu.memory_space<semaphore_mem>>) src(%dma_wait3A_257 : memref<20144x128xf32, #tpu.memory_space<hbm>>) dst(%arg22 : memref<72x128xf32, #tpu.memory_space<vmem>>)
      %dma_wait3A_258 = tpu.memref_slice %arg4[%add3A] : memref<645120xi32, #tpu.memory_space<hbm>> -> memref<72xi32, #tpu.memory_space<hbm>>
      %dma_wait3A_259 = tpu.memref_slice %arg4[%add3A] : memref<645120xi32, #tpu.memory_space<hbm>> -> memref<72xi32, #tpu.memory_space<hbm>>
      tpu.wait_dma2 semaphore(%arg42 : memref<!tpu.dma_semaphore, #tpu.memory_space<semaphore_mem>>) src(%dma_wait3A_259 : memref<72xi32, #tpu.memory_space<hbm>>) dst(%arg17 : memref<72xi32, #tpu.memory_space<vmem>>)
      %dma_start3A_260 = arith.constant 0 : i32
      %dma_start3A_261 = arith.constant 0 : i32
      %dma_start3A_262 = tpu.memref_slice %arg9[%dma_start3A_260, %dma_start3A_261] : memref<10240x128xf32, #tpu.memory_space<vmem_shared>> -> memref<10240x128xf32, #tpu.memory_space<vmem_shared>>
      tpu.enqueue_indirect_dma source(%arg22 : memref<72x128xf32, #tpu.memory_space<vmem>>) target(%dma_start3A_262 : memref<10240x128xf32, #tpu.memory_space<vmem_shared>>) offsets(%arg17 : memref<72xi32, #tpu.memory_space<vmem>>) semaphore(%arg32 : memref<!tpu.dma_semaphore, #tpu.memory_space<semaphore_mem>>) {add = true}
      %dma_wait3A_263 = arith.constant 0 : i32
      %dma_wait3A_264 = arith.constant 0 : i32
      %dma_wait3A_265 = tpu.memref_slice %arg2[%dma_wait3A_263, %dma_wait3A_264] : memref<20144x128xf32, #tpu.memory_space<hbm>> -> memref<20144x128xf32, #tpu.memory_space<hbm>>
      tpu.wait_indirect_dma semaphore(%arg28 : memref<!tpu.dma_semaphore, #tpu.memory_space<semaphore_mem>>) src(%dma_wait3A_265 : memref<20144x128xf32, #tpu.memory_space<hbm>>) dst(%arg23 : memref<72x128xf32, #tpu.memory_space<vmem>>)
      %dma_wait3A_266 = tpu.memref_slice %arg4[%add3A] : memref<645120xi32, #tpu.memory_space<hbm>> -> memref<72xi32, #tpu.memory_space<hbm>>
      %dma_wait3A_267 = tpu.memref_slice %arg4[%add3A] : memref<645120xi32, #tpu.memory_space<hbm>> -> memref<72xi32, #tpu.memory_space<hbm>>
      tpu.wait_dma2 semaphore(%arg43 : memref<!tpu.dma_semaphore, #tpu.memory_space<semaphore_mem>>) src(%dma_wait3A_267 : memref<72xi32, #tpu.memory_space<hbm>>) dst(%arg18 : memref<72xi32, #tpu.memory_space<vmem>>)
      %dma_start3A_268 = arith.constant 0 : i32
      %dma_start3A_269 = arith.constant 0 : i32
      %dma_start3A_270 = tpu.memref_slice %arg9[%dma_start3A_268, %dma_start3A_269] : memref<10240x128xf32, #tpu.memory_space<vmem_shared>> -> memref<10240x128xf32, #tpu.memory_space<vmem_shared>>
      tpu.enqueue_indirect_dma source(%arg23 : memref<72x128xf32, #tpu.memory_space<vmem>>) target(%dma_start3A_270 : memref<10240x128xf32, #tpu.memory_space<vmem_shared>>) offsets(%arg18 : memref<72xi32, #tpu.memory_space<vmem>>) semaphore(%arg33 : memref<!tpu.dma_semaphore, #tpu.memory_space<semaphore_mem>>) {add = true}
      %dma_wait3A_271 = arith.constant 0 : i32
      %dma_wait3A_272 = arith.constant 0 : i32
      %dma_wait3A_273 = tpu.memref_slice %arg2[%dma_wait3A_271, %dma_wait3A_272] : memref<20144x128xf32, #tpu.memory_space<hbm>> -> memref<20144x128xf32, #tpu.memory_space<hbm>>
      tpu.wait_indirect_dma semaphore(%arg29 : memref<!tpu.dma_semaphore, #tpu.memory_space<semaphore_mem>>) src(%dma_wait3A_273 : memref<20144x128xf32, #tpu.memory_space<hbm>>) dst(%arg24 : memref<72x128xf32, #tpu.memory_space<vmem>>)
      %dma_wait3A_274 = tpu.memref_slice %arg4[%add3A] : memref<645120xi32, #tpu.memory_space<hbm>> -> memref<72xi32, #tpu.memory_space<hbm>>
      %dma_wait3A_275 = tpu.memref_slice %arg4[%add3A] : memref<645120xi32, #tpu.memory_space<hbm>> -> memref<72xi32, #tpu.memory_space<hbm>>
      tpu.wait_dma2 semaphore(%arg44 : memref<!tpu.dma_semaphore, #tpu.memory_space<semaphore_mem>>) src(%dma_wait3A_275 : memref<72xi32, #tpu.memory_space<hbm>>) dst(%arg19 : memref<72xi32, #tpu.memory_space<vmem>>)
      %dma_start3A_276 = arith.constant 0 : i32
      %dma_start3A_277 = arith.constant 0 : i32
      %dma_start3A_278 = tpu.memref_slice %arg9[%dma_start3A_276, %dma_start3A_277] : memref<10240x128xf32, #tpu.memory_space<vmem_shared>> -> memref<10240x128xf32, #tpu.memory_space<vmem_shared>>
      tpu.enqueue_indirect_dma source(%arg24 : memref<72x128xf32, #tpu.memory_space<vmem>>) target(%dma_start3A_278 : memref<10240x128xf32, #tpu.memory_space<vmem_shared>>) offsets(%arg19 : memref<72xi32, #tpu.memory_space<vmem>>) semaphore(%arg34 : memref<!tpu.dma_semaphore, #tpu.memory_space<semaphore_mem>>) {add = true}
      %dma_wait3A_279 = arith.constant 0 : i32
      %dma_wait3A_280 = arith.constant 0 : i32
      %dma_wait3A_281 = tpu.memref_slice %arg9[%dma_wait3A_279, %dma_wait3A_280] : memref<10240x128xf32, #tpu.memory_space<vmem_shared>> -> memref<10240x128xf32, #tpu.memory_space<vmem_shared>>
      tpu.wait_indirect_dma semaphore(%arg30 : memref<!tpu.dma_semaphore, #tpu.memory_space<semaphore_mem>>) src(%arg20 : memref<72x128xf32, #tpu.memory_space<vmem>>) dst(%dma_wait3A_281 : memref<10240x128xf32, #tpu.memory_space<vmem_shared>>)
      %add3A_282 = arith.constant 5 : i32
      %add3A_283 = arith.addi %mul3A_238, %add3A_282 : i32
      %add3A_284 = arith.constant 0 : i32
      %add3A_285 = arith.addi %add3A_283, %add3A_284 : i32
      %mul3A_286 = arith.constant 72 : i32
      %mul3A_287 = arith.muli %add3A_285, %mul3A_286 : i32
      %add3A_288 = arith.addi %add3A, %mul3A_287 : i32
      %dma_start3A_289 = tpu.memref_slice %arg3[%add3A_288] : memref<645120xi32, #tpu.memory_space<hbm>> -> memref<72xi32, #tpu.memory_space<hbm>>
      %dma_start3A_290 = tpu.memref_slice %arg3[%add3A_288] : memref<645120xi32, #tpu.memory_space<hbm>> -> memref<72xi32, #tpu.memory_space<hbm>>
      tpu.enqueue_dma source(%dma_start3A_290 : memref<72xi32, #tpu.memory_space<hbm>>) target(%arg10 : memref<72xi32, #tpu.memory_space<vmem>>) target_semaphore(%arg35 : memref<!tpu.dma_semaphore, #tpu.memory_space<semaphore_mem>>)
      %dma_start3A_291 = tpu.memref_slice %arg4[%add3A_288] : memref<645120xi32, #tpu.memory_space<hbm>> -> memref<72xi32, #tpu.memory_space<hbm>>
      %dma_start3A_292 = tpu.memref_slice %arg4[%add3A_288] : memref<645120xi32, #tpu.memory_space<hbm>> -> memref<72xi32, #tpu.memory_space<hbm>>
      tpu.enqueue_dma source(%dma_start3A_292 : memref<72xi32, #tpu.memory_space<hbm>>) target(%arg15 : memref<72xi32, #tpu.memory_space<vmem>>) target_semaphore(%arg40 : memref<!tpu.dma_semaphore, #tpu.memory_space<semaphore_mem>>)
      %dma_wait3A_293 = arith.constant 0 : i32
      %dma_wait3A_294 = arith.constant 0 : i32
      %dma_wait3A_295 = tpu.memref_slice %arg9[%dma_wait3A_293, %dma_wait3A_294] : memref<10240x128xf32, #tpu.memory_space<vmem_shared>> -> memref<10240x128xf32, #tpu.memory_space<vmem_shared>>
      tpu.wait_indirect_dma semaphore(%arg31 : memref<!tpu.dma_semaphore, #tpu.memory_space<semaphore_mem>>) src(%arg21 : memref<72x128xf32, #tpu.memory_space<vmem>>) dst(%dma_wait3A_295 : memref<10240x128xf32, #tpu.memory_space<vmem_shared>>)
      %add3A_296 = arith.constant 5 : i32
      %add3A_297 = arith.addi %mul3A_238, %add3A_296 : i32
      %add3A_298 = arith.constant 1 : i32
      %add3A_299 = arith.addi %add3A_297, %add3A_298 : i32
      %mul3A_300 = arith.constant 72 : i32
      %mul3A_301 = arith.muli %add3A_299, %mul3A_300 : i32
      %add3A_302 = arith.addi %add3A, %mul3A_301 : i32
      %dma_start3A_303 = tpu.memref_slice %arg3[%add3A_302] : memref<645120xi32, #tpu.memory_space<hbm>> -> memref<72xi32, #tpu.memory_space<hbm>>
      %dma_start3A_304 = tpu.memref_slice %arg3[%add3A_302] : memref<645120xi32, #tpu.memory_space<hbm>> -> memref<72xi32, #tpu.memory_space<hbm>>
      tpu.enqueue_dma source(%dma_start3A_304 : memref<72xi32, #tpu.memory_space<hbm>>) target(%arg11 : memref<72xi32, #tpu.memory_space<vmem>>) target_semaphore(%arg36 : memref<!tpu.dma_semaphore, #tpu.memory_space<semaphore_mem>>)
      %dma_start3A_305 = tpu.memref_slice %arg4[%add3A_302] : memref<645120xi32, #tpu.memory_space<hbm>> -> memref<72xi32, #tpu.memory_space<hbm>>
      %dma_start3A_306 = tpu.memref_slice %arg4[%add3A_302] : memref<645120xi32, #tpu.memory_space<hbm>> -> memref<72xi32, #tpu.memory_space<hbm>>
      tpu.enqueue_dma source(%dma_start3A_306 : memref<72xi32, #tpu.memory_space<hbm>>) target(%arg16 : memref<72xi32, #tpu.memory_space<vmem>>) target_semaphore(%arg41 : memref<!tpu.dma_semaphore, #tpu.memory_space<semaphore_mem>>)
      %dma_wait3A_307 = arith.constant 0 : i32
      %dma_wait3A_308 = arith.constant 0 : i32
      %dma_wait3A_309 = tpu.memref_slice %arg9[%dma_wait3A_307, %dma_wait3A_308] : memref<10240x128xf32, #tpu.memory_space<vmem_shared>> -> memref<10240x128xf32, #tpu.memory_space<vmem_shared>>
      tpu.wait_indirect_dma semaphore(%arg32 : memref<!tpu.dma_semaphore, #tpu.memory_space<semaphore_mem>>) src(%arg22 : memref<72x128xf32, #tpu.memory_space<vmem>>) dst(%dma_wait3A_309 : memref<10240x128xf32, #tpu.memory_space<vmem_shared>>)
      %add3A_310 = arith.constant 5 : i32
      %add3A_311 = arith.addi %mul3A_238, %add3A_310 : i32
      %add3A_312 = arith.constant 2 : i32
      %add3A_313 = arith.addi %add3A_311, %add3A_312 : i32
      %mul3A_314 = arith.constant 72 : i32
      %mul3A_315 = arith.muli %add3A_313, %mul3A_314 : i32
      %add3A_316 = arith.addi %add3A, %mul3A_315 : i32
      %dma_start3A_317 = tpu.memref_slice %arg3[%add3A_316] : memref<645120xi32, #tpu.memory_space<hbm>> -> memref<72xi32, #tpu.memory_space<hbm>>
      %dma_start3A_318 = tpu.memref_slice %arg3[%add3A_316] : memref<645120xi32, #tpu.memory_space<hbm>> -> memref<72xi32, #tpu.memory_space<hbm>>
      tpu.enqueue_dma source(%dma_start3A_318 : memref<72xi32, #tpu.memory_space<hbm>>) target(%arg12 : memref<72xi32, #tpu.memory_space<vmem>>) target_semaphore(%arg37 : memref<!tpu.dma_semaphore, #tpu.memory_space<semaphore_mem>>)
      %dma_start3A_319 = tpu.memref_slice %arg4[%add3A_316] : memref<645120xi32, #tpu.memory_space<hbm>> -> memref<72xi32, #tpu.memory_space<hbm>>
      %dma_start3A_320 = tpu.memref_slice %arg4[%add3A_316] : memref<645120xi32, #tpu.memory_space<hbm>> -> memref<72xi32, #tpu.memory_space<hbm>>
      tpu.enqueue_dma source(%dma_start3A_320 : memref<72xi32, #tpu.memory_space<hbm>>) target(%arg17 : memref<72xi32, #tpu.memory_space<vmem>>) target_semaphore(%arg42 : memref<!tpu.dma_semaphore, #tpu.memory_space<semaphore_mem>>)
      %dma_wait3A_321 = arith.constant 0 : i32
      %dma_wait3A_322 = arith.constant 0 : i32
      %dma_wait3A_323 = tpu.memref_slice %arg9[%dma_wait3A_321, %dma_wait3A_322] : memref<10240x128xf32, #tpu.memory_space<vmem_shared>> -> memref<10240x128xf32, #tpu.memory_space<vmem_shared>>
      tpu.wait_indirect_dma semaphore(%arg33 : memref<!tpu.dma_semaphore, #tpu.memory_space<semaphore_mem>>) src(%arg23 : memref<72x128xf32, #tpu.memory_space<vmem>>) dst(%dma_wait3A_323 : memref<10240x128xf32, #tpu.memory_space<vmem_shared>>)
      %add3A_324 = arith.constant 5 : i32
      %add3A_325 = arith.addi %mul3A_238, %add3A_324 : i32
      %add3A_326 = arith.constant 3 : i32
      %add3A_327 = arith.addi %add3A_325, %add3A_326 : i32
      %mul3A_328 = arith.constant 72 : i32
      %mul3A_329 = arith.muli %add3A_327, %mul3A_328 : i32
      %add3A_330 = arith.addi %add3A, %mul3A_329 : i32
      %dma_start3A_331 = tpu.memref_slice %arg3[%add3A_330] : memref<645120xi32, #tpu.memory_space<hbm>> -> memref<72xi32, #tpu.memory_space<hbm>>
      %dma_start3A_332 = tpu.memref_slice %arg3[%add3A_330] : memref<645120xi32, #tpu.memory_space<hbm>> -> memref<72xi32, #tpu.memory_space<hbm>>
      tpu.enqueue_dma source(%dma_start3A_332 : memref<72xi32, #tpu.memory_space<hbm>>) target(%arg13 : memref<72xi32, #tpu.memory_space<vmem>>) target_semaphore(%arg38 : memref<!tpu.dma_semaphore, #tpu.memory_space<semaphore_mem>>)
      %dma_start3A_333 = tpu.memref_slice %arg4[%add3A_330] : memref<645120xi32, #tpu.memory_space<hbm>> -> memref<72xi32, #tpu.memory_space<hbm>>
      %dma_start3A_334 = tpu.memref_slice %arg4[%add3A_330] : memref<645120xi32, #tpu.memory_space<hbm>> -> memref<72xi32, #tpu.memory_space<hbm>>
      tpu.enqueue_dma source(%dma_start3A_334 : memref<72xi32, #tpu.memory_space<hbm>>) target(%arg18 : memref<72xi32, #tpu.memory_space<vmem>>) target_semaphore(%arg43 : memref<!tpu.dma_semaphore, #tpu.memory_space<semaphore_mem>>)
      %dma_wait3A_335 = arith.constant 0 : i32
      %dma_wait3A_336 = arith.constant 0 : i32
      %dma_wait3A_337 = tpu.memref_slice %arg9[%dma_wait3A_335, %dma_wait3A_336] : memref<10240x128xf32, #tpu.memory_space<vmem_shared>> -> memref<10240x128xf32, #tpu.memory_space<vmem_shared>>
      tpu.wait_indirect_dma semaphore(%arg34 : memref<!tpu.dma_semaphore, #tpu.memory_space<semaphore_mem>>) src(%arg24 : memref<72x128xf32, #tpu.memory_space<vmem>>) dst(%dma_wait3A_337 : memref<10240x128xf32, #tpu.memory_space<vmem_shared>>)
      %add3A_338 = arith.constant 5 : i32
      %add3A_339 = arith.addi %mul3A_238, %add3A_338 : i32
      %add3A_340 = arith.constant 4 : i32
      %add3A_341 = arith.addi %add3A_339, %add3A_340 : i32
      %mul3A_342 = arith.constant 72 : i32
      %mul3A_343 = arith.muli %add3A_341, %mul3A_342 : i32
      %add3A_344 = arith.addi %add3A, %mul3A_343 : i32
      %dma_start3A_345 = tpu.memref_slice %arg3[%add3A_344] : memref<645120xi32, #tpu.memory_space<hbm>> -> memref<72xi32, #tpu.memory_space<hbm>>
      %dma_start3A_346 = tpu.memref_slice %arg3[%add3A_344] : memref<645120xi32, #tpu.memory_space<hbm>> -> memref<72xi32, #tpu.memory_space<hbm>>
      tpu.enqueue_dma source(%dma_start3A_346 : memref<72xi32, #tpu.memory_space<hbm>>) target(%arg14 : memref<72xi32, #tpu.memory_space<vmem>>) target_semaphore(%arg39 : memref<!tpu.dma_semaphore, #tpu.memory_space<semaphore_mem>>)
      %dma_start3A_347 = tpu.memref_slice %arg4[%add3A_344] : memref<645120xi32, #tpu.memory_space<hbm>> -> memref<72xi32, #tpu.memory_space<hbm>>
      %dma_start3A_348 = tpu.memref_slice %arg4[%add3A_344] : memref<645120xi32, #tpu.memory_space<hbm>> -> memref<72xi32, #tpu.memory_space<hbm>>
      tpu.enqueue_dma source(%dma_start3A_348 : memref<72xi32, #tpu.memory_space<hbm>>) target(%arg19 : memref<72xi32, #tpu.memory_space<vmem>>) target_semaphore(%arg44 : memref<!tpu.dma_semaphore, #tpu.memory_space<semaphore_mem>>)
      %dma_wait3A_349 = tpu.memref_slice %arg3[%add3A] : memref<645120xi32, #tpu.memory_space<hbm>> -> memref<72xi32, #tpu.memory_space<hbm>>
      %dma_wait3A_350 = tpu.memref_slice %arg3[%add3A] : memref<645120xi32, #tpu.memory_space<hbm>> -> memref<72xi32, #tpu.memory_space<hbm>>
      tpu.wait_dma2 semaphore(%arg35 : memref<!tpu.dma_semaphore, #tpu.memory_space<semaphore_mem>>) src(%dma_wait3A_350 : memref<72xi32, #tpu.memory_space<hbm>>) dst(%arg10 : memref<72xi32, #tpu.memory_space<vmem>>)
      %dma_start3A_351 = arith.constant 0 : i32
      %dma_start3A_352 = arith.constant 0 : i32
      %dma_start3A_353 = tpu.memref_slice %arg2[%dma_start3A_351, %dma_start3A_352] : memref<20144x128xf32, #tpu.memory_space<hbm>> -> memref<20144x128xf32, #tpu.memory_space<hbm>>
      tpu.enqueue_indirect_dma source(%dma_start3A_353 : memref<20144x128xf32, #tpu.memory_space<hbm>>) target(%arg20 : memref<72x128xf32, #tpu.memory_space<vmem>>) offsets(%arg10 : memref<72xi32, #tpu.memory_space<vmem>>) semaphore(%arg25 : memref<!tpu.dma_semaphore, #tpu.memory_space<semaphore_mem>>)
      %dma_wait3A_354 = tpu.memref_slice %arg3[%add3A] : memref<645120xi32, #tpu.memory_space<hbm>> -> memref<72xi32, #tpu.memory_space<hbm>>
      %dma_wait3A_355 = tpu.memref_slice %arg3[%add3A] : memref<645120xi32, #tpu.memory_space<hbm>> -> memref<72xi32, #tpu.memory_space<hbm>>
      tpu.wait_dma2 semaphore(%arg36 : memref<!tpu.dma_semaphore, #tpu.memory_space<semaphore_mem>>) src(%dma_wait3A_355 : memref<72xi32, #tpu.memory_space<hbm>>) dst(%arg11 : memref<72xi32, #tpu.memory_space<vmem>>)
      %dma_start3A_356 = arith.constant 0 : i32
      %dma_start3A_357 = arith.constant 0 : i32
      %dma_start3A_358 = tpu.memref_slice %arg2[%dma_start3A_356, %dma_start3A_357] : memref<20144x128xf32, #tpu.memory_space<hbm>> -> memref<20144x128xf32, #tpu.memory_space<hbm>>
      tpu.enqueue_indirect_dma source(%dma_start3A_358 : memref<20144x128xf32, #tpu.memory_space<hbm>>) target(%arg21 : memref<72x128xf32, #tpu.memory_space<vmem>>) offsets(%arg11 : memref<72xi32, #tpu.memory_space<vmem>>) semaphore(%arg26 : memref<!tpu.dma_semaphore, #tpu.memory_space<semaphore_mem>>)
      %dma_wait3A_359 = tpu.memref_slice %arg3[%add3A] : memref<645120xi32, #tpu.memory_space<hbm>> -> memref<72xi32, #tpu.memory_space<hbm>>
      %dma_wait3A_360 = tpu.memref_slice %arg3[%add3A] : memref<645120xi32, #tpu.memory_space<hbm>> -> memref<72xi32, #tpu.memory_space<hbm>>
      tpu.wait_dma2 semaphore(%arg37 : memref<!tpu.dma_semaphore, #tpu.memory_space<semaphore_mem>>) src(%dma_wait3A_360 : memref<72xi32, #tpu.memory_space<hbm>>) dst(%arg12 : memref<72xi32, #tpu.memory_space<vmem>>)
      %dma_start3A_361 = arith.constant 0 : i32
      %dma_start3A_362 = arith.constant 0 : i32
      %dma_start3A_363 = tpu.memref_slice %arg2[%dma_start3A_361, %dma_start3A_362] : memref<20144x128xf32, #tpu.memory_space<hbm>> -> memref<20144x128xf32, #tpu.memory_space<hbm>>
      tpu.enqueue_indirect_dma source(%dma_start3A_363 : memref<20144x128xf32, #tpu.memory_space<hbm>>) target(%arg22 : memref<72x128xf32, #tpu.memory_space<vmem>>) offsets(%arg12 : memref<72xi32, #tpu.memory_space<vmem>>) semaphore(%arg27 : memref<!tpu.dma_semaphore, #tpu.memory_space<semaphore_mem>>)
      %dma_wait3A_364 = tpu.memref_slice %arg3[%add3A] : memref<645120xi32, #tpu.memory_space<hbm>> -> memref<72xi32, #tpu.memory_space<hbm>>
      %dma_wait3A_365 = tpu.memref_slice %arg3[%add3A] : memref<645120xi32, #tpu.memory_space<hbm>> -> memref<72xi32, #tpu.memory_space<hbm>>
      tpu.wait_dma2 semaphore(%arg38 : memref<!tpu.dma_semaphore, #tpu.memory_space<semaphore_mem>>) src(%dma_wait3A_365 : memref<72xi32, #tpu.memory_space<hbm>>) dst(%arg13 : memref<72xi32, #tpu.memory_space<vmem>>)
      %dma_start3A_366 = arith.constant 0 : i32
      %dma_start3A_367 = arith.constant 0 : i32
      %dma_start3A_368 = tpu.memref_slice %arg2[%dma_start3A_366, %dma_start3A_367] : memref<20144x128xf32, #tpu.memory_space<hbm>> -> memref<20144x128xf32, #tpu.memory_space<hbm>>
      tpu.enqueue_indirect_dma source(%dma_start3A_368 : memref<20144x128xf32, #tpu.memory_space<hbm>>) target(%arg23 : memref<72x128xf32, #tpu.memory_space<vmem>>) offsets(%arg13 : memref<72xi32, #tpu.memory_space<vmem>>) semaphore(%arg28 : memref<!tpu.dma_semaphore, #tpu.memory_space<semaphore_mem>>)
      %dma_wait3A_369 = tpu.memref_slice %arg3[%add3A] : memref<645120xi32, #tpu.memory_space<hbm>> -> memref<72xi32, #tpu.memory_space<hbm>>
      %dma_wait3A_370 = tpu.memref_slice %arg3[%add3A] : memref<645120xi32, #tpu.memory_space<hbm>> -> memref<72xi32, #tpu.memory_space<hbm>>
      tpu.wait_dma2 semaphore(%arg39 : memref<!tpu.dma_semaphore, #tpu.memory_space<semaphore_mem>>) src(%dma_wait3A_370 : memref<72xi32, #tpu.memory_space<hbm>>) dst(%arg14 : memref<72xi32, #tpu.memory_space<vmem>>)
      %dma_start3A_371 = arith.constant 0 : i32
      %dma_start3A_372 = arith.constant 0 : i32
      %dma_start3A_373 = tpu.memref_slice %arg2[%dma_start3A_371, %dma_start3A_372] : memref<20144x128xf32, #tpu.memory_space<hbm>> -> memref<20144x128xf32, #tpu.memory_space<hbm>>
      tpu.enqueue_indirect_dma source(%dma_start3A_373 : memref<20144x128xf32, #tpu.memory_space<hbm>>) target(%arg24 : memref<72x128xf32, #tpu.memory_space<vmem>>) offsets(%arg14 : memref<72xi32, #tpu.memory_space<vmem>>) semaphore(%arg29 : memref<!tpu.dma_semaphore, #tpu.memory_space<semaphore_mem>>)
    }
    %scan3A_78 = arith.constant 55 : i32
    %dma_wait3A_79 = arith.constant 0 : i32
    %dma_wait3A_80 = arith.constant 0 : i32
    %dma_wait3A_81 = tpu.memref_slice %arg2[%dma_wait3A_79, %dma_wait3A_80] : memref<20144x128xf32, #tpu.memory_space<hbm>> -> memref<20144x128xf32, #tpu.memory_space<hbm>>
    tpu.wait_indirect_dma semaphore(%arg25 : memref<!tpu.dma_semaphore, #tpu.memory_space<semaphore_mem>>) src(%dma_wait3A_81 : memref<20144x128xf32, #tpu.memory_space<hbm>>) dst(%arg20 : memref<72x128xf32, #tpu.memory_space<vmem>>)
    %dma_wait3A_82 = tpu.memref_slice %arg4[%add3A] : memref<645120xi32, #tpu.memory_space<hbm>> -> memref<72xi32, #tpu.memory_space<hbm>>
    %dma_wait3A_83 = tpu.memref_slice %arg4[%add3A] : memref<645120xi32, #tpu.memory_space<hbm>> -> memref<72xi32, #tpu.memory_space<hbm>>
    tpu.wait_dma2 semaphore(%arg40 : memref<!tpu.dma_semaphore, #tpu.memory_space<semaphore_mem>>) src(%dma_wait3A_83 : memref<72xi32, #tpu.memory_space<hbm>>) dst(%arg15 : memref<72xi32, #tpu.memory_space<vmem>>)
    %dma_start3A_84 = arith.constant 0 : i32
    %dma_start3A_85 = arith.constant 0 : i32
    %dma_start3A_86 = tpu.memref_slice %arg9[%dma_start3A_84, %dma_start3A_85] : memref<10240x128xf32, #tpu.memory_space<vmem_shared>> -> memref<10240x128xf32, #tpu.memory_space<vmem_shared>>
    tpu.enqueue_indirect_dma source(%arg20 : memref<72x128xf32, #tpu.memory_space<vmem>>) target(%dma_start3A_86 : memref<10240x128xf32, #tpu.memory_space<vmem_shared>>) offsets(%arg15 : memref<72xi32, #tpu.memory_space<vmem>>) semaphore(%arg30 : memref<!tpu.dma_semaphore, #tpu.memory_space<semaphore_mem>>) {add = true}
    %dma_wait3A_87 = arith.constant 0 : i32
    %dma_wait3A_88 = arith.constant 0 : i32
    %dma_wait3A_89 = tpu.memref_slice %arg2[%dma_wait3A_87, %dma_wait3A_88] : memref<20144x128xf32, #tpu.memory_space<hbm>> -> memref<20144x128xf32, #tpu.memory_space<hbm>>
    tpu.wait_indirect_dma semaphore(%arg26 : memref<!tpu.dma_semaphore, #tpu.memory_space<semaphore_mem>>) src(%dma_wait3A_89 : memref<20144x128xf32, #tpu.memory_space<hbm>>) dst(%arg21 : memref<72x128xf32, #tpu.memory_space<vmem>>)
    %dma_wait3A_90 = tpu.memref_slice %arg4[%add3A] : memref<645120xi32, #tpu.memory_space<hbm>> -> memref<72xi32, #tpu.memory_space<hbm>>
    %dma_wait3A_91 = tpu.memref_slice %arg4[%add3A] : memref<645120xi32, #tpu.memory_space<hbm>> -> memref<72xi32, #tpu.memory_space<hbm>>
    tpu.wait_dma2 semaphore(%arg41 : memref<!tpu.dma_semaphore, #tpu.memory_space<semaphore_mem>>) src(%dma_wait3A_91 : memref<72xi32, #tpu.memory_space<hbm>>) dst(%arg16 : memref<72xi32, #tpu.memory_space<vmem>>)
    %dma_start3A_92 = arith.constant 0 : i32
    %dma_start3A_93 = arith.constant 0 : i32
    %dma_start3A_94 = tpu.memref_slice %arg9[%dma_start3A_92, %dma_start3A_93] : memref<10240x128xf32, #tpu.memory_space<vmem_shared>> -> memref<10240x128xf32, #tpu.memory_space<vmem_shared>>
    tpu.enqueue_indirect_dma source(%arg21 : memref<72x128xf32, #tpu.memory_space<vmem>>) target(%dma_start3A_94 : memref<10240x128xf32, #tpu.memory_space<vmem_shared>>) offsets(%arg16 : memref<72xi32, #tpu.memory_space<vmem>>) semaphore(%arg31 : memref<!tpu.dma_semaphore, #tpu.memory_space<semaphore_mem>>) {add = true}
    %dma_wait3A_95 = arith.constant 0 : i32
    %dma_wait3A_96 = arith.constant 0 : i32
    %dma_wait3A_97 = tpu.memref_slice %arg2[%dma_wait3A_95, %dma_wait3A_96] : memref<20144x128xf32, #tpu.memory_space<hbm>> -> memref<20144x128xf32, #tpu.memory_space<hbm>>
    tpu.wait_indirect_dma semaphore(%arg27 : memref<!tpu.dma_semaphore, #tpu.memory_space<semaphore_mem>>) src(%dma_wait3A_97 : memref<20144x128xf32, #tpu.memory_space<hbm>>) dst(%arg22 : memref<72x128xf32, #tpu.memory_space<vmem>>)
    %dma_wait3A_98 = tpu.memref_slice %arg4[%add3A] : memref<645120xi32, #tpu.memory_space<hbm>> -> memref<72xi32, #tpu.memory_space<hbm>>
    %dma_wait3A_99 = tpu.memref_slice %arg4[%add3A] : memref<645120xi32, #tpu.memory_space<hbm>> -> memref<72xi32, #tpu.memory_space<hbm>>
    tpu.wait_dma2 semaphore(%arg42 : memref<!tpu.dma_semaphore, #tpu.memory_space<semaphore_mem>>) src(%dma_wait3A_99 : memref<72xi32, #tpu.memory_space<hbm>>) dst(%arg17 : memref<72xi32, #tpu.memory_space<vmem>>)
    %dma_start3A_100 = arith.constant 0 : i32
    %dma_start3A_101 = arith.constant 0 : i32
    %dma_start3A_102 = tpu.memref_slice %arg9[%dma_start3A_100, %dma_start3A_101] : memref<10240x128xf32, #tpu.memory_space<vmem_shared>> -> memref<10240x128xf32, #tpu.memory_space<vmem_shared>>
    tpu.enqueue_indirect_dma source(%arg22 : memref<72x128xf32, #tpu.memory_space<vmem>>) target(%dma_start3A_102 : memref<10240x128xf32, #tpu.memory_space<vmem_shared>>) offsets(%arg17 : memref<72xi32, #tpu.memory_space<vmem>>) semaphore(%arg32 : memref<!tpu.dma_semaphore, #tpu.memory_space<semaphore_mem>>) {add = true}
    %dma_wait3A_103 = arith.constant 0 : i32
    %dma_wait3A_104 = arith.constant 0 : i32
    %dma_wait3A_105 = tpu.memref_slice %arg2[%dma_wait3A_103, %dma_wait3A_104] : memref<20144x128xf32, #tpu.memory_space<hbm>> -> memref<20144x128xf32, #tpu.memory_space<hbm>>
    tpu.wait_indirect_dma semaphore(%arg28 : memref<!tpu.dma_semaphore, #tpu.memory_space<semaphore_mem>>) src(%dma_wait3A_105 : memref<20144x128xf32, #tpu.memory_space<hbm>>) dst(%arg23 : memref<72x128xf32, #tpu.memory_space<vmem>>)
    %dma_wait3A_106 = tpu.memref_slice %arg4[%add3A] : memref<645120xi32, #tpu.memory_space<hbm>> -> memref<72xi32, #tpu.memory_space<hbm>>
    %dma_wait3A_107 = tpu.memref_slice %arg4[%add3A] : memref<645120xi32, #tpu.memory_space<hbm>> -> memref<72xi32, #tpu.memory_space<hbm>>
    tpu.wait_dma2 semaphore(%arg43 : memref<!tpu.dma_semaphore, #tpu.memory_space<semaphore_mem>>) src(%dma_wait3A_107 : memref<72xi32, #tpu.memory_space<hbm>>) dst(%arg18 : memref<72xi32, #tpu.memory_space<vmem>>)
    %dma_start3A_108 = arith.constant 0 : i32
    %dma_start3A_109 = arith.constant 0 : i32
    %dma_start3A_110 = tpu.memref_slice %arg9[%dma_start3A_108, %dma_start3A_109] : memref<10240x128xf32, #tpu.memory_space<vmem_shared>> -> memref<10240x128xf32, #tpu.memory_space<vmem_shared>>
    tpu.enqueue_indirect_dma source(%arg23 : memref<72x128xf32, #tpu.memory_space<vmem>>) target(%dma_start3A_110 : memref<10240x128xf32, #tpu.memory_space<vmem_shared>>) offsets(%arg18 : memref<72xi32, #tpu.memory_space<vmem>>) semaphore(%arg33 : memref<!tpu.dma_semaphore, #tpu.memory_space<semaphore_mem>>) {add = true}
    %dma_wait3A_111 = arith.constant 0 : i32
    %dma_wait3A_112 = arith.constant 0 : i32
    %dma_wait3A_113 = tpu.memref_slice %arg2[%dma_wait3A_111, %dma_wait3A_112] : memref<20144x128xf32, #tpu.memory_space<hbm>> -> memref<20144x128xf32, #tpu.memory_space<hbm>>
    tpu.wait_indirect_dma semaphore(%arg29 : memref<!tpu.dma_semaphore, #tpu.memory_space<semaphore_mem>>) src(%dma_wait3A_113 : memref<20144x128xf32, #tpu.memory_space<hbm>>) dst(%arg24 : memref<72x128xf32, #tpu.memory_space<vmem>>)
    %dma_wait3A_114 = tpu.memref_slice %arg4[%add3A] : memref<645120xi32, #tpu.memory_space<hbm>> -> memref<72xi32, #tpu.memory_space<hbm>>
    %dma_wait3A_115 = tpu.memref_slice %arg4[%add3A] : memref<645120xi32, #tpu.memory_space<hbm>> -> memref<72xi32, #tpu.memory_space<hbm>>
    tpu.wait_dma2 semaphore(%arg44 : memref<!tpu.dma_semaphore, #tpu.memory_space<semaphore_mem>>) src(%dma_wait3A_115 : memref<72xi32, #tpu.memory_space<hbm>>) dst(%arg19 : memref<72xi32, #tpu.memory_space<vmem>>)
    %dma_start3A_116 = arith.constant 0 : i32
    %dma_start3A_117 = arith.constant 0 : i32
    %dma_start3A_118 = tpu.memref_slice %arg9[%dma_start3A_116, %dma_start3A_117] : memref<10240x128xf32, #tpu.memory_space<vmem_shared>> -> memref<10240x128xf32, #tpu.memory_space<vmem_shared>>
    tpu.enqueue_indirect_dma source(%arg24 : memref<72x128xf32, #tpu.memory_space<vmem>>) target(%dma_start3A_118 : memref<10240x128xf32, #tpu.memory_space<vmem_shared>>) offsets(%arg19 : memref<72xi32, #tpu.memory_space<vmem>>) semaphore(%arg34 : memref<!tpu.dma_semaphore, #tpu.memory_space<semaphore_mem>>) {add = true}
    %dma_wait3A_119 = arith.constant 0 : i32
    %dma_wait3A_120 = arith.constant 0 : i32
    %dma_wait3A_121 = tpu.memref_slice %arg9[%dma_wait3A_119, %dma_wait3A_120] : memref<10240x128xf32, #tpu.memory_space<vmem_shared>> -> memref<10240x128xf32, #tpu.memory_space<vmem_shared>>
    tpu.wait_indirect_dma semaphore(%arg30 : memref<!tpu.dma_semaphore, #tpu.memory_space<semaphore_mem>>) src(%arg20 : memref<72x128xf32, #tpu.memory_space<vmem>>) dst(%dma_wait3A_121 : memref<10240x128xf32, #tpu.memory_space<vmem_shared>>)
    %dma_wait3A_122 = arith.constant 0 : i32
    %dma_wait3A_123 = arith.constant 0 : i32
    %dma_wait3A_124 = tpu.memref_slice %arg9[%dma_wait3A_122, %dma_wait3A_123] : memref<10240x128xf32, #tpu.memory_space<vmem_shared>> -> memref<10240x128xf32, #tpu.memory_space<vmem_shared>>
    tpu.wait_indirect_dma semaphore(%arg31 : memref<!tpu.dma_semaphore, #tpu.memory_space<semaphore_mem>>) src(%arg21 : memref<72x128xf32, #tpu.memory_space<vmem>>) dst(%dma_wait3A_124 : memref<10240x128xf32, #tpu.memory_space<vmem_shared>>)
    %dma_wait3A_125 = arith.constant 0 : i32
    %dma_wait3A_126 = arith.constant 0 : i32
    %dma_wait3A_127 = tpu.memref_slice %arg9[%dma_wait3A_125, %dma_wait3A_126] : memref<10240x128xf32, #tpu.memory_space<vmem_shared>> -> memref<10240x128xf32, #tpu.memory_space<vmem_shared>>
    tpu.wait_indirect_dma semaphore(%arg32 : memref<!tpu.dma_semaphore, #tpu.memory_space<semaphore_mem>>) src(%arg22 : memref<72x128xf32, #tpu.memory_space<vmem>>) dst(%dma_wait3A_127 : memref<10240x128xf32, #tpu.memory_space<vmem_shared>>)
    %dma_wait3A_128 = arith.constant 0 : i32
    %dma_wait3A_129 = arith.constant 0 : i32
    %dma_wait3A_130 = tpu.memref_slice %arg9[%dma_wait3A_128, %dma_wait3A_129] : memref<10240x128xf32, #tpu.memory_space<vmem_shared>> -> memref<10240x128xf32, #tpu.memory_space<vmem_shared>>
    tpu.wait_indirect_dma semaphore(%arg33 : memref<!tpu.dma_semaphore, #tpu.memory_space<semaphore_mem>>) src(%arg23 : memref<72x128xf32, #tpu.memory_space<vmem>>) dst(%dma_wait3A_130 : memref<10240x128xf32, #tpu.memory_space<vmem_shared>>)
    %dma_wait3A_131 = arith.constant 0 : i32
    %dma_wait3A_132 = arith.constant 0 : i32
    %dma_wait3A_133 = tpu.memref_slice %arg9[%dma_wait3A_131, %dma_wait3A_132] : memref<10240x128xf32, #tpu.memory_space<vmem_shared>> -> memref<10240x128xf32, #tpu.memory_space<vmem_shared>>
    tpu.wait_indirect_dma semaphore(%arg34 : memref<!tpu.dma_semaphore, #tpu.memory_space<semaphore_mem>>) src(%arg24 : memref<72x128xf32, #tpu.memory_space<vmem>>) dst(%dma_wait3A_133 : memref<10240x128xf32, #tpu.memory_space<vmem_shared>>)
    %barrier3A_134 = arith.constant 0 : index
    tpu.barrier barrier_id(%barrier3A_134)
    %eq3A = arith.constant 0 : i32
    %eq3A_135 = arith.cmpi eq, %arg0, %eq3A : i32
    %convert_element_type3A = arith.extui %eq3A_135 : i1 to i32
    %cond3A = arith.constant 0 : i32
    %cond3A_136 = arith.cmpi ne, %convert_element_type3A, %cond3A : i32
    scf.if %cond3A_136 {
      "tpu.region"() ({
        %run_scoped3A = tpu.sem_alloc : memref<!tpu.dma_semaphore, #tpu.memory_space<semaphore_mem>>
        %dma_start3A_236 = arith.constant 0 : i32
        %dma_start3A_237 = tpu.memref_slice %arg5[%mul3A_0, %dma_start3A_236] : memref<10240x128xf32, #tpu.memory_space<hbm>> -> memref<640x128xf32, #tpu.memory_space<hbm>>
        %dma_start3A_238 = arith.constant 0 : i32
        %dma_start3A_239 = tpu.memref_slice %arg9[%mul3A_0, %dma_start3A_238] : memref<10240x128xf32, #tpu.memory_space<vmem_shared>> -> memref<640x128xf32, #tpu.memory_space<vmem_shared>>
        tpu.enqueue_dma source(%dma_start3A_239 : memref<640x128xf32, #tpu.memory_space<vmem_shared>>) target(%dma_start3A_237 : memref<640x128xf32, #tpu.memory_space<hbm>>) target_semaphore(%run_scoped3A : memref<!tpu.dma_semaphore, #tpu.memory_space<semaphore_mem>>)
        %dma_wait3A_240 = arith.constant 0 : i32
        %dma_wait3A_241 = tpu.memref_slice %arg5[%mul3A_0, %dma_wait3A_240] : memref<10240x128xf32, #tpu.memory_space<hbm>> -> memref<640x128xf32, #tpu.memory_space<hbm>>
        %dma_wait3A_242 = arith.constant 0 : i32
        %dma_wait3A_243 = tpu.memref_slice %arg9[%mul3A_0, %dma_wait3A_242] : memref<10240x128xf32, #tpu.memory_space<vmem_shared>> -> memref<640x128xf32, #tpu.memory_space<vmem_shared>>
        tpu.wait_dma2 semaphore(%run_scoped3A : memref<!tpu.dma_semaphore, #tpu.memory_space<semaphore_mem>>) src(%dma_wait3A_243 : memref<640x128xf32, #tpu.memory_space<vmem_shared>>) dst(%dma_wait3A_241 : memref<640x128xf32, #tpu.memory_space<hbm>>)
        tpu.yield
      }) : () -> ()
    } else {
    }
    %eq3A_137 = arith.constant 1 : i32
    %eq3A_138 = arith.cmpi eq, %arg0, %eq3A_137 : i32
    %convert_element_type3A_139 = arith.extui %eq3A_138 : i1 to i32
    %cond3A_140 = arith.constant 0 : i32
    %cond3A_141 = arith.cmpi ne, %convert_element_type3A_139, %cond3A_140 : i32
    scf.if %cond3A_141 {
      "tpu.region"() ({
        %run_scoped3A = tpu.sem_alloc : memref<!tpu.dma_semaphore, #tpu.memory_space<semaphore_mem>>
        %dma_start3A_236 = arith.constant 0 : i32
        %dma_start3A_237 = tpu.memref_slice %arg6[%mul3A_0, %dma_start3A_236] : memref<10240x128xf32, #tpu.memory_space<hbm>> -> memref<640x128xf32, #tpu.memory_space<hbm>>
        %dma_start3A_238 = arith.constant 0 : i32
        %dma_start3A_239 = tpu.memref_slice %arg9[%mul3A_0, %dma_start3A_238] : memref<10240x128xf32, #tpu.memory_space<vmem_shared>> -> memref<640x128xf32, #tpu.memory_space<vmem_shared>>
        tpu.enqueue_dma source(%dma_start3A_239 : memref<640x128xf32, #tpu.memory_space<vmem_shared>>) target(%dma_start3A_237 : memref<640x128xf32, #tpu.memory_space<hbm>>) target_semaphore(%run_scoped3A : memref<!tpu.dma_semaphore, #tpu.memory_space<semaphore_mem>>)
        %dma_wait3A_240 = arith.constant 0 : i32
        %dma_wait3A_241 = tpu.memref_slice %arg6[%mul3A_0, %dma_wait3A_240] : memref<10240x128xf32, #tpu.memory_space<hbm>> -> memref<640x128xf32, #tpu.memory_space<hbm>>
        %dma_wait3A_242 = arith.constant 0 : i32
        %dma_wait3A_243 = tpu.memref_slice %arg9[%mul3A_0, %dma_wait3A_242] : memref<10240x128xf32, #tpu.memory_space<vmem_shared>> -> memref<640x128xf32, #tpu.memory_space<vmem_shared>>
        tpu.wait_dma2 semaphore(%run_scoped3A : memref<!tpu.dma_semaphore, #tpu.memory_space<semaphore_mem>>) src(%dma_wait3A_243 : memref<640x128xf32, #tpu.memory_space<vmem_shared>>) dst(%dma_wait3A_241 : memref<640x128xf32, #tpu.memory_space<hbm>>)
        tpu.yield
      }) : () -> ()
    } else {
    }
    "tpu.region"() ({
      %run_scoped3A = tpu.sem_alloc : memref<!tpu.dma_semaphore, #tpu.memory_space<semaphore_mem>>
      %dma_start3A_236 = arith.constant 0 : i32
      %dma_start3A_237 = arith.constant 0 : i32
      %dma_start3A_238 = tpu.memref_slice %arg20[%dma_start3A_236, %dma_start3A_237] : memref<72x128xf32, #tpu.memory_space<vmem>> -> memref<80x128xf32, #tpu.memory_space<vmem>>
      %dma_start3A_239 = arith.constant 20000 : i32
      %dma_start3A_240 = arith.constant 0 : i32
      %dma_start3A_241 = tpu.memref_slice %arg2[%dma_start3A_239, %dma_start3A_240] : memref<20144x128xf32, #tpu.memory_space<hbm>> -> memref<80x128xf32, #tpu.memory_space<hbm>>
      %dma_start3A_242 = arith.constant 0 : i32
      %dma_start3A_243 = arith.constant 0 : i32
      %dma_start3A_244 = tpu.memref_slice %arg20[%dma_start3A_242, %dma_start3A_243] : memref<72x128xf32, #tpu.memory_space<vmem>> -> memref<80x128xf32, #tpu.memory_space<vmem>>
      %dma_start3A_245 = arith.constant 20000 : i32
      %dma_start3A_246 = arith.constant 0 : i32
      %dma_start3A_247 = tpu.memref_slice %arg2[%dma_start3A_245, %dma_start3A_246] : memref<20144x128xf32, #tpu.memory_space<hbm>> -> memref<80x128xf32, #tpu.memory_space<hbm>>
      tpu.enqueue_dma source(%dma_start3A_247 : memref<80x128xf32, #tpu.memory_space<hbm>>) target(%dma_start3A_244 : memref<80x128xf32, #tpu.memory_space<vmem>>) target_semaphore(%run_scoped3A : memref<!tpu.dma_semaphore, #tpu.memory_space<semaphore_mem>>)
      %dma_wait3A_248 = arith.constant 0 : i32
      %dma_wait3A_249 = arith.constant 0 : i32
      %dma_wait3A_250 = tpu.memref_slice %arg20[%dma_wait3A_248, %dma_wait3A_249] : memref<72x128xf32, #tpu.memory_space<vmem>> -> memref<80x128xf32, #tpu.memory_space<vmem>>
      %dma_wait3A_251 = arith.constant 20000 : i32
      %dma_wait3A_252 = arith.constant 0 : i32
      %dma_wait3A_253 = tpu.memref_slice %arg2[%dma_wait3A_251, %dma_wait3A_252] : memref<20144x128xf32, #tpu.memory_space<hbm>> -> memref<80x128xf32, #tpu.memory_space<hbm>>
      %dma_wait3A_254 = arith.constant 0 : i32
      %dma_wait3A_255 = arith.constant 0 : i32
      %dma_wait3A_256 = tpu.memref_slice %arg20[%dma_wait3A_254, %dma_wait3A_255] : memref<72x128xf32, #tpu.memory_space<vmem>> -> memref<80x128xf32, #tpu.memory_space<vmem>>
      %dma_wait3A_257 = arith.constant 20000 : i32
      %dma_wait3A_258 = arith.constant 0 : i32
      %dma_wait3A_259 = tpu.memref_slice %arg2[%dma_wait3A_257, %dma_wait3A_258] : memref<20144x128xf32, #tpu.memory_space<hbm>> -> memref<80x128xf32, #tpu.memory_space<hbm>>
      tpu.wait_dma2 semaphore(%run_scoped3A : memref<!tpu.dma_semaphore, #tpu.memory_space<semaphore_mem>>) src(%dma_wait3A_259 : memref<80x128xf32, #tpu.memory_space<hbm>>) dst(%dma_wait3A_256 : memref<80x128xf32, #tpu.memory_space<vmem>>)
      tpu.yield
    }) : () -> ()
    %add3A_142 = arith.constant 0 : i32
    %add3A_143 = arith.addi %mul3A_0, %add3A_142 : i32
    "tpu.region"() ({
      %run_scoped3A = tpu.sem_alloc : memref<!tpu.dma_semaphore, #tpu.memory_space<semaphore_mem>>
      %dma_start3A_236 = arith.constant 0 : i32
      %dma_start3A_237 = arith.constant 0 : i32
      %dma_start3A_238 = tpu.memref_slice %arg20[%dma_start3A_236, %dma_start3A_237] : memref<72x128xf32, #tpu.memory_space<vmem>> -> memref<80x128xf32, #tpu.memory_space<vmem>>
      %dma_start3A_239 = arith.constant 0 : i32
      %dma_start3A_240 = tpu.memref_slice %arg9[%add3A_143, %dma_start3A_239] : memref<10240x128xf32, #tpu.memory_space<vmem_shared>> -> memref<80x128xf32, #tpu.memory_space<vmem_shared>>
      %dma_start3A_241 = arith.constant 0 : i32
      %dma_start3A_242 = tpu.memref_slice %arg9[%add3A_143, %dma_start3A_241] : memref<10240x128xf32, #tpu.memory_space<vmem_shared>> -> memref<80x128xf32, #tpu.memory_space<vmem_shared>>
      %dma_start3A_243 = arith.constant 0 : i32
      %dma_start3A_244 = arith.constant 0 : i32
      %dma_start3A_245 = tpu.memref_slice %arg20[%dma_start3A_243, %dma_start3A_244] : memref<72x128xf32, #tpu.memory_space<vmem>> -> memref<80x128xf32, #tpu.memory_space<vmem>>
      tpu.enqueue_dma source(%dma_start3A_245 : memref<80x128xf32, #tpu.memory_space<vmem>>) target(%dma_start3A_242 : memref<80x128xf32, #tpu.memory_space<vmem_shared>>) target_semaphore(%run_scoped3A : memref<!tpu.dma_semaphore, #tpu.memory_space<semaphore_mem>>)
      %dma_wait3A_246 = arith.constant 0 : i32
      %dma_wait3A_247 = arith.constant 0 : i32
      %dma_wait3A_248 = tpu.memref_slice %arg20[%dma_wait3A_246, %dma_wait3A_247] : memref<72x128xf32, #tpu.memory_space<vmem>> -> memref<80x128xf32, #tpu.memory_space<vmem>>
      %dma_wait3A_249 = arith.constant 0 : i32
      %dma_wait3A_250 = tpu.memref_slice %arg9[%add3A_143, %dma_wait3A_249] : memref<10240x128xf32, #tpu.memory_space<vmem_shared>> -> memref<80x128xf32, #tpu.memory_space<vmem_shared>>
      %dma_wait3A_251 = arith.constant 0 : i32
      %dma_wait3A_252 = tpu.memref_slice %arg9[%add3A_143, %dma_wait3A_251] : memref<10240x128xf32, #tpu.memory_space<vmem_shared>> -> memref<80x128xf32, #tpu.memory_space<vmem_shared>>
      %dma_wait3A_253 = arith.constant 0 : i32
      %dma_wait3A_254 = arith.constant 0 : i32
      %dma_wait3A_255 = tpu.memref_slice %arg20[%dma_wait3A_253, %dma_wait3A_254] : memref<72x128xf32, #tpu.memory_space<vmem>> -> memref<80x128xf32, #tpu.memory_space<vmem>>
      tpu.wait_dma2 semaphore(%run_scoped3A : memref<!tpu.dma_semaphore, #tpu.memory_space<semaphore_mem>>) src(%dma_wait3A_255 : memref<80x128xf32, #tpu.memory_space<vmem>>) dst(%dma_wait3A_252 : memref<80x128xf32, #tpu.memory_space<vmem_shared>>)
      tpu.yield
    }) : () -> ()
    %add3A_144 = arith.constant 80 : i32
    %add3A_145 = arith.addi %mul3A_0, %add3A_144 : i32
    "tpu.region"() ({
      %run_scoped3A = tpu.sem_alloc : memref<!tpu.dma_semaphore, #tpu.memory_space<semaphore_mem>>
      %dma_start3A_236 = arith.constant 0 : i32
      %dma_start3A_237 = arith.constant 0 : i32
      %dma_start3A_238 = tpu.memref_slice %arg20[%dma_start3A_236, %dma_start3A_237] : memref<72x128xf32, #tpu.memory_space<vmem>> -> memref<80x128xf32, #tpu.memory_space<vmem>>
      %dma_start3A_239 = arith.constant 0 : i32
      %dma_start3A_240 = tpu.memref_slice %arg9[%add3A_145, %dma_start3A_239] : memref<10240x128xf32, #tpu.memory_space<vmem_shared>> -> memref<80x128xf32, #tpu.memory_space<vmem_shared>>
      %dma_start3A_241 = arith.constant 0 : i32
      %dma_start3A_242 = tpu.memref_slice %arg9[%add3A_145, %dma_start3A_241] : memref<10240x128xf32, #tpu.memory_space<vmem_shared>> -> memref<80x128xf32, #tpu.memory_space<vmem_shared>>
      %dma_start3A_243 = arith.constant 0 : i32
      %dma_start3A_244 = arith.constant 0 : i32
      %dma_start3A_245 = tpu.memref_slice %arg20[%dma_start3A_243, %dma_start3A_244] : memref<72x128xf32, #tpu.memory_space<vmem>> -> memref<80x128xf32, #tpu.memory_space<vmem>>
      tpu.enqueue_dma source(%dma_start3A_245 : memref<80x128xf32, #tpu.memory_space<vmem>>) target(%dma_start3A_242 : memref<80x128xf32, #tpu.memory_space<vmem_shared>>) target_semaphore(%run_scoped3A : memref<!tpu.dma_semaphore, #tpu.memory_space<semaphore_mem>>)
      %dma_wait3A_246 = arith.constant 0 : i32
      %dma_wait3A_247 = arith.constant 0 : i32
      %dma_wait3A_248 = tpu.memref_slice %arg20[%dma_wait3A_246, %dma_wait3A_247] : memref<72x128xf32, #tpu.memory_space<vmem>> -> memref<80x128xf32, #tpu.memory_space<vmem>>
      %dma_wait3A_249 = arith.constant 0 : i32
      %dma_wait3A_250 = tpu.memref_slice %arg9[%add3A_145, %dma_wait3A_249] : memref<10240x128xf32, #tpu.memory_space<vmem_shared>> -> memref<80x128xf32, #tpu.memory_space<vmem_shared>>
      %dma_wait3A_251 = arith.constant 0 : i32
      %dma_wait3A_252 = tpu.memref_slice %arg9[%add3A_145, %dma_wait3A_251] : memref<10240x128xf32, #tpu.memory_space<vmem_shared>> -> memref<80x128xf32, #tpu.memory_space<vmem_shared>>
      %dma_wait3A_253 = arith.constant 0 : i32
      %dma_wait3A_254 = arith.constant 0 : i32
      %dma_wait3A_255 = tpu.memref_slice %arg20[%dma_wait3A_253, %dma_wait3A_254] : memref<72x128xf32, #tpu.memory_space<vmem>> -> memref<80x128xf32, #tpu.memory_space<vmem>>
      tpu.wait_dma2 semaphore(%run_scoped3A : memref<!tpu.dma_semaphore, #tpu.memory_space<semaphore_mem>>) src(%dma_wait3A_255 : memref<80x128xf32, #tpu.memory_space<vmem>>) dst(%dma_wait3A_252 : memref<80x128xf32, #tpu.memory_space<vmem_shared>>)
      tpu.yield
    }) : () -> ()
    %add3A_146 = arith.constant 160 : i32
    %add3A_147 = arith.addi %mul3A_0, %add3A_146 : i32
    "tpu.region"() ({
      %run_scoped3A = tpu.sem_alloc : memref<!tpu.dma_semaphore, #tpu.memory_space<semaphore_mem>>
      %dma_start3A_236 = arith.constant 0 : i32
      %dma_start3A_237 = arith.constant 0 : i32
      %dma_start3A_238 = tpu.memref_slice %arg20[%dma_start3A_236, %dma_start3A_237] : memref<72x128xf32, #tpu.memory_space<vmem>> -> memref<80x128xf32, #tpu.memory_space<vmem>>
      %dma_start3A_239 = arith.constant 0 : i32
      %dma_start3A_240 = tpu.memref_slice %arg9[%add3A_147, %dma_start3A_239] : memref<10240x128xf32, #tpu.memory_space<vmem_shared>> -> memref<80x128xf32, #tpu.memory_space<vmem_shared>>
      %dma_start3A_241 = arith.constant 0 : i32
      %dma_start3A_242 = tpu.memref_slice %arg9[%add3A_147, %dma_start3A_241] : memref<10240x128xf32, #tpu.memory_space<vmem_shared>> -> memref<80x128xf32, #tpu.memory_space<vmem_shared>>
      %dma_start3A_243 = arith.constant 0 : i32
      %dma_start3A_244 = arith.constant 0 : i32
      %dma_start3A_245 = tpu.memref_slice %arg20[%dma_start3A_243, %dma_start3A_244] : memref<72x128xf32, #tpu.memory_space<vmem>> -> memref<80x128xf32, #tpu.memory_space<vmem>>
      tpu.enqueue_dma source(%dma_start3A_245 : memref<80x128xf32, #tpu.memory_space<vmem>>) target(%dma_start3A_242 : memref<80x128xf32, #tpu.memory_space<vmem_shared>>) target_semaphore(%run_scoped3A : memref<!tpu.dma_semaphore, #tpu.memory_space<semaphore_mem>>)
      %dma_wait3A_246 = arith.constant 0 : i32
      %dma_wait3A_247 = arith.constant 0 : i32
      %dma_wait3A_248 = tpu.memref_slice %arg20[%dma_wait3A_246, %dma_wait3A_247] : memref<72x128xf32, #tpu.memory_space<vmem>> -> memref<80x128xf32, #tpu.memory_space<vmem>>
      %dma_wait3A_249 = arith.constant 0 : i32
      %dma_wait3A_250 = tpu.memref_slice %arg9[%add3A_147, %dma_wait3A_249] : memref<10240x128xf32, #tpu.memory_space<vmem_shared>> -> memref<80x128xf32, #tpu.memory_space<vmem_shared>>
      %dma_wait3A_251 = arith.constant 0 : i32
      %dma_wait3A_252 = tpu.memref_slice %arg9[%add3A_147, %dma_wait3A_251] : memref<10240x128xf32, #tpu.memory_space<vmem_shared>> -> memref<80x128xf32, #tpu.memory_space<vmem_shared>>
      %dma_wait3A_253 = arith.constant 0 : i32
      %dma_wait3A_254 = arith.constant 0 : i32
      %dma_wait3A_255 = tpu.memref_slice %arg20[%dma_wait3A_253, %dma_wait3A_254] : memref<72x128xf32, #tpu.memory_space<vmem>> -> memref<80x128xf32, #tpu.memory_space<vmem>>
      tpu.wait_dma2 semaphore(%run_scoped3A : memref<!tpu.dma_semaphore, #tpu.memory_space<semaphore_mem>>) src(%dma_wait3A_255 : memref<80x128xf32, #tpu.memory_space<vmem>>) dst(%dma_wait3A_252 : memref<80x128xf32, #tpu.memory_space<vmem_shared>>)
      tpu.yield
    }) : () -> ()
    %add3A_148 = arith.constant 240 : i32
    %add3A_149 = arith.addi %mul3A_0, %add3A_148 : i32
    "tpu.region"() ({
      %run_scoped3A = tpu.sem_alloc : memref<!tpu.dma_semaphore, #tpu.memory_space<semaphore_mem>>
      %dma_start3A_236 = arith.constant 0 : i32
      %dma_start3A_237 = arith.constant 0 : i32
      %dma_start3A_238 = tpu.memref_slice %arg20[%dma_start3A_236, %dma_start3A_237] : memref<72x128xf32, #tpu.memory_space<vmem>> -> memref<80x128xf32, #tpu.memory_space<vmem>>
      %dma_start3A_239 = arith.constant 0 : i32
      %dma_start3A_240 = tpu.memref_slice %arg9[%add3A_149, %dma_start3A_239] : memref<10240x128xf32, #tpu.memory_space<vmem_shared>> -> memref<80x128xf32, #tpu.memory_space<vmem_shared>>
      %dma_start3A_241 = arith.constant 0 : i32
      %dma_start3A_242 = tpu.memref_slice %arg9[%add3A_149, %dma_start3A_241] : memref<10240x128xf32, #tpu.memory_space<vmem_shared>> -> memref<80x128xf32, #tpu.memory_space<vmem_shared>>
      %dma_start3A_243 = arith.constant 0 : i32
      %dma_start3A_244 = arith.constant 0 : i32
      %dma_start3A_245 = tpu.memref_slice %arg20[%dma_start3A_243, %dma_start3A_244] : memref<72x128xf32, #tpu.memory_space<vmem>> -> memref<80x128xf32, #tpu.memory_space<vmem>>
      tpu.enqueue_dma source(%dma_start3A_245 : memref<80x128xf32, #tpu.memory_space<vmem>>) target(%dma_start3A_242 : memref<80x128xf32, #tpu.memory_space<vmem_shared>>) target_semaphore(%run_scoped3A : memref<!tpu.dma_semaphore, #tpu.memory_space<semaphore_mem>>)
      %dma_wait3A_246 = arith.constant 0 : i32
      %dma_wait3A_247 = arith.constant 0 : i32
      %dma_wait3A_248 = tpu.memref_slice %arg20[%dma_wait3A_246, %dma_wait3A_247] : memref<72x128xf32, #tpu.memory_space<vmem>> -> memref<80x128xf32, #tpu.memory_space<vmem>>
      %dma_wait3A_249 = arith.constant 0 : i32
      %dma_wait3A_250 = tpu.memref_slice %arg9[%add3A_149, %dma_wait3A_249] : memref<10240x128xf32, #tpu.memory_space<vmem_shared>> -> memref<80x128xf32, #tpu.memory_space<vmem_shared>>
      %dma_wait3A_251 = arith.constant 0 : i32
      %dma_wait3A_252 = tpu.memref_slice %arg9[%add3A_149, %dma_wait3A_251] : memref<10240x128xf32, #tpu.memory_space<vmem_shared>> -> memref<80x128xf32, #tpu.memory_space<vmem_shared>>
      %dma_wait3A_253 = arith.constant 0 : i32
      %dma_wait3A_254 = arith.constant 0 : i32
      %dma_wait3A_255 = tpu.memref_slice %arg20[%dma_wait3A_253, %dma_wait3A_254] : memref<72x128xf32, #tpu.memory_space<vmem>> -> memref<80x128xf32, #tpu.memory_space<vmem>>
      tpu.wait_dma2 semaphore(%run_scoped3A : memref<!tpu.dma_semaphore, #tpu.memory_space<semaphore_mem>>) src(%dma_wait3A_255 : memref<80x128xf32, #tpu.memory_space<vmem>>) dst(%dma_wait3A_252 : memref<80x128xf32, #tpu.memory_space<vmem_shared>>)
      tpu.yield
    }) : () -> ()
    %add3A_150 = arith.constant 320 : i32
    %add3A_151 = arith.addi %mul3A_0, %add3A_150 : i32
    "tpu.region"() ({
      %run_scoped3A = tpu.sem_alloc : memref<!tpu.dma_semaphore, #tpu.memory_space<semaphore_mem>>
      %dma_start3A_236 = arith.constant 0 : i32
      %dma_start3A_237 = arith.constant 0 : i32
      %dma_start3A_238 = tpu.memref_slice %arg20[%dma_start3A_236, %dma_start3A_237] : memref<72x128xf32, #tpu.memory_space<vmem>> -> memref<80x128xf32, #tpu.memory_space<vmem>>
      %dma_start3A_239 = arith.constant 0 : i32
      %dma_start3A_240 = tpu.memref_slice %arg9[%add3A_151, %dma_start3A_239] : memref<10240x128xf32, #tpu.memory_space<vmem_shared>> -> memref<80x128xf32, #tpu.memory_space<vmem_shared>>
      %dma_start3A_241 = arith.constant 0 : i32
      %dma_start3A_242 = tpu.memref_slice %arg9[%add3A_151, %dma_start3A_241] : memref<10240x128xf32, #tpu.memory_space<vmem_shared>> -> memref<80x128xf32, #tpu.memory_space<vmem_shared>>
      %dma_start3A_243 = arith.constant 0 : i32
      %dma_start3A_244 = arith.constant 0 : i32
      %dma_start3A_245 = tpu.memref_slice %arg20[%dma_start3A_243, %dma_start3A_244] : memref<72x128xf32, #tpu.memory_space<vmem>> -> memref<80x128xf32, #tpu.memory_space<vmem>>
      tpu.enqueue_dma source(%dma_start3A_245 : memref<80x128xf32, #tpu.memory_space<vmem>>) target(%dma_start3A_242 : memref<80x128xf32, #tpu.memory_space<vmem_shared>>) target_semaphore(%run_scoped3A : memref<!tpu.dma_semaphore, #tpu.memory_space<semaphore_mem>>)
      %dma_wait3A_246 = arith.constant 0 : i32
      %dma_wait3A_247 = arith.constant 0 : i32
      %dma_wait3A_248 = tpu.memref_slice %arg20[%dma_wait3A_246, %dma_wait3A_247] : memref<72x128xf32, #tpu.memory_space<vmem>> -> memref<80x128xf32, #tpu.memory_space<vmem>>
      %dma_wait3A_249 = arith.constant 0 : i32
      %dma_wait3A_250 = tpu.memref_slice %arg9[%add3A_151, %dma_wait3A_249] : memref<10240x128xf32, #tpu.memory_space<vmem_shared>> -> memref<80x128xf32, #tpu.memory_space<vmem_shared>>
      %dma_wait3A_251 = arith.constant 0 : i32
      %dma_wait3A_252 = tpu.memref_slice %arg9[%add3A_151, %dma_wait3A_251] : memref<10240x128xf32, #tpu.memory_space<vmem_shared>> -> memref<80x128xf32, #tpu.memory_space<vmem_shared>>
      %dma_wait3A_253 = arith.constant 0 : i32
      %dma_wait3A_254 = arith.constant 0 : i32
      %dma_wait3A_255 = tpu.memref_slice %arg20[%dma_wait3A_253, %dma_wait3A_254] : memref<72x128xf32, #tpu.memory_space<vmem>> -> memref<80x128xf32, #tpu.memory_space<vmem>>
      tpu.wait_dma2 semaphore(%run_scoped3A : memref<!tpu.dma_semaphore, #tpu.memory_space<semaphore_mem>>) src(%dma_wait3A_255 : memref<80x128xf32, #tpu.memory_space<vmem>>) dst(%dma_wait3A_252 : memref<80x128xf32, #tpu.memory_space<vmem_shared>>)
      tpu.yield
    }) : () -> ()
    %add3A_152 = arith.constant 400 : i32
    %add3A_153 = arith.addi %mul3A_0, %add3A_152 : i32
    "tpu.region"() ({
      %run_scoped3A = tpu.sem_alloc : memref<!tpu.dma_semaphore, #tpu.memory_space<semaphore_mem>>
      %dma_start3A_236 = arith.constant 0 : i32
      %dma_start3A_237 = arith.constant 0 : i32
      %dma_start3A_238 = tpu.memref_slice %arg20[%dma_start3A_236, %dma_start3A_237] : memref<72x128xf32, #tpu.memory_space<vmem>> -> memref<80x128xf32, #tpu.memory_space<vmem>>
      %dma_start3A_239 = arith.constant 0 : i32
      %dma_start3A_240 = tpu.memref_slice %arg9[%add3A_153, %dma_start3A_239] : memref<10240x128xf32, #tpu.memory_space<vmem_shared>> -> memref<80x128xf32, #tpu.memory_space<vmem_shared>>
      %dma_start3A_241 = arith.constant 0 : i32
      %dma_start3A_242 = tpu.memref_slice %arg9[%add3A_153, %dma_start3A_241] : memref<10240x128xf32, #tpu.memory_space<vmem_shared>> -> memref<80x128xf32, #tpu.memory_space<vmem_shared>>
      %dma_start3A_243 = arith.constant 0 : i32
      %dma_start3A_244 = arith.constant 0 : i32
      %dma_start3A_245 = tpu.memref_slice %arg20[%dma_start3A_243, %dma_start3A_244] : memref<72x128xf32, #tpu.memory_space<vmem>> -> memref<80x128xf32, #tpu.memory_space<vmem>>
      tpu.enqueue_dma source(%dma_start3A_245 : memref<80x128xf32, #tpu.memory_space<vmem>>) target(%dma_start3A_242 : memref<80x128xf32, #tpu.memory_space<vmem_shared>>) target_semaphore(%run_scoped3A : memref<!tpu.dma_semaphore, #tpu.memory_space<semaphore_mem>>)
      %dma_wait3A_246 = arith.constant 0 : i32
      %dma_wait3A_247 = arith.constant 0 : i32
      %dma_wait3A_248 = tpu.memref_slice %arg20[%dma_wait3A_246, %dma_wait3A_247] : memref<72x128xf32, #tpu.memory_space<vmem>> -> memref<80x128xf32, #tpu.memory_space<vmem>>
      %dma_wait3A_249 = arith.constant 0 : i32
      %dma_wait3A_250 = tpu.memref_slice %arg9[%add3A_153, %dma_wait3A_249] : memref<10240x128xf32, #tpu.memory_space<vmem_shared>> -> memref<80x128xf32, #tpu.memory_space<vmem_shared>>
      %dma_wait3A_251 = arith.constant 0 : i32
      %dma_wait3A_252 = tpu.memref_slice %arg9[%add3A_153, %dma_wait3A_251] : memref<10240x128xf32, #tpu.memory_space<vmem_shared>> -> memref<80x128xf32, #tpu.memory_space<vmem_shared>>
      %dma_wait3A_253 = arith.constant 0 : i32
      %dma_wait3A_254 = arith.constant 0 : i32
      %dma_wait3A_255 = tpu.memref_slice %arg20[%dma_wait3A_253, %dma_wait3A_254] : memref<72x128xf32, #tpu.memory_space<vmem>> -> memref<80x128xf32, #tpu.memory_space<vmem>>
      tpu.wait_dma2 semaphore(%run_scoped3A : memref<!tpu.dma_semaphore, #tpu.memory_space<semaphore_mem>>) src(%dma_wait3A_255 : memref<80x128xf32, #tpu.memory_space<vmem>>) dst(%dma_wait3A_252 : memref<80x128xf32, #tpu.memory_space<vmem_shared>>)
      tpu.yield
    }) : () -> ()
    %add3A_154 = arith.constant 480 : i32
    %add3A_155 = arith.addi %mul3A_0, %add3A_154 : i32
    "tpu.region"() ({
      %run_scoped3A = tpu.sem_alloc : memref<!tpu.dma_semaphore, #tpu.memory_space<semaphore_mem>>
      %dma_start3A_236 = arith.constant 0 : i32
      %dma_start3A_237 = arith.constant 0 : i32
      %dma_start3A_238 = tpu.memref_slice %arg20[%dma_start3A_236, %dma_start3A_237] : memref<72x128xf32, #tpu.memory_space<vmem>> -> memref<80x128xf32, #tpu.memory_space<vmem>>
      %dma_start3A_239 = arith.constant 0 : i32
      %dma_start3A_240 = tpu.memref_slice %arg9[%add3A_155, %dma_start3A_239] : memref<10240x128xf32, #tpu.memory_space<vmem_shared>> -> memref<80x128xf32, #tpu.memory_space<vmem_shared>>
      %dma_start3A_241 = arith.constant 0 : i32
      %dma_start3A_242 = tpu.memref_slice %arg9[%add3A_155, %dma_start3A_241] : memref<10240x128xf32, #tpu.memory_space<vmem_shared>> -> memref<80x128xf32, #tpu.memory_space<vmem_shared>>
      %dma_start3A_243 = arith.constant 0 : i32
      %dma_start3A_244 = arith.constant 0 : i32
      %dma_start3A_245 = tpu.memref_slice %arg20[%dma_start3A_243, %dma_start3A_244] : memref<72x128xf32, #tpu.memory_space<vmem>> -> memref<80x128xf32, #tpu.memory_space<vmem>>
      tpu.enqueue_dma source(%dma_start3A_245 : memref<80x128xf32, #tpu.memory_space<vmem>>) target(%dma_start3A_242 : memref<80x128xf32, #tpu.memory_space<vmem_shared>>) target_semaphore(%run_scoped3A : memref<!tpu.dma_semaphore, #tpu.memory_space<semaphore_mem>>)
      %dma_wait3A_246 = arith.constant 0 : i32
      %dma_wait3A_247 = arith.constant 0 : i32
      %dma_wait3A_248 = tpu.memref_slice %arg20[%dma_wait3A_246, %dma_wait3A_247] : memref<72x128xf32, #tpu.memory_space<vmem>> -> memref<80x128xf32, #tpu.memory_space<vmem>>
      %dma_wait3A_249 = arith.constant 0 : i32
      %dma_wait3A_250 = tpu.memref_slice %arg9[%add3A_155, %dma_wait3A_249] : memref<10240x128xf32, #tpu.memory_space<vmem_shared>> -> memref<80x128xf32, #tpu.memory_space<vmem_shared>>
      %dma_wait3A_251 = arith.constant 0 : i32
      %dma_wait3A_252 = tpu.memref_slice %arg9[%add3A_155, %dma_wait3A_251] : memref<10240x128xf32, #tpu.memory_space<vmem_shared>> -> memref<80x128xf32, #tpu.memory_space<vmem_shared>>
      %dma_wait3A_253 = arith.constant 0 : i32
      %dma_wait3A_254 = arith.constant 0 : i32
      %dma_wait3A_255 = tpu.memref_slice %arg20[%dma_wait3A_253, %dma_wait3A_254] : memref<72x128xf32, #tpu.memory_space<vmem>> -> memref<80x128xf32, #tpu.memory_space<vmem>>
      tpu.wait_dma2 semaphore(%run_scoped3A : memref<!tpu.dma_semaphore, #tpu.memory_space<semaphore_mem>>) src(%dma_wait3A_255 : memref<80x128xf32, #tpu.memory_space<vmem>>) dst(%dma_wait3A_252 : memref<80x128xf32, #tpu.memory_space<vmem_shared>>)
      tpu.yield
    }) : () -> ()
    %add3A_156 = arith.constant 560 : i32
    %add3A_157 = arith.addi %mul3A_0, %add3A_156 : i32
    "tpu.region"() ({
      %run_scoped3A = tpu.sem_alloc : memref<!tpu.dma_semaphore, #tpu.memory_space<semaphore_mem>>
      %dma_start3A_236 = arith.constant 0 : i32
      %dma_start3A_237 = arith.constant 0 : i32
      %dma_start3A_238 = tpu.memref_slice %arg20[%dma_start3A_236, %dma_start3A_237] : memref<72x128xf32, #tpu.memory_space<vmem>> -> memref<80x128xf32, #tpu.memory_space<vmem>>
      %dma_start3A_239 = arith.constant 0 : i32
      %dma_start3A_240 = tpu.memref_slice %arg9[%add3A_157, %dma_start3A_239] : memref<10240x128xf32, #tpu.memory_space<vmem_shared>> -> memref<80x128xf32, #tpu.memory_space<vmem_shared>>
      %dma_start3A_241 = arith.constant 0 : i32
      %dma_start3A_242 = tpu.memref_slice %arg9[%add3A_157, %dma_start3A_241] : memref<10240x128xf32, #tpu.memory_space<vmem_shared>> -> memref<80x128xf32, #tpu.memory_space<vmem_shared>>
      %dma_start3A_243 = arith.constant 0 : i32
      %dma_start3A_244 = arith.constant 0 : i32
      %dma_start3A_245 = tpu.memref_slice %arg20[%dma_start3A_243, %dma_start3A_244] : memref<72x128xf32, #tpu.memory_space<vmem>> -> memref<80x128xf32, #tpu.memory_space<vmem>>
      tpu.enqueue_dma source(%dma_start3A_245 : memref<80x128xf32, #tpu.memory_space<vmem>>) target(%dma_start3A_242 : memref<80x128xf32, #tpu.memory_space<vmem_shared>>) target_semaphore(%run_scoped3A : memref<!tpu.dma_semaphore, #tpu.memory_space<semaphore_mem>>)
      %dma_wait3A_246 = arith.constant 0 : i32
      %dma_wait3A_247 = arith.constant 0 : i32
      %dma_wait3A_248 = tpu.memref_slice %arg20[%dma_wait3A_246, %dma_wait3A_247] : memref<72x128xf32, #tpu.memory_space<vmem>> -> memref<80x128xf32, #tpu.memory_space<vmem>>
      %dma_wait3A_249 = arith.constant 0 : i32
      %dma_wait3A_250 = tpu.memref_slice %arg9[%add3A_157, %dma_wait3A_249] : memref<10240x128xf32, #tpu.memory_space<vmem_shared>> -> memref<80x128xf32, #tpu.memory_space<vmem_shared>>
      %dma_wait3A_251 = arith.constant 0 : i32
      %dma_wait3A_252 = tpu.memref_slice %arg9[%add3A_157, %dma_wait3A_251] : memref<10240x128xf32, #tpu.memory_space<vmem_shared>> -> memref<80x128xf32, #tpu.memory_space<vmem_shared>>
      %dma_wait3A_253 = arith.constant 0 : i32
      %dma_wait3A_254 = arith.constant 0 : i32
      %dma_wait3A_255 = tpu.memref_slice %arg20[%dma_wait3A_253, %dma_wait3A_254] : memref<72x128xf32, #tpu.memory_space<vmem>> -> memref<80x128xf32, #tpu.memory_space<vmem>>
      tpu.wait_dma2 semaphore(%run_scoped3A : memref<!tpu.dma_semaphore, #tpu.memory_space<semaphore_mem>>) src(%dma_wait3A_255 : memref<80x128xf32, #tpu.memory_space<vmem>>) dst(%dma_wait3A_252 : memref<80x128xf32, #tpu.memory_space<vmem_shared>>)
      tpu.yield
    }) : () -> ()
    "tpu.region"() ({
      %run_scoped3A = tpu.sem_alloc : memref<!tpu.dma_semaphore, #tpu.memory_space<semaphore_mem>>
      %dma_start3A_236 = arith.constant 20072 : i32
      %dma_start3A_237 = arith.constant 0 : i32
      %dma_start3A_238 = tpu.memref_slice %arg2[%dma_start3A_236, %dma_start3A_237] : memref<20144x128xf32, #tpu.memory_space<hbm>> -> memref<72x128xf32, #tpu.memory_space<hbm>>
      %dma_start3A_239 = arith.constant 20072 : i32
      %dma_start3A_240 = arith.constant 0 : i32
      %dma_start3A_241 = tpu.memref_slice %arg2[%dma_start3A_239, %dma_start3A_240] : memref<20144x128xf32, #tpu.memory_space<hbm>> -> memref<72x128xf32, #tpu.memory_space<hbm>>
      tpu.enqueue_dma source(%dma_start3A_241 : memref<72x128xf32, #tpu.memory_space<hbm>>) target(%arg20 : memref<72x128xf32, #tpu.memory_space<vmem>>) target_semaphore(%run_scoped3A : memref<!tpu.dma_semaphore, #tpu.memory_space<semaphore_mem>>)
      %dma_wait3A_242 = arith.constant 20072 : i32
      %dma_wait3A_243 = arith.constant 0 : i32
      %dma_wait3A_244 = tpu.memref_slice %arg2[%dma_wait3A_242, %dma_wait3A_243] : memref<20144x128xf32, #tpu.memory_space<hbm>> -> memref<72x128xf32, #tpu.memory_space<hbm>>
      %dma_wait3A_245 = arith.constant 20072 : i32
      %dma_wait3A_246 = arith.constant 0 : i32
      %dma_wait3A_247 = tpu.memref_slice %arg2[%dma_wait3A_245, %dma_wait3A_246] : memref<20144x128xf32, #tpu.memory_space<hbm>> -> memref<72x128xf32, #tpu.memory_space<hbm>>
      tpu.wait_dma2 semaphore(%run_scoped3A : memref<!tpu.dma_semaphore, #tpu.memory_space<semaphore_mem>>) src(%dma_wait3A_247 : memref<72x128xf32, #tpu.memory_space<hbm>>) dst(%arg20 : memref<72x128xf32, #tpu.memory_space<vmem>>)
      tpu.yield
    }) : () -> ()
    %barrier3A_158 = arith.constant 0 : index
    tpu.barrier barrier_id(%barrier3A_158)
    %add3A_159 = arith.constant 0 : i32
    %add3A_160 = arith.addi %add3A, %add3A_159 : i32
    %dma_start3A_161 = tpu.memref_slice %arg4[%add3A_160] : memref<645120xi32, #tpu.memory_space<hbm>> -> memref<72xi32, #tpu.memory_space<hbm>>
    %dma_start3A_162 = tpu.memref_slice %arg4[%add3A_160] : memref<645120xi32, #tpu.memory_space<hbm>> -> memref<72xi32, #tpu.memory_space<hbm>>
    tpu.enqueue_dma source(%dma_start3A_162 : memref<72xi32, #tpu.memory_space<hbm>>) target(%arg15 : memref<72xi32, #tpu.memory_space<vmem>>) target_semaphore(%arg40 : memref<!tpu.dma_semaphore, #tpu.memory_space<semaphore_mem>>)
    %add3A_163 = arith.constant 72 : i32
    %add3A_164 = arith.addi %add3A, %add3A_163 : i32
    %dma_start3A_165 = tpu.memref_slice %arg4[%add3A_164] : memref<645120xi32, #tpu.memory_space<hbm>> -> memref<72xi32, #tpu.memory_space<hbm>>
    %dma_start3A_166 = tpu.memref_slice %arg4[%add3A_164] : memref<645120xi32, #tpu.memory_space<hbm>> -> memref<72xi32, #tpu.memory_space<hbm>>
    tpu.enqueue_dma source(%dma_start3A_166 : memref<72xi32, #tpu.memory_space<hbm>>) target(%arg16 : memref<72xi32, #tpu.memory_space<vmem>>) target_semaphore(%arg41 : memref<!tpu.dma_semaphore, #tpu.memory_space<semaphore_mem>>)
    %add3A_167 = arith.constant 144 : i32
    %add3A_168 = arith.addi %add3A, %add3A_167 : i32
    %dma_start3A_169 = tpu.memref_slice %arg4[%add3A_168] : memref<645120xi32, #tpu.memory_space<hbm>> -> memref<72xi32, #tpu.memory_space<hbm>>
    %dma_start3A_170 = tpu.memref_slice %arg4[%add3A_168] : memref<645120xi32, #tpu.memory_space<hbm>> -> memref<72xi32, #tpu.memory_space<hbm>>
    tpu.enqueue_dma source(%dma_start3A_170 : memref<72xi32, #tpu.memory_space<hbm>>) target(%arg17 : memref<72xi32, #tpu.memory_space<vmem>>) target_semaphore(%arg42 : memref<!tpu.dma_semaphore, #tpu.memory_space<semaphore_mem>>)
    %add3A_171 = arith.constant 216 : i32
    %add3A_172 = arith.addi %add3A, %add3A_171 : i32
    %dma_start3A_173 = tpu.memref_slice %arg4[%add3A_172] : memref<645120xi32, #tpu.memory_space<hbm>> -> memref<72xi32, #tpu.memory_space<hbm>>
    %dma_start3A_174 = tpu.memref_slice %arg4[%add3A_172] : memref<645120xi32, #tpu.memory_space<hbm>> -> memref<72xi32, #tpu.memory_space<hbm>>
    tpu.enqueue_dma source(%dma_start3A_174 : memref<72xi32, #tpu.memory_space<hbm>>) target(%arg18 : memref<72xi32, #tpu.memory_space<vmem>>) target_semaphore(%arg43 : memref<!tpu.dma_semaphore, #tpu.memory_space<semaphore_mem>>)
    %add3A_175 = arith.constant 288 : i32
    %add3A_176 = arith.addi %add3A, %add3A_175 : i32
    %dma_start3A_177 = tpu.memref_slice %arg4[%add3A_176] : memref<645120xi32, #tpu.memory_space<hbm>> -> memref<72xi32, #tpu.memory_space<hbm>>
    %dma_start3A_178 = tpu.memref_slice %arg4[%add3A_176] : memref<645120xi32, #tpu.memory_space<hbm>> -> memref<72xi32, #tpu.memory_space<hbm>>
    tpu.enqueue_dma source(%dma_start3A_178 : memref<72xi32, #tpu.memory_space<hbm>>) target(%arg19 : memref<72xi32, #tpu.memory_space<vmem>>) target_semaphore(%arg44 : memref<!tpu.dma_semaphore, #tpu.memory_space<semaphore_mem>>)
    %scan3A_179 = arith.constant 0 : i32
    %scan3A_180 = arith.constant 0 : i32
    %scan3A_181 = arith.constant 55 : i32
    %scan3A_182 = arith.addi %scan3A_180, %scan3A_181 : i32
    %scan3A_183 = arith.constant 1 : i32
    scf.for %scan3A_236 = %scan3A_180 to %scan3A_182 step %scan3A_183  : i32 {
      %mul3A_237 = arith.constant 5 : i32
      %mul3A_238 = arith.muli %scan3A_236, %mul3A_237 : i32
      %dma_wait3A_239 = tpu.memref_slice %arg4[%add3A] : memref<645120xi32, #tpu.memory_space<hbm>> -> memref<72xi32, #tpu.memory_space<hbm>>
      %dma_wait3A_240 = tpu.memref_slice %arg4[%add3A] : memref<645120xi32, #tpu.memory_space<hbm>> -> memref<72xi32, #tpu.memory_space<hbm>>
      tpu.wait_dma2 semaphore(%arg40 : memref<!tpu.dma_semaphore, #tpu.memory_space<semaphore_mem>>) src(%dma_wait3A_240 : memref<72xi32, #tpu.memory_space<hbm>>) dst(%arg15 : memref<72xi32, #tpu.memory_space<vmem>>)
      %dma_start3A_241 = arith.constant 0 : i32
      %dma_start3A_242 = arith.constant 0 : i32
      %dma_start3A_243 = tpu.memref_slice %arg9[%dma_start3A_241, %dma_start3A_242] : memref<10240x128xf32, #tpu.memory_space<vmem_shared>> -> memref<10240x128xf32, #tpu.memory_space<vmem_shared>>
      tpu.enqueue_indirect_dma source(%arg20 : memref<72x128xf32, #tpu.memory_space<vmem>>) target(%dma_start3A_243 : memref<10240x128xf32, #tpu.memory_space<vmem_shared>>) offsets(%arg15 : memref<72xi32, #tpu.memory_space<vmem>>) semaphore(%arg30 : memref<!tpu.dma_semaphore, #tpu.memory_space<semaphore_mem>>) {add = true}
      %dma_wait3A_244 = tpu.memref_slice %arg4[%add3A] : memref<645120xi32, #tpu.memory_space<hbm>> -> memref<72xi32, #tpu.memory_space<hbm>>
      %dma_wait3A_245 = tpu.memref_slice %arg4[%add3A] : memref<645120xi32, #tpu.memory_space<hbm>> -> memref<72xi32, #tpu.memory_space<hbm>>
      tpu.wait_dma2 semaphore(%arg41 : memref<!tpu.dma_semaphore, #tpu.memory_space<semaphore_mem>>) src(%dma_wait3A_245 : memref<72xi32, #tpu.memory_space<hbm>>) dst(%arg16 : memref<72xi32, #tpu.memory_space<vmem>>)
      %dma_start3A_246 = arith.constant 0 : i32
      %dma_start3A_247 = arith.constant 0 : i32
      %dma_start3A_248 = tpu.memref_slice %arg9[%dma_start3A_246, %dma_start3A_247] : memref<10240x128xf32, #tpu.memory_space<vmem_shared>> -> memref<10240x128xf32, #tpu.memory_space<vmem_shared>>
      tpu.enqueue_indirect_dma source(%arg20 : memref<72x128xf32, #tpu.memory_space<vmem>>) target(%dma_start3A_248 : memref<10240x128xf32, #tpu.memory_space<vmem_shared>>) offsets(%arg16 : memref<72xi32, #tpu.memory_space<vmem>>) semaphore(%arg31 : memref<!tpu.dma_semaphore, #tpu.memory_space<semaphore_mem>>) {add = true}
      %dma_wait3A_249 = tpu.memref_slice %arg4[%add3A] : memref<645120xi32, #tpu.memory_space<hbm>> -> memref<72xi32, #tpu.memory_space<hbm>>
      %dma_wait3A_250 = tpu.memref_slice %arg4[%add3A] : memref<645120xi32, #tpu.memory_space<hbm>> -> memref<72xi32, #tpu.memory_space<hbm>>
      tpu.wait_dma2 semaphore(%arg42 : memref<!tpu.dma_semaphore, #tpu.memory_space<semaphore_mem>>) src(%dma_wait3A_250 : memref<72xi32, #tpu.memory_space<hbm>>) dst(%arg17 : memref<72xi32, #tpu.memory_space<vmem>>)
      %dma_start3A_251 = arith.constant 0 : i32
      %dma_start3A_252 = arith.constant 0 : i32
      %dma_start3A_253 = tpu.memref_slice %arg9[%dma_start3A_251, %dma_start3A_252] : memref<10240x128xf32, #tpu.memory_space<vmem_shared>> -> memref<10240x128xf32, #tpu.memory_space<vmem_shared>>
      tpu.enqueue_indirect_dma source(%arg20 : memref<72x128xf32, #tpu.memory_space<vmem>>) target(%dma_start3A_253 : memref<10240x128xf32, #tpu.memory_space<vmem_shared>>) offsets(%arg17 : memref<72xi32, #tpu.memory_space<vmem>>) semaphore(%arg32 : memref<!tpu.dma_semaphore, #tpu.memory_space<semaphore_mem>>) {add = true}
      %dma_wait3A_254 = tpu.memref_slice %arg4[%add3A] : memref<645120xi32, #tpu.memory_space<hbm>> -> memref<72xi32, #tpu.memory_space<hbm>>
      %dma_wait3A_255 = tpu.memref_slice %arg4[%add3A] : memref<645120xi32, #tpu.memory_space<hbm>> -> memref<72xi32, #tpu.memory_space<hbm>>
      tpu.wait_dma2 semaphore(%arg43 : memref<!tpu.dma_semaphore, #tpu.memory_space<semaphore_mem>>) src(%dma_wait3A_255 : memref<72xi32, #tpu.memory_space<hbm>>) dst(%arg18 : memref<72xi32, #tpu.memory_space<vmem>>)
      %dma_start3A_256 = arith.constant 0 : i32
      %dma_start3A_257 = arith.constant 0 : i32
      %dma_start3A_258 = tpu.memref_slice %arg9[%dma_start3A_256, %dma_start3A_257] : memref<10240x128xf32, #tpu.memory_space<vmem_shared>> -> memref<10240x128xf32, #tpu.memory_space<vmem_shared>>
      tpu.enqueue_indirect_dma source(%arg20 : memref<72x128xf32, #tpu.memory_space<vmem>>) target(%dma_start3A_258 : memref<10240x128xf32, #tpu.memory_space<vmem_shared>>) offsets(%arg18 : memref<72xi32, #tpu.memory_space<vmem>>) semaphore(%arg33 : memref<!tpu.dma_semaphore, #tpu.memory_space<semaphore_mem>>) {add = true}
      %dma_wait3A_259 = tpu.memref_slice %arg4[%add3A] : memref<645120xi32, #tpu.memory_space<hbm>> -> memref<72xi32, #tpu.memory_space<hbm>>
      %dma_wait3A_260 = tpu.memref_slice %arg4[%add3A] : memref<645120xi32, #tpu.memory_space<hbm>> -> memref<72xi32, #tpu.memory_space<hbm>>
      tpu.wait_dma2 semaphore(%arg44 : memref<!tpu.dma_semaphore, #tpu.memory_space<semaphore_mem>>) src(%dma_wait3A_260 : memref<72xi32, #tpu.memory_space<hbm>>) dst(%arg19 : memref<72xi32, #tpu.memory_space<vmem>>)
      %dma_start3A_261 = arith.constant 0 : i32
      %dma_start3A_262 = arith.constant 0 : i32
      %dma_start3A_263 = tpu.memref_slice %arg9[%dma_start3A_261, %dma_start3A_262] : memref<10240x128xf32, #tpu.memory_space<vmem_shared>> -> memref<10240x128xf32, #tpu.memory_space<vmem_shared>>
      tpu.enqueue_indirect_dma source(%arg20 : memref<72x128xf32, #tpu.memory_space<vmem>>) target(%dma_start3A_263 : memref<10240x128xf32, #tpu.memory_space<vmem_shared>>) offsets(%arg19 : memref<72xi32, #tpu.memory_space<vmem>>) semaphore(%arg34 : memref<!tpu.dma_semaphore, #tpu.memory_space<semaphore_mem>>) {add = true}
      %dma_wait3A_264 = arith.constant 0 : i32
      %dma_wait3A_265 = arith.constant 0 : i32
      %dma_wait3A_266 = tpu.memref_slice %arg9[%dma_wait3A_264, %dma_wait3A_265] : memref<10240x128xf32, #tpu.memory_space<vmem_shared>> -> memref<10240x128xf32, #tpu.memory_space<vmem_shared>>
      tpu.wait_indirect_dma semaphore(%arg30 : memref<!tpu.dma_semaphore, #tpu.memory_space<semaphore_mem>>) src(%arg20 : memref<72x128xf32, #tpu.memory_space<vmem>>) dst(%dma_wait3A_266 : memref<10240x128xf32, #tpu.memory_space<vmem_shared>>)
      %add3A_267 = arith.constant 5 : i32
      %add3A_268 = arith.addi %mul3A_238, %add3A_267 : i32
      %add3A_269 = arith.constant 0 : i32
      %add3A_270 = arith.addi %add3A_268, %add3A_269 : i32
      %mul3A_271 = arith.constant 72 : i32
      %mul3A_272 = arith.muli %add3A_270, %mul3A_271 : i32
      %add3A_273 = arith.addi %add3A, %mul3A_272 : i32
      %dma_start3A_274 = tpu.memref_slice %arg4[%add3A_273] : memref<645120xi32, #tpu.memory_space<hbm>> -> memref<72xi32, #tpu.memory_space<hbm>>
      %dma_start3A_275 = tpu.memref_slice %arg4[%add3A_273] : memref<645120xi32, #tpu.memory_space<hbm>> -> memref<72xi32, #tpu.memory_space<hbm>>
      tpu.enqueue_dma source(%dma_start3A_275 : memref<72xi32, #tpu.memory_space<hbm>>) target(%arg15 : memref<72xi32, #tpu.memory_space<vmem>>) target_semaphore(%arg40 : memref<!tpu.dma_semaphore, #tpu.memory_space<semaphore_mem>>)
      %dma_wait3A_276 = arith.constant 0 : i32
      %dma_wait3A_277 = arith.constant 0 : i32
      %dma_wait3A_278 = tpu.memref_slice %arg9[%dma_wait3A_276, %dma_wait3A_277] : memref<10240x128xf32, #tpu.memory_space<vmem_shared>> -> memref<10240x128xf32, #tpu.memory_space<vmem_shared>>
      tpu.wait_indirect_dma semaphore(%arg31 : memref<!tpu.dma_semaphore, #tpu.memory_space<semaphore_mem>>) src(%arg20 : memref<72x128xf32, #tpu.memory_space<vmem>>) dst(%dma_wait3A_278 : memref<10240x128xf32, #tpu.memory_space<vmem_shared>>)
      %add3A_279 = arith.constant 5 : i32
      %add3A_280 = arith.addi %mul3A_238, %add3A_279 : i32
      %add3A_281 = arith.constant 1 : i32
      %add3A_282 = arith.addi %add3A_280, %add3A_281 : i32
      %mul3A_283 = arith.constant 72 : i32
      %mul3A_284 = arith.muli %add3A_282, %mul3A_283 : i32
      %add3A_285 = arith.addi %add3A, %mul3A_284 : i32
      %dma_start3A_286 = tpu.memref_slice %arg4[%add3A_285] : memref<645120xi32, #tpu.memory_space<hbm>> -> memref<72xi32, #tpu.memory_space<hbm>>
      %dma_start3A_287 = tpu.memref_slice %arg4[%add3A_285] : memref<645120xi32, #tpu.memory_space<hbm>> -> memref<72xi32, #tpu.memory_space<hbm>>
      tpu.enqueue_dma source(%dma_start3A_287 : memref<72xi32, #tpu.memory_space<hbm>>) target(%arg16 : memref<72xi32, #tpu.memory_space<vmem>>) target_semaphore(%arg41 : memref<!tpu.dma_semaphore, #tpu.memory_space<semaphore_mem>>)
      %dma_wait3A_288 = arith.constant 0 : i32
      %dma_wait3A_289 = arith.constant 0 : i32
      %dma_wait3A_290 = tpu.memref_slice %arg9[%dma_wait3A_288, %dma_wait3A_289] : memref<10240x128xf32, #tpu.memory_space<vmem_shared>> -> memref<10240x128xf32, #tpu.memory_space<vmem_shared>>
      tpu.wait_indirect_dma semaphore(%arg32 : memref<!tpu.dma_semaphore, #tpu.memory_space<semaphore_mem>>) src(%arg20 : memref<72x128xf32, #tpu.memory_space<vmem>>) dst(%dma_wait3A_290 : memref<10240x128xf32, #tpu.memory_space<vmem_shared>>)
      %add3A_291 = arith.constant 5 : i32
      %add3A_292 = arith.addi %mul3A_238, %add3A_291 : i32
      %add3A_293 = arith.constant 2 : i32
      %add3A_294 = arith.addi %add3A_292, %add3A_293 : i32
      %mul3A_295 = arith.constant 72 : i32
      %mul3A_296 = arith.muli %add3A_294, %mul3A_295 : i32
      %add3A_297 = arith.addi %add3A, %mul3A_296 : i32
      %dma_start3A_298 = tpu.memref_slice %arg4[%add3A_297] : memref<645120xi32, #tpu.memory_space<hbm>> -> memref<72xi32, #tpu.memory_space<hbm>>
      %dma_start3A_299 = tpu.memref_slice %arg4[%add3A_297] : memref<645120xi32, #tpu.memory_space<hbm>> -> memref<72xi32, #tpu.memory_space<hbm>>
      tpu.enqueue_dma source(%dma_start3A_299 : memref<72xi32, #tpu.memory_space<hbm>>) target(%arg17 : memref<72xi32, #tpu.memory_space<vmem>>) target_semaphore(%arg42 : memref<!tpu.dma_semaphore, #tpu.memory_space<semaphore_mem>>)
      %dma_wait3A_300 = arith.constant 0 : i32
      %dma_wait3A_301 = arith.constant 0 : i32
      %dma_wait3A_302 = tpu.memref_slice %arg9[%dma_wait3A_300, %dma_wait3A_301] : memref<10240x128xf32, #tpu.memory_space<vmem_shared>> -> memref<10240x128xf32, #tpu.memory_space<vmem_shared>>
      tpu.wait_indirect_dma semaphore(%arg33 : memref<!tpu.dma_semaphore, #tpu.memory_space<semaphore_mem>>) src(%arg20 : memref<72x128xf32, #tpu.memory_space<vmem>>) dst(%dma_wait3A_302 : memref<10240x128xf32, #tpu.memory_space<vmem_shared>>)
      %add3A_303 = arith.constant 5 : i32
      %add3A_304 = arith.addi %mul3A_238, %add3A_303 : i32
      %add3A_305 = arith.constant 3 : i32
      %add3A_306 = arith.addi %add3A_304, %add3A_305 : i32
      %mul3A_307 = arith.constant 72 : i32
      %mul3A_308 = arith.muli %add3A_306, %mul3A_307 : i32
      %add3A_309 = arith.addi %add3A, %mul3A_308 : i32
      %dma_start3A_310 = tpu.memref_slice %arg4[%add3A_309] : memref<645120xi32, #tpu.memory_space<hbm>> -> memref<72xi32, #tpu.memory_space<hbm>>
      %dma_start3A_311 = tpu.memref_slice %arg4[%add3A_309] : memref<645120xi32, #tpu.memory_space<hbm>> -> memref<72xi32, #tpu.memory_space<hbm>>
      tpu.enqueue_dma source(%dma_start3A_311 : memref<72xi32, #tpu.memory_space<hbm>>) target(%arg18 : memref<72xi32, #tpu.memory_space<vmem>>) target_semaphore(%arg43 : memref<!tpu.dma_semaphore, #tpu.memory_space<semaphore_mem>>)
      %dma_wait3A_312 = arith.constant 0 : i32
      %dma_wait3A_313 = arith.constant 0 : i32
      %dma_wait3A_314 = tpu.memref_slice %arg9[%dma_wait3A_312, %dma_wait3A_313] : memref<10240x128xf32, #tpu.memory_space<vmem_shared>> -> memref<10240x128xf32, #tpu.memory_space<vmem_shared>>
      tpu.wait_indirect_dma semaphore(%arg34 : memref<!tpu.dma_semaphore, #tpu.memory_space<semaphore_mem>>) src(%arg20 : memref<72x128xf32, #tpu.memory_space<vmem>>) dst(%dma_wait3A_314 : memref<10240x128xf32, #tpu.memory_space<vmem_shared>>)
      %add3A_315 = arith.constant 5 : i32
      %add3A_316 = arith.addi %mul3A_238, %add3A_315 : i32
      %add3A_317 = arith.constant 4 : i32
      %add3A_318 = arith.addi %add3A_316, %add3A_317 : i32
      %mul3A_319 = arith.constant 72 : i32
      %mul3A_320 = arith.muli %add3A_318, %mul3A_319 : i32
      %add3A_321 = arith.addi %add3A, %mul3A_320 : i32
      %dma_start3A_322 = tpu.memref_slice %arg4[%add3A_321] : memref<645120xi32, #tpu.memory_space<hbm>> -> memref<72xi32, #tpu.memory_space<hbm>>
      %dma_start3A_323 = tpu.memref_slice %arg4[%add3A_321] : memref<645120xi32, #tpu.memory_space<hbm>> -> memref<72xi32, #tpu.memory_space<hbm>>
      tpu.enqueue_dma source(%dma_start3A_323 : memref<72xi32, #tpu.memory_space<hbm>>) target(%arg19 : memref<72xi32, #tpu.memory_space<vmem>>) target_semaphore(%arg44 : memref<!tpu.dma_semaphore, #tpu.memory_space<semaphore_mem>>)
    }
    %scan3A_184 = arith.constant 55 : i32
    %dma_wait3A_185 = tpu.memref_slice %arg4[%add3A] : memref<645120xi32, #tpu.memory_space<hbm>> -> memref<72xi32, #tpu.memory_space<hbm>>
    %dma_wait3A_186 = tpu.memref_slice %arg4[%add3A] : memref<645120xi32, #tpu.memory_space<hbm>> -> memref<72xi32, #tpu.memory_space<hbm>>
    tpu.wait_dma2 semaphore(%arg40 : memref<!tpu.dma_semaphore, #tpu.memory_space<semaphore_mem>>) src(%dma_wait3A_186 : memref<72xi32, #tpu.memory_space<hbm>>) dst(%arg15 : memref<72xi32, #tpu.memory_space<vmem>>)
    %dma_start3A_187 = arith.constant 0 : i32
    %dma_start3A_188 = arith.constant 0 : i32
    %dma_start3A_189 = tpu.memref_slice %arg9[%dma_start3A_187, %dma_start3A_188] : memref<10240x128xf32, #tpu.memory_space<vmem_shared>> -> memref<10240x128xf32, #tpu.memory_space<vmem_shared>>
    tpu.enqueue_indirect_dma source(%arg20 : memref<72x128xf32, #tpu.memory_space<vmem>>) target(%dma_start3A_189 : memref<10240x128xf32, #tpu.memory_space<vmem_shared>>) offsets(%arg15 : memref<72xi32, #tpu.memory_space<vmem>>) semaphore(%arg30 : memref<!tpu.dma_semaphore, #tpu.memory_space<semaphore_mem>>) {add = true}
    %dma_wait3A_190 = tpu.memref_slice %arg4[%add3A] : memref<645120xi32, #tpu.memory_space<hbm>> -> memref<72xi32, #tpu.memory_space<hbm>>
    %dma_wait3A_191 = tpu.memref_slice %arg4[%add3A] : memref<645120xi32, #tpu.memory_space<hbm>> -> memref<72xi32, #tpu.memory_space<hbm>>
    tpu.wait_dma2 semaphore(%arg41 : memref<!tpu.dma_semaphore, #tpu.memory_space<semaphore_mem>>) src(%dma_wait3A_191 : memref<72xi32, #tpu.memory_space<hbm>>) dst(%arg16 : memref<72xi32, #tpu.memory_space<vmem>>)
    %dma_start3A_192 = arith.constant 0 : i32
    %dma_start3A_193 = arith.constant 0 : i32
    %dma_start3A_194 = tpu.memref_slice %arg9[%dma_start3A_192, %dma_start3A_193] : memref<10240x128xf32, #tpu.memory_space<vmem_shared>> -> memref<10240x128xf32, #tpu.memory_space<vmem_shared>>
    tpu.enqueue_indirect_dma source(%arg20 : memref<72x128xf32, #tpu.memory_space<vmem>>) target(%dma_start3A_194 : memref<10240x128xf32, #tpu.memory_space<vmem_shared>>) offsets(%arg16 : memref<72xi32, #tpu.memory_space<vmem>>) semaphore(%arg31 : memref<!tpu.dma_semaphore, #tpu.memory_space<semaphore_mem>>) {add = true}
    %dma_wait3A_195 = tpu.memref_slice %arg4[%add3A] : memref<645120xi32, #tpu.memory_space<hbm>> -> memref<72xi32, #tpu.memory_space<hbm>>
    %dma_wait3A_196 = tpu.memref_slice %arg4[%add3A] : memref<645120xi32, #tpu.memory_space<hbm>> -> memref<72xi32, #tpu.memory_space<hbm>>
    tpu.wait_dma2 semaphore(%arg42 : memref<!tpu.dma_semaphore, #tpu.memory_space<semaphore_mem>>) src(%dma_wait3A_196 : memref<72xi32, #tpu.memory_space<hbm>>) dst(%arg17 : memref<72xi32, #tpu.memory_space<vmem>>)
    %dma_start3A_197 = arith.constant 0 : i32
    %dma_start3A_198 = arith.constant 0 : i32
    %dma_start3A_199 = tpu.memref_slice %arg9[%dma_start3A_197, %dma_start3A_198] : memref<10240x128xf32, #tpu.memory_space<vmem_shared>> -> memref<10240x128xf32, #tpu.memory_space<vmem_shared>>
    tpu.enqueue_indirect_dma source(%arg20 : memref<72x128xf32, #tpu.memory_space<vmem>>) target(%dma_start3A_199 : memref<10240x128xf32, #tpu.memory_space<vmem_shared>>) offsets(%arg17 : memref<72xi32, #tpu.memory_space<vmem>>) semaphore(%arg32 : memref<!tpu.dma_semaphore, #tpu.memory_space<semaphore_mem>>) {add = true}
    %dma_wait3A_200 = tpu.memref_slice %arg4[%add3A] : memref<645120xi32, #tpu.memory_space<hbm>> -> memref<72xi32, #tpu.memory_space<hbm>>
    %dma_wait3A_201 = tpu.memref_slice %arg4[%add3A] : memref<645120xi32, #tpu.memory_space<hbm>> -> memref<72xi32, #tpu.memory_space<hbm>>
    tpu.wait_dma2 semaphore(%arg43 : memref<!tpu.dma_semaphore, #tpu.memory_space<semaphore_mem>>) src(%dma_wait3A_201 : memref<72xi32, #tpu.memory_space<hbm>>) dst(%arg18 : memref<72xi32, #tpu.memory_space<vmem>>)
    %dma_start3A_202 = arith.constant 0 : i32
    %dma_start3A_203 = arith.constant 0 : i32
    %dma_start3A_204 = tpu.memref_slice %arg9[%dma_start3A_202, %dma_start3A_203] : memref<10240x128xf32, #tpu.memory_space<vmem_shared>> -> memref<10240x128xf32, #tpu.memory_space<vmem_shared>>
    tpu.enqueue_indirect_dma source(%arg20 : memref<72x128xf32, #tpu.memory_space<vmem>>) target(%dma_start3A_204 : memref<10240x128xf32, #tpu.memory_space<vmem_shared>>) offsets(%arg18 : memref<72xi32, #tpu.memory_space<vmem>>) semaphore(%arg33 : memref<!tpu.dma_semaphore, #tpu.memory_space<semaphore_mem>>) {add = true}
    %dma_wait3A_205 = tpu.memref_slice %arg4[%add3A] : memref<645120xi32, #tpu.memory_space<hbm>> -> memref<72xi32, #tpu.memory_space<hbm>>
    %dma_wait3A_206 = tpu.memref_slice %arg4[%add3A] : memref<645120xi32, #tpu.memory_space<hbm>> -> memref<72xi32, #tpu.memory_space<hbm>>
    tpu.wait_dma2 semaphore(%arg44 : memref<!tpu.dma_semaphore, #tpu.memory_space<semaphore_mem>>) src(%dma_wait3A_206 : memref<72xi32, #tpu.memory_space<hbm>>) dst(%arg19 : memref<72xi32, #tpu.memory_space<vmem>>)
    %dma_start3A_207 = arith.constant 0 : i32
    %dma_start3A_208 = arith.constant 0 : i32
    %dma_start3A_209 = tpu.memref_slice %arg9[%dma_start3A_207, %dma_start3A_208] : memref<10240x128xf32, #tpu.memory_space<vmem_shared>> -> memref<10240x128xf32, #tpu.memory_space<vmem_shared>>
    tpu.enqueue_indirect_dma source(%arg20 : memref<72x128xf32, #tpu.memory_space<vmem>>) target(%dma_start3A_209 : memref<10240x128xf32, #tpu.memory_space<vmem_shared>>) offsets(%arg19 : memref<72xi32, #tpu.memory_space<vmem>>) semaphore(%arg34 : memref<!tpu.dma_semaphore, #tpu.memory_space<semaphore_mem>>) {add = true}
    %dma_wait3A_210 = arith.constant 0 : i32
    %dma_wait3A_211 = arith.constant 0 : i32
    %dma_wait3A_212 = tpu.memref_slice %arg9[%dma_wait3A_210, %dma_wait3A_211] : memref<10240x128xf32, #tpu.memory_space<vmem_shared>> -> memref<10240x128xf32, #tpu.memory_space<vmem_shared>>
    tpu.wait_indirect_dma semaphore(%arg30 : memref<!tpu.dma_semaphore, #tpu.memory_space<semaphore_mem>>) src(%arg20 : memref<72x128xf32, #tpu.memory_space<vmem>>) dst(%dma_wait3A_212 : memref<10240x128xf32, #tpu.memory_space<vmem_shared>>)
    %dma_wait3A_213 = arith.constant 0 : i32
    %dma_wait3A_214 = arith.constant 0 : i32
    %dma_wait3A_215 = tpu.memref_slice %arg9[%dma_wait3A_213, %dma_wait3A_214] : memref<10240x128xf32, #tpu.memory_space<vmem_shared>> -> memref<10240x128xf32, #tpu.memory_space<vmem_shared>>
    tpu.wait_indirect_dma semaphore(%arg31 : memref<!tpu.dma_semaphore, #tpu.memory_space<semaphore_mem>>) src(%arg20 : memref<72x128xf32, #tpu.memory_space<vmem>>) dst(%dma_wait3A_215 : memref<10240x128xf32, #tpu.memory_space<vmem_shared>>)
    %dma_wait3A_216 = arith.constant 0 : i32
    %dma_wait3A_217 = arith.constant 0 : i32
    %dma_wait3A_218 = tpu.memref_slice %arg9[%dma_wait3A_216, %dma_wait3A_217] : memref<10240x128xf32, #tpu.memory_space<vmem_shared>> -> memref<10240x128xf32, #tpu.memory_space<vmem_shared>>
    tpu.wait_indirect_dma semaphore(%arg32 : memref<!tpu.dma_semaphore, #tpu.memory_space<semaphore_mem>>) src(%arg20 : memref<72x128xf32, #tpu.memory_space<vmem>>) dst(%dma_wait3A_218 : memref<10240x128xf32, #tpu.memory_space<vmem_shared>>)
    %dma_wait3A_219 = arith.constant 0 : i32
    %dma_wait3A_220 = arith.constant 0 : i32
    %dma_wait3A_221 = tpu.memref_slice %arg9[%dma_wait3A_219, %dma_wait3A_220] : memref<10240x128xf32, #tpu.memory_space<vmem_shared>> -> memref<10240x128xf32, #tpu.memory_space<vmem_shared>>
    tpu.wait_indirect_dma semaphore(%arg33 : memref<!tpu.dma_semaphore, #tpu.memory_space<semaphore_mem>>) src(%arg20 : memref<72x128xf32, #tpu.memory_space<vmem>>) dst(%dma_wait3A_221 : memref<10240x128xf32, #tpu.memory_space<vmem_shared>>)
    %dma_wait3A_222 = arith.constant 0 : i32
    %dma_wait3A_223 = arith.constant 0 : i32
    %dma_wait3A_224 = tpu.memref_slice %arg9[%dma_wait3A_222, %dma_wait3A_223] : memref<10240x128xf32, #tpu.memory_space<vmem_shared>> -> memref<10240x128xf32, #tpu.memory_space<vmem_shared>>
    tpu.wait_indirect_dma semaphore(%arg34 : memref<!tpu.dma_semaphore, #tpu.memory_space<semaphore_mem>>) src(%arg20 : memref<72x128xf32, #tpu.memory_space<vmem>>) dst(%dma_wait3A_224 : memref<10240x128xf32, #tpu.memory_space<vmem_shared>>)
    %barrier3A_225 = arith.constant 0 : index
    tpu.barrier barrier_id(%barrier3A_225)
    %eq3A_226 = arith.constant 0 : i32
    %eq3A_227 = arith.cmpi eq, %arg0, %eq3A_226 : i32
    %convert_element_type3A_228 = arith.extui %eq3A_227 : i1 to i32
    %cond3A_229 = arith.constant 0 : i32
    %cond3A_230 = arith.cmpi ne, %convert_element_type3A_228, %cond3A_229 : i32
    scf.if %cond3A_230 {
      "tpu.region"() ({
        %run_scoped3A = tpu.sem_alloc : memref<!tpu.dma_semaphore, #tpu.memory_space<semaphore_mem>>
        %dma_start3A_236 = arith.constant 0 : i32
        %dma_start3A_237 = tpu.memref_slice %arg7[%mul3A_0, %dma_start3A_236] : memref<10240x128xf32, #tpu.memory_space<hbm>> -> memref<640x128xf32, #tpu.memory_space<hbm>>
        %dma_start3A_238 = arith.constant 0 : i32
        %dma_start3A_239 = tpu.memref_slice %arg9[%mul3A_0, %dma_start3A_238] : memref<10240x128xf32, #tpu.memory_space<vmem_shared>> -> memref<640x128xf32, #tpu.memory_space<vmem_shared>>
        tpu.enqueue_dma source(%dma_start3A_239 : memref<640x128xf32, #tpu.memory_space<vmem_shared>>) target(%dma_start3A_237 : memref<640x128xf32, #tpu.memory_space<hbm>>) target_semaphore(%run_scoped3A : memref<!tpu.dma_semaphore, #tpu.memory_space<semaphore_mem>>)
        %dma_wait3A_240 = arith.constant 0 : i32
        %dma_wait3A_241 = tpu.memref_slice %arg7[%mul3A_0, %dma_wait3A_240] : memref<10240x128xf32, #tpu.memory_space<hbm>> -> memref<640x128xf32, #tpu.memory_space<hbm>>
        %dma_wait3A_242 = arith.constant 0 : i32
        %dma_wait3A_243 = tpu.memref_slice %arg9[%mul3A_0, %dma_wait3A_242] : memref<10240x128xf32, #tpu.memory_space<vmem_shared>> -> memref<640x128xf32, #tpu.memory_space<vmem_shared>>
        tpu.wait_dma2 semaphore(%run_scoped3A : memref<!tpu.dma_semaphore, #tpu.memory_space<semaphore_mem>>) src(%dma_wait3A_243 : memref<640x128xf32, #tpu.memory_space<vmem_shared>>) dst(%dma_wait3A_241 : memref<640x128xf32, #tpu.memory_space<hbm>>)
        tpu.yield
      }) : () -> ()
    } else {
    }
    %eq3A_231 = arith.constant 1 : i32
    %eq3A_232 = arith.cmpi eq, %arg0, %eq3A_231 : i32
    %convert_element_type3A_233 = arith.extui %eq3A_232 : i1 to i32
    %cond3A_234 = arith.constant 0 : i32
    %cond3A_235 = arith.cmpi ne, %convert_element_type3A_233, %cond3A_234 : i32
    scf.if %cond3A_235 {
      "tpu.region"() ({
        %run_scoped3A = tpu.sem_alloc : memref<!tpu.dma_semaphore, #tpu.memory_space<semaphore_mem>>
        %dma_start3A_236 = arith.constant 0 : i32
        %dma_start3A_237 = tpu.memref_slice %arg8[%mul3A_0, %dma_start3A_236] : memref<10240x128xf32, #tpu.memory_space<hbm>> -> memref<640x128xf32, #tpu.memory_space<hbm>>
        %dma_start3A_238 = arith.constant 0 : i32
        %dma_start3A_239 = tpu.memref_slice %arg9[%mul3A_0, %dma_start3A_238] : memref<10240x128xf32, #tpu.memory_space<vmem_shared>> -> memref<640x128xf32, #tpu.memory_space<vmem_shared>>
        tpu.enqueue_dma source(%dma_start3A_239 : memref<640x128xf32, #tpu.memory_space<vmem_shared>>) target(%dma_start3A_237 : memref<640x128xf32, #tpu.memory_space<hbm>>) target_semaphore(%run_scoped3A : memref<!tpu.dma_semaphore, #tpu.memory_space<semaphore_mem>>)
        %dma_wait3A_240 = arith.constant 0 : i32
        %dma_wait3A_241 = tpu.memref_slice %arg8[%mul3A_0, %dma_wait3A_240] : memref<10240x128xf32, #tpu.memory_space<hbm>> -> memref<640x128xf32, #tpu.memory_space<hbm>>
        %dma_wait3A_242 = arith.constant 0 : i32
        %dma_wait3A_243 = tpu.memref_slice %arg9[%mul3A_0, %dma_wait3A_242] : memref<10240x128xf32, #tpu.memory_space<vmem_shared>> -> memref<640x128xf32, #tpu.memory_space<vmem_shared>>
        tpu.wait_dma2 semaphore(%run_scoped3A : memref<!tpu.dma_semaphore, #tpu.memory_space<semaphore_mem>>) src(%dma_wait3A_243 : memref<640x128xf32, #tpu.memory_space<vmem_shared>>) dst(%dma_wait3A_241 : memref<640x128xf32, #tpu.memory_space<hbm>>)
        tpu.yield
      }) : () -> ()
    } else {
    }
    return
  }
}

module attributes {stable_mosaic.version = 14 : i64} {
  func.func @_tc_body(%arg0: i32, %arg1: memref<400x128xf32, #tpu.memory_space<vmem>>, %arg2: memref<400x128xf32, #tpu.memory_space<vmem>>, %arg3: memref<400x128xf32, #tpu.memory_space<vmem>>, %arg4: memref<128x128xf32, #tpu.memory_space<vmem>>, %arg5: memref<128x128xf32, #tpu.memory_space<vmem>>, %arg6: memref<1x128xf32, #tpu.memory_space<vmem>>, %arg7: memref<400x128xf32, #tpu.memory_space<vmem>>, %arg8: memref<1x128xf32, #tpu.memory_space<vmem>>) attributes {dimension_semantics = [#tpu.dimension_semantics<arbitrary>], iteration_bounds = array<i64: 25>, scalar_prefetch = 0 : i64, scratch_operands = 0 : i64, tpu.core_type = #tpu.core_type<tc>, window_params = [{transform_indices = @transform_0, window_bounds = array<i64: 400, 128>}, {transform_indices = @transform_1, window_bounds = array<i64: 400, 128>}, {transform_indices = @transform_2, window_bounds = array<i64: 400, 128>}, {pipeline_mode = #tpu.pipeline_mode<synchronous>, transform_indices = @transform_3, window_bounds = array<i64: 128, 128>}, {pipeline_mode = #tpu.pipeline_mode<synchronous>, transform_indices = @transform_4, window_bounds = array<i64: 128, 128>}, {pipeline_mode = #tpu.pipeline_mode<synchronous>, transform_indices = @transform_5, window_bounds = array<i64: 1, 128>}, {transform_indices = @transform_6, window_bounds = array<i64: 400, 128>}, {pipeline_mode = #tpu.pipeline_mode<synchronous>, transform_indices = @transform_7, window_bounds = array<i64: 1, 128>}]} {
    %get3A = arith.constant 0 : index
    %get3A_0 = arith.constant 0 : index
    %get3A_1 = vector.load %arg1[%get3A, %get3A_0] : memref<400x128xf32, #tpu.memory_space<vmem>>, vector<400x128xf32>
    %get3A_2 = arith.constant 0 : index
    %get3A_3 = arith.constant 0 : index
    %get3A_4 = vector.load %arg4[%get3A_2, %get3A_3] : memref<128x128xf32, #tpu.memory_space<vmem>>, vector<128x128xf32>
    %dot_general3A = arith.constant dense<0.000000e+00> : vector<400x128xf32>
    %dot_general3A_5 = tpu.matmul %get3A_1, %get3A_4, %dot_general3A {dimension_numbers = #tpu.dot_dimension_numbers<[1], [0], [0], [1], [0, 0, 1, 1], [], []>, transpose_lhs_hint = false} : vector<400x128xf32>, vector<128x128xf32>, vector<400x128xf32> -> vector<400x128xf32>
    %get3A_6 = arith.constant 0 : index
    %get3A_7 = arith.constant 0 : index
    %get3A_8 = vector.load %arg2[%get3A_6, %get3A_7] : memref<400x128xf32, #tpu.memory_space<vmem>>, vector<400x128xf32>
    %get3A_9 = arith.constant 0 : index
    %get3A_10 = arith.constant 0 : index
    %get3A_11 = vector.load %arg5[%get3A_9, %get3A_10] : memref<128x128xf32, #tpu.memory_space<vmem>>, vector<128x128xf32>
    %dot_general3A_12 = arith.constant dense<0.000000e+00> : vector<400x128xf32>
    %dot_general3A_13 = tpu.matmul %get3A_8, %get3A_11, %dot_general3A_12 {dimension_numbers = #tpu.dot_dimension_numbers<[1], [0], [0], [1], [0, 0, 1, 1], [], []>, transpose_lhs_hint = false} : vector<400x128xf32>, vector<128x128xf32>, vector<400x128xf32> -> vector<400x128xf32>
    %add3A = arith.addf %dot_general3A_5, %dot_general3A_13 : vector<400x128xf32>
    %get3A_14 = arith.constant 0 : index
    %get3A_15 = arith.constant 0 : index
    %get3A_16 = vector.load %arg6[%get3A_14, %get3A_15] : memref<1x128xf32, #tpu.memory_space<vmem>>, vector<1x128xf32>
    %add3A_17 = vector.broadcast %get3A_16 : vector<1x128xf32> to vector<400x128xf32>
    %add3A_18 = arith.addf %add3A, %add3A_17 : vector<400x128xf32>
    %get3A_19 = arith.constant 0 : index
    %get3A_20 = arith.constant 0 : index
    %get3A_21 = vector.load %arg3[%get3A_19, %get3A_20] : memref<400x128xf32, #tpu.memory_space<vmem>>, vector<400x1xf32>
    %gt3A = arith.constant 0.000000e+00 : f32
    %gt3A_22 = vector.broadcast %gt3A : f32 to vector<400x1xf32>
    %gt3A_23 = arith.cmpf ogt, %get3A_21, %gt3A_22 : vector<400x1xf32>
    %convert_element_type3A = arith.extui %gt3A_23 : vector<400x1xi1> to vector<400x1xi32>
    %convert_element_type3A_24 = arith.sitofp %convert_element_type3A : vector<400x1xi32> to vector<400x1xf32>
    %max3A = arith.constant 0.000000e+00 : f32
    %max3A_25 = vector.broadcast %max3A : f32 to vector<400x128xf32>
    %max3A_26 = arith.maximumf %add3A_18, %max3A_25 : vector<400x128xf32>
    %mul3A = vector.broadcast %convert_element_type3A_24 : vector<400x1xf32> to vector<400x128xf32>
    %mul3A_27 = arith.mulf %max3A_26, %mul3A : vector<400x128xf32>
    %add3A_28 = arith.addf %get3A_1, %mul3A_27 : vector<400x128xf32>
    %swap3A = arith.constant 0 : index
    %swap3A_29 = arith.constant 0 : index
    %swap3A_30 = vector.load %arg7[%swap3A, %swap3A_29] : memref<400x128xf32, #tpu.memory_space<vmem>>, vector<400x128xf32>
    tpu.vector_store %arg7[%swap3A, %swap3A_29], %add3A_28 {strides = array<i32>} : memref<400x128xf32, #tpu.memory_space<vmem>>, vector<400x128xf32>,
    %eq3A = arith.constant 0 : i32
    %eq3A_31 = arith.cmpi eq, %arg0, %eq3A : i32
    %convert_element_type3A_32 = arith.extui %eq3A_31 : i1 to i32
    %cond3A = arith.constant 0 : i32
    %cond3A_33 = arith.cmpi ne, %convert_element_type3A_32, %cond3A : i32
    scf.if %cond3A_33 {
      %broadcast_in_dim3A_63 = arith.constant 0.000000e+00 : f32
      %broadcast_in_dim3A_64 = vector.broadcast %broadcast_in_dim3A_63 : f32 to vector<1x128xf32>
      %swap3A_65 = arith.constant 0 : index
      %swap3A_66 = arith.constant 0 : index
      %swap3A_67 = vector.load %arg8[%swap3A_65, %swap3A_66] : memref<1x128xf32, #tpu.memory_space<vmem>>, vector<1x128xf32>
      tpu.vector_store %arg8[%swap3A_65, %swap3A_66], %broadcast_in_dim3A_64 {strides = array<i32>} : memref<1x128xf32, #tpu.memory_space<vmem>>, vector<1x128xf32>,
    } else {
    }
    %iota3A = tpu.iota {dimensions = array<i32: 1>} : vector<1x128xi32>
    %eq3A_34 = arith.constant 0 : i32
    %eq3A_35 = vector.broadcast %eq3A_34 : i32 to vector<1x128xi32>
    %eq3A_36 = arith.cmpi eq, %iota3A, %eq3A_35 : vector<1x128xi32>
    %mul3A_37 = arith.mulf %mul3A_27, %mul3A_27 : vector<400x128xf32>
    %reduce_sum3A = vector.shape_cast %mul3A_37 : vector<400x128xf32> to vector<1x400x128xf32>
    %reduce_sum3A_38 = arith.constant dense<0.000000e+00> : vector<1xf32>
    %reduce_sum3A_39 = vector.multi_reduction <add>, %reduce_sum3A, %reduce_sum3A_38 [1, 2] : vector<1x400x128xf32> to vector<1xf32>
    %reduce_sum3A_40 = vector.shape_cast %reduce_sum3A_39 : vector<1xf32> to vector<1x1x1xf32>
    %reduce_sum3A_41 = vector.extract %reduce_sum3A_40[0, 0, 0] : f32 from vector<1x1x1xf32>
    %jit3A = arith.constant 0.000000e+00 : f32
    %broadcast_in_dim3A = vector.broadcast %reduce_sum3A_41 : f32 to vector<1x128xf32>
    %broadcast_in_dim3A_42 = vector.broadcast %jit3A : f32 to vector<1x128xf32>
    %select_n3A = arith.select %eq3A_36, %broadcast_in_dim3A, %broadcast_in_dim3A_42 : vector<1x128xi1>, vector<1x128xf32>
    %eq3A_43 = arith.constant 1 : i32
    %eq3A_44 = vector.broadcast %eq3A_43 : i32 to vector<1x128xi32>
    %eq3A_45 = arith.cmpi eq, %iota3A, %eq3A_44 : vector<1x128xi32>
    %reduce_sum3A_46 = vector.shape_cast %convert_element_type3A_24 : vector<400x1xf32> to vector<1x400x1xf32>
    %reduce_sum3A_47 = arith.constant dense<0.000000e+00> : vector<1xf32>
    %reduce_sum3A_48 = vector.multi_reduction <add>, %reduce_sum3A_46, %reduce_sum3A_47 [1, 2] : vector<1x400x1xf32> to vector<1xf32>
    %reduce_sum3A_49 = vector.shape_cast %reduce_sum3A_48 : vector<1xf32> to vector<1x1x1xf32>
    %reduce_sum3A_50 = vector.extract %reduce_sum3A_49[0, 0, 0] : f32 from vector<1x1x1xf32>
    %jit3A_51 = arith.constant 0.000000e+00 : f32
    %broadcast_in_dim3A_52 = vector.broadcast %reduce_sum3A_50 : f32 to vector<1x128xf32>
    %broadcast_in_dim3A_53 = vector.broadcast %jit3A_51 : f32 to vector<1x128xf32>
    %select_n3A_54 = arith.select %eq3A_45, %broadcast_in_dim3A_52, %broadcast_in_dim3A_53 : vector<1x128xi1>, vector<1x128xf32>
    %add3A_55 = arith.addf %select_n3A, %select_n3A_54 : vector<1x128xf32>
    %get3A_56 = arith.constant 0 : index
    %get3A_57 = arith.constant 0 : index
    %get3A_58 = vector.load %arg8[%get3A_56, %get3A_57] : memref<1x128xf32, #tpu.memory_space<vmem>>, vector<1x128xf32>
    %add3A_59 = arith.addf %get3A_58, %add3A_55 : vector<1x128xf32>
    %swap3A_60 = arith.constant 0 : index
    %swap3A_61 = arith.constant 0 : index
    %swap3A_62 = vector.load %arg8[%swap3A_60, %swap3A_61] : memref<1x128xf32, #tpu.memory_space<vmem>>, vector<1x128xf32>
    tpu.vector_store %arg8[%swap3A_60, %swap3A_61], %add3A_59 {strides = array<i32>} : memref<1x128xf32, #tpu.memory_space<vmem>>, vector<1x128xf32>,
    return
  }
  func.func @transform_0(%arg0: i32) -> (i32, i32) {
    %c0_i32 = arith.constant 0 : i32
    %c0_i32_0 = arith.constant 0 : i32
    return %arg0, %c0_i32 : i32, i32
  }
  func.func @transform_1(%arg0: i32) -> (i32, i32) {
    %c0_i32 = arith.constant 0 : i32
    %c0_i32_0 = arith.constant 0 : i32
    return %arg0, %c0_i32 : i32, i32
  }
  func.func @transform_2(%arg0: i32) -> (i32, i32) {
    %c0_i32 = arith.constant 0 : i32
    %c0_i32_0 = arith.constant 0 : i32
    return %arg0, %c0_i32 : i32, i32
  }
  func.func @transform_3(%arg0: i32) -> (i32, i32) {
    %c0_i32 = arith.constant 0 : i32
    %c0_i32_0 = arith.constant 0 : i32
    %c0_i32_1 = arith.constant 0 : i32
    return %c0_i32, %c0_i32_0 : i32, i32
  }
  func.func @transform_4(%arg0: i32) -> (i32, i32) {
    %c0_i32 = arith.constant 0 : i32
    %c0_i32_0 = arith.constant 0 : i32
    %c0_i32_1 = arith.constant 0 : i32
    return %c0_i32, %c0_i32_0 : i32, i32
  }
  func.func @transform_5(%arg0: i32) -> (i32, i32) {
    %c0_i32 = arith.constant 0 : i32
    %c0_i32_0 = arith.constant 0 : i32
    %c0_i32_1 = arith.constant 0 : i32
    return %c0_i32, %c0_i32_0 : i32, i32
  }
  func.func @transform_6(%arg0: i32) -> (i32, i32) {
    %c0_i32 = arith.constant 0 : i32
    %c0_i32_0 = arith.constant 0 : i32
    return %arg0, %c0_i32 : i32, i32
  }
  func.func @transform_7(%arg0: i32) -> (i32, i32) {
    %c0_i32 = arith.constant 0 : i32
    %c0_i32_0 = arith.constant 0 : i32
    %c0_i32_1 = arith.constant 0 : i32
    return %c0_i32, %c0_i32_0 : i32, i32
  }
}

</mosaic_0001>

<sc_bundles>
// kernel: kernel.5.cloned.1.call-start
scs
__scs_entry_jumppad:
0x0: {  	(pc) =	sbr.rel $0x88, $3  }
0x1: {  	(tag) =	ssettag $0x0;
	lr =	simm.s32 $0x1  }
0x2: {  	[smem:$0x3F97] =	sst lr;
	_ =	strace $0xD0000000  }
0x3: {  	_ = 	snop  }
0x4: {  	_ = 	snop  }
0x5: {  	_ = 	snop  }
0x6: {  	_ = 	snop  }
0x7: {  	_ = 	snop  }
__scs_overlays_trampoline_lowered:
0x8: {  	[smem:$0x3FA6] =	sst s0  }
0x9: {  	[smem:$0x3FA7] =	sst s1  }
0xa: {  	[smem:$0x3FA8] =	sst s2  }
0xb: {  	[smem:$0x3FA9] =	sst s3  }
0xc: {  	[smem:$0x3FAA] =	sst s4  }
0xd: {  	[smem:$0x3FAB] =	sst s5  }
0xe: {  	[smem:$0x3FAC] =	sst s6  }
0xf: {  	[smem:$0x3FAD] =	sst s7  }
0x10: {  	[smem:$0x3FAE] =	sst s8  }
0x11: {  	[smem:$0x3FAF] =	sst s9;
	s0 =	simm.s32 @!p0 $0x0  }
0x12: {  	s1 =	sld [smem:$0x3F95];
	s0 =	simm.s32 @p0 $0x1  }
0x13: {  	[smem:$0x3FB0] =	sst s0;
	s0 =	simm.s32 @!p1 $0x0  }
0x14: {  	s2 =	sld [smem:$0x3F94];
	s0 =	simm.s32 @p1 $0x1  }
0x15: {  	[smem:$0x3FB1] =	sst s0;
	s0 =	simm.s32 @!p2 $0x0  }
0x16: {  	s3 =	sld [smem:$0x3FDB];
	s0 =	simm.s32 @p2 $0x1  }
0x17: {  	s4 =	simm.s32 $0x1BF5;
	[smem:$0x3FB3] =	sst s0  }
0x18: {  	s0 =	sld [smem:$0x3F96];
	_ =	swait.ge [sflag:s4], $0x0  }
0x19: {  	s7 =	sld [smem:$0x3F97]  }
0x1a: {  	s8 =	sadd.s32 $0xFFFFE003, lr  }
0x1b: {  	s9 =	sadd.s32 $0xFFFFFEF7, lr;
	s5 =	simm.s32 $0xFFFFFFFF;
	p2 =	slt.u32 s8, $0xFFFFF086  }
0x1c: {  	p1 =	slt.u32 s9, $0xF7A;
	s5 =	simm.s32 @!p2 $0x0  }
0x1d: {  	s5 =	simm.s32 @p1 $0x1;
	p0 =	seq.s32 s7, s2  }
0x1e: {  	s7 =	smul.u32 @!p0 $0xF7A, s2;
	p2 =	seq.s32 @!p0 s5, $0x0  }
0x1f: {  	s9 =	smul.u32 $0xF7A, s1;
	s8 =	simm.s32 @!p0 $0x1BF5;
	p2 =	por !p2, p0  }
0x20: {  	[sflag:s8] =	ssyncset.s32 @!p0 $0xFFFFF086;
	s6 =	sadd.s32 @!p0 s3, s7;
	s7 =	simm.s32 @!p0 $0x108  }
0x21: {  	s3 =	sadd.s32 s3, s9;
	s6 =	sadd.s32 @!p0 $0x88, s6;
	s7 =	simm.s32 @p2 $0x1082  }
0x22: {  	[simem:s7], [sflag:s8] =	dma.local @!p0 [hbm:s6], $0xF7A  }
0x23: {  	s9 =	sor.u32 $0xD0000000, s2;
	s6 =	simm.s32 $0x108;
	_ =	swait.ge @!p0 [sflag:s8], $0x0  }
0x24: {  	s3 =	sadd.s32 $0x88, s3;
	s6 =	simm.s32 @!p1 $0x1082;
	[sflag:s4] =	ssyncset.s32 $0xFFFFF086  }
0x25: {  	[simem:s6], [sflag:s4] =	dma.local [hbm:s3], $0xF7A  }
0x26: {  	[smem:$0x3F97] =	sst s1;
	(tag) =	ssettag s2;
	_ =	strace s9  }
0x27: {  	s1 =	sld [smem:$0x3FA7]  }
0x28: {  	s2 =	sld [smem:$0x3FA8]  }
0x29: {  	s4 =	sld [smem:$0x3FAA]  }
0x2a: {  	p0 =	seq.s32 s5, $0x0;
	s5 =	sld [smem:$0x3FAB]  }
0x2b: {  	s6 =	sld [smem:$0x3FAC]  }
0x2c: {  	s7 =	sld [smem:$0x3FAD]  }
0x2d: {  	s3 =	simm.s32 $0x108;
	s8 =	sld [smem:$0x3FAE]  }
0x2e: {  	s3 =	simm.s32 @!p0 $0x1082;
	s9 =	sld [smem:$0x3FAF]  }
0x2f: {  	lr =	sadd.s32 s0, s3;
	s0 =	sld [smem:$0x3FA6]  }
0x30: {  	s3 =	sld [smem:$0x3FA9]  }
0x31: {  	[smem:$0x3FB2] =	sst s10  }
0x32: {  	s10 =	sld [smem:$0x3FB0];
	_ =	sdelay $0x3  }
0x33: {  	p0 =	seq.s32 s10, $0x1;
	s10 =	sld [smem:$0x3FB2];
	_ =	sdelay $0x3  }
0x34: {  	[smem:$0x3FB2] =	sst s10  }
0x35: {  	s10 =	sld [smem:$0x3FB1];
	_ =	sdelay $0x3  }
0x36: {  	p1 =	seq.s32 s10, $0x1;
	s10 =	sld [smem:$0x3FB2];
	_ =	sdelay $0x3  }
0x37: {  	[smem:$0x3FB2] =	sst s10  }
0x38: {  	s10 =	sld [smem:$0x3FB3]  }
0x39: {  	_ = 	snop;
	(pc) =	sbr.ind lr, $3  }
0x3a: {  	_ = 	snop  }
0x3b: {  	_ = 	snop  }
0x3c: {  	p2 =	seq.s32 s10, $0x1;
	s10 =	sld [smem:$0x3FB2]  }
0x3d: {  	_ =	shalt  }
0x3e: {  	_ =	shalt  }
0x3f: {  	_ =	shalt  }
0x40: {  	_ =	shalt  }
0x41: {  	_ =	shalt  }
0x42: {  	_ =	shalt  }
0x43: {  	_ =	shalt  }
0x44: {  	_ =	shalt  }
0x45: {  	_ =	shalt  }
0x46: {  	_ =	shalt  }
0x47: {  	_ =	shalt  }
0x48: {  	_ =	shalt  }
0x49: {  	_ =	shalt  }
0x4a: {  	_ =	shalt  }
0x4b: {  	_ =	shalt  }
0x4c: {  	_ =	shalt  }
0x4d: {  	_ =	shalt  }
0x4e: {  	_ =	shalt  }
0x4f: {  	_ =	shalt  }
0x50: {  	_ =	shalt  }
0x51: {  	_ =	shalt  }
0x52: {  	_ =	shalt  }
0x53: {  	_ =	shalt  }
0x54: {  	_ =	shalt  }
0x55: {  	_ =	shalt  }
0x56: {  	_ =	shalt  }
0x57: {  	_ =	shalt  }
0x58: {  	_ =	shalt  }
0x59: {  	_ =	shalt  }
0x5a: {  	_ =	shalt  }
0x5b: {  	_ =	shalt  }
0x5c: {  	_ =	shalt  }
0x5d: {  	_ =	shalt  }
0x5e: {  	_ =	shalt  }
0x5f: {  	_ =	shalt  }
0x60: {  	_ =	shalt  }
0x61: {  	_ =	shalt  }
0x62: {  	_ =	shalt  }
0x63: {  	_ =	shalt  }
0x64: {  	_ =	shalt  }
0x65: {  	_ =	shalt  }
0x66: {  	_ =	shalt  }
0x67: {  	_ =	shalt  }
0x68: {  	_ =	shalt  }
0x69: {  	_ =	shalt  }
0x6a: {  	_ =	shalt  }
0x6b: {  	_ =	shalt  }
0x6c: {  	_ =	shalt  }
0x6d: {  	_ =	shalt  }
0x6e: {  	_ =	shalt  }
0x6f: {  	_ =	shalt  }
0x70: {  	_ =	shalt  }
0x71: {  	_ =	shalt  }
0x72: {  	_ =	shalt  }
0x73: {  	_ =	shalt  }
0x74: {  	_ =	shalt  }
0x75: {  	_ =	shalt  }
0x76: {  	_ =	shalt  }
0x77: {  	_ =	shalt  }
0x78: {  	_ =	shalt  }
0x79: {  	_ =	shalt  }
0x7a: {  	_ =	shalt  }
0x7b: {  	_ =	shalt  }
0x7c: {  	_ =	shalt  }
0x7d: {  	_ =	shalt  }
0x7e: {  	_ =	shalt  }
0x7f: {  	_ =	shalt  }
0x80: {  	_ =	shalt  }
0x81: {  	_ =	shalt  }
0x82: {  	_ =	shalt  }
0x83: {  	_ =	shalt  }
0x84: {  	_ =	shalt  }
0x85: {  	_ =	shalt  }
0x86: {  	_ =	shalt  }
0x87: {  	_ =	shalt  }
.Lfunc_end0:
.L_simem_size_0:
called_computation_lowered:
.L_overlay_start_0:
0x88: {  	s2 =	sld [smem:$0x3FD9]  }
0x89: {  	s3 =	sld [smem:$0x3FFE];
	_ =	sdelay $0x1  }
0x8a: {  	s1 =	srdreg.scid  }
0x8b: {  	s0 =	sand.u32 $0x1, s1  }
0x8c: {  	s14 =	sshll.u32 s0, $0xA;
	s2 =	sadd.s32 s3, s2  }
0x8d: {  	s2 =	sadd.s32 s2, s14  }
0x8e: {  	[smem:$0x3FBE] =	sst s2  }
0x8f: {  	_ = 	snop  }
0x90: {  	s2 =	sld [smem:$0x3FD0];
	_ =	sdelay $0x2  }
0x91: {  	s15 =	simm.s32 $0xA;
	s4 =	simm.s32 $0x10  }
0x92: {  	[smem:s4], [sflag:s15] =	dma.local [hbm:s2], $0x1  }
0x93: {  	_ =	swait.eq [sflag:s15], $0x1  }
0x94: {  	[sflag:s15] =	ssyncset.done $0x0  }
0x95: {  	s16 =	sld [smem:$0x10];
	[sflag:s15] =	ssyncadd.s32 $0xFFFFFFFF  }
0x96: {  	s17 =	sld [smem:$0x11];
	(tm) =	ssettm $0x1  }
0x97: {  	s18 =	sld [smem:$0x3FFB];
	_ =	sdelay $0x3  }
0x98: {  	_ =	strace s18  }
0x99: {  	s4 =	sld [smem:$0x3FFC];
	_ =	sdelay $0x3  }
0x9a: {  	_ =	strace s4  }
0x9b: {  	s4 =	sld [smem:$0x3FFD];
	_ =	sdelay $0x3  }
0x9c: {  	_ =	strace s4  }
0x9d: {  	_ =	strace $0x8FFFFFFF  }
0x9e: {  	s19 =	sld [smem:$0x3FDB];
	_ =	sdelay $0x1  }
0x9f: {  	s5 =	simm.s32 $_scs_section_size  }
0xa0: {  	s6 =	simm.s32 $_size__tile_overlayer_lowered;
	s7 =	simm.s32 $_tile_overlayer_lowered  }
0xa1: {  	s22 =	simm.s32 $0x1BFF;
	s21 =	sshll.u32 s7, $0x1;
	s4 =	sadd.s32 s5, s19  }
0xa2: {  	s8 =	simm.s32 $0x0;
	s20 =	sshll.u32 s6, $0x1;
	s6 =	sadd.s32 s21, s4  }
0xa3: {  	[timem:s8], [sflag:s22] =	dma.local [hbm:s6], s20  }
0xa4: {  	_ =	swait.ge [sflag:s22], s20  }
0xa5: {  	s5 =	ssub.s32 $0x0, s20;
	[sflag:s22] =	ssyncset.done $0x0  }
0xa6: {  	[sflag:s22] =	ssyncadd.s32 s5;
	_ =	sdelay $0x1  }
0xa7: {  	s23 =	simm.s32 $0x1B8B  }
0xa8: {  	_ =	swait.ge [sflag:s23], $0x1  }
0xa9: {  	[sflag:s23] =	ssyncset.done $0x0  }
0xaa: {  	s25 =	simm.s32 $0x1B8E;
	s24 =	sld [smem:$0x3FFE];
	[sflag:s23] =	ssyncadd.s32 $0xFFFFFFFF  }
0xab: {  	s26 =	simm.s32 $execute0_lowered;
	[smem:$0x3FD2] =	sst s25  }
0xac: {  	s6 =	sshll.u32 s26, $0x1;
	_ =	strace $0x80000046;
	[dreg:$0x1] =	wrdreg $0xFFFFFFFF  }
0xad: {  	s28 =	simm.s32 $_size_execute0_lowered;
	s4 =	sadd.s32 s4, s6;
	[dreg:$0x0] =	wrdreg $0x0  }
0xae: {  	s6 =	sshll.u32 s28, $0x1;
	[dreg:$0x2] =	wrdreg s4  }
0xaf: {  	[dreg:$0x3] =	wrdreg s6  }
0xb0: {  	[dreg:$0x4] =	wrdreg $0xC0  }
0xb1: {  	_ =	task [dreg:s8], $0x5FFFF  }
0xb2: {  	[dreg:$0x1] =	wrdreg $0xFFFFFFFF  }
0xb3: {  	[dreg:$0x0] =	wrdreg $0x60  }
0xb4: {  	[dreg:$0x2] =	wrdreg s24  }
0xb5: {  	[dreg:$0x3] =	wrdreg s16  }
0xb6: {  	[dreg:$0x4] =	wrdreg s17  }
0xb7: {  	[dreg:$0x5] =	wrdreg $0x0  }
0xb8: {  	[dreg:$0x6] =	wrdreg $0x9  }
0xb9: {  	_ =	task.clear_ibuf [dreg:s8], $0x7FFFF;
	_ =	strace $0x90000046  }
0xba: {  	s29 =	simm.s32 $0x9;
	_ =	strace $0x80000048  }
0xbb: {  	_ =	swait.ge [sflag:s29], $0x1  }
0xbc: {  	[sflag:s29] =	ssyncadd.s32 $0xFFFFFFFF  }
0xbd: {  	_ =	strace $0x90000048  }
0xbe: {  	_ =	sfence  }
0xbf: {  	s30 =	sld [smem:$0x0];
	_ =	sdelay $0x2  }
0xc0: {  	s31 =	sshll.u32 s1, $0xD;
	s1 =	sshrl.u32 s1, $0x2  }
0xc1: {  	s3 =	sand.u32 $0x4000, s31;
	s1 =	sadd.s32 s1, s30  }
0xc2: {  	s0 =	sor.u32 s3, s0;
	s1 =	sshll.u32 s1, $0x11  }
0xc3: {  	s0 =	sor.u32 s1, s0  }
0xc4: {  	s0 =	sadd.s32 $0x8F2B, s0  }
0xc5: {  	[sflag:s0] =	ssyncadd.remote.s32 $0x1  }
0xc6: {  	_ =	sfence.sel $0xFFFF  }
0xc7: {  	[dreg:$0x0] =	wrdreg $0xFFFFFFFF;
	(pc) =	sbr.abs _section_cstart, $3  }
0xc8: {  	[dreg:$0x1] =	wrdreg $0xFFFFFFFF  }
0xc9: {  	_ =	task.clear_ibuf [dreg:s8], $0x2FFFF;
	_ =	strace $0x9FFFFFFF  }
0xca: {  	(tm) =	ssettm $0x7FFFFFFF  }
0xcb: {  	_ =	shalt  }
tec
execute0_lowered:
.L_overlay_start_1:
0x0: {  	(tag) =	ssettag $0x1  }
0x1: {  	s0 =	rddreg [dreg:$0x0]  }
0x2: {  	s17 =	rddreg [dreg:$0x1]  }
0x3: {  	s13 =	rddreg [dreg:$0x2]  }
0x4: {  	s3 =	rddreg [dreg:$0x3];
	s4 =	simm.s32 $0x0;
	s1 =	srdreg.scid  }
0x5: {  	s14 =	stileid.u32;
	[smem:$0x7FF] =	sst s4;
	s1 =	sand.u32 $0x1, s1  }
0x6: {  	s5 =	sadd.s32 $0xA1800, s0;
	s6 =	sadd.s32 $0x51800, s0;
	s7 =	smul.u32 $0x4EC0, s14  }
0x7: {  	s8 =	sadd.s32 $0xC9800, s0;
	s10 =	smul.u32 $0x50000, s14;
	s11 =	sadd.s32 $0x79800, s0  }
0x8: {  	s18 =	smul.u32 $0x2800, s14;
	_ =	strace $0x80000047;
	s9 =	ssub.s32 $0x2, s1  }
0x9: {  	s2 =	smul.u32 $0x4EC00, s1;
	p0 =	seq.s32 s1, $0x0;
	s12 =	sshrl.u32 s9, $0x1  }
0xa: {  	s22 =	sshrl.u32 s10, $0x2;
	s6 =	smov.u32 @p0 s5;
	s11 =	smov.u32 @p0 s8  }
0xb: {  	s2 =	sadd.s32 s7, s2;
	s7 =	ssub.s32 s9, s12;
	s6 =	sadd.s32 s6, s18  }
0xc: {  	s30 =	sadd.s32 s22, s3;
	s1 =	sadd.s32 s11, s18;
	[dreg:$0x16] =	wrdreg s6  }
0xd: {  	s23 =	sadd.s32 $0x48, s2;
	s9 =	sshrl.u32 s2, $0x3;
	[dreg:$0x17] =	wrdreg s1  }
0xe: {  	s31 =	sadd.s32 $0xD8, s2;
	s14 =	smax.u32 s7, $0x1;
	[dreg:$0xd] =	wrdreg s30  }
0xf: {  	s21 =	sadd.s32 $0x240, s2;
	s24 =	sadd.s32 s17, s9;
	[dreg:$0x1c] =	wrdreg s14  }
0x10: {  	s10 =	sshrl.u32 s23, $0x3;
	s25 =	sadd.s32 s13, s9;
	[dreg:$0xe] =	wrdreg s24  }
0x11: {  	s22 =	sshrl.u32 s21, $0x3;
	s21 =	sadd.s32 $0x168, s2;
	[dreg:$0xf] =	wrdreg s25  }
0x12: {  	s19 =	sadd.s32 $0x288, s2;
	s26 =	sadd.s32 s17, s10;
	[dreg:$0x1d] =	wrdreg s21  }
0x13: {  	s28 =	sadd.s32 $0x12, s9;
	s10 =	sadd.s32 s13, s10;
	[dreg:$0x10] =	wrdreg s26  }
0x14: {  	s16 =	sshrl.u32 s31, $0x3;
	s15 =	sadd.s32 s17, s28;
	[dreg:$0x11] =	wrdreg s10  }
0x15: {  	s5 =	sshrl.u32 s19, $0x3;
	s12 =	sadd.s32 s17, s16;
	[dreg:$0x12] =	wrdreg s15  }
0x16: {  	s20 =	sadd.s32 s5, s17;
	[dreg:$0x14] =	wrdreg s12  }
0x17: {  	s9 =	sadd.s32 $0x24, s9;
	s24 =	sadd.s32 s22, s17;
	[dreg:$0x5] =	wrdreg s20  }
0x18: {  	s31 =	sadd.s32 s17, s9;
	[dreg:$0x6] =	wrdreg s24  }
0x19: {  	s23 =	sadd.s32 $0x1F8, s2;
	s11 =	sadd.s32 s13, s9;
	[dreg:$0x18] =	wrdreg s31  }
0x1a: {  	s6 =	sshrl.u32 s23, $0x3;
	s23 =	sadd.s32 $0x5000, s30;
	[dreg:$0x19] =	wrdreg s11  }
0x1b: {  	s10 =	sadd.s32 s13, s28;
	[dreg:$0x1f] =	wrdreg s23  }
0x1c: {  	s29 =	simm.s32 $0x48;
	s26 =	sadd.s32 s6, s17;
	[dreg:$0x13] =	wrdreg s10  }
0x1d: {  	s7 =	simm.s32 $0x15;
	s12 =	sadd.s32 $0x50E00, s0;
	[dreg:$0x7] =	wrdreg s26  }
0x1e: {  	s19 =	sadd.s32 $0x2C00, s0;
	s0 =	sadd.s32 $0x51280, s0;
	[dreg:$0x1a] =	wrdreg s12  }
0x1f: {  	s25 =	sadd.s32 $0x1B0, s2;
	s15 =	sadd.s32 s5, s13;
	[dreg:$0x1b] =	wrdreg s0  }
0x20: {  	s18 =	sadd.s32 s6, s13;
	s24 =	sadd.s32 $0x7800, s30;
	[dreg:$0x9] =	wrdreg s15  }
0x21: {  	s31 =	sadd.s32 $0x11800, s30;
	s11 =	simm.s32 $0x14500;
	[dreg:$0xb] =	wrdreg s18  }
0x22: {  	s23 =	simm.s32 $0x14000;
	s10 =	sadd.s32 s13, s16;
	[smem:$0x7F9] =	sst s24  }
0x23: {  	s16 =	sadd.s32 s22, s13;
	s22 =	sadd.s32 $0x2800, s30;
	[smem:$0x7FD] =	sst s31  }
0x24: {  	s26 =	sadd.s32 $0xC800, s30;
	s24 =	simm.s32 $0x14080;
	[dreg:$0x15] =	wrdreg s10  }
0x25: {  	s15 =	simm.s32 $0xC;
	s18 =	simm.s32 $0x16900;
	[dreg:$0xa] =	wrdreg s16  }
0x26: {  	s0 =	simm.s32 $0x0;
	s10 =	sshrl.u32 s25, $0x3;
	[dreg:$0x1e] =	wrdreg s22  }
0x27: {  	s25 =	sadd.s32 $0xA000, s30;
	[smem:$0x7FB] =	sst s26;
	s26 =	simm.s32 $0x14180  }
0x28: {  	s16 =	simm.s32 $0xB;
	s28 =	sadd.s32 s10, s17;
	[smem:$0x7FA] =	sst s25  }
0x29: {  	s22 =	simm.s32 $0x18D00;
	s20 =	sadd.s32 s10, s13;
	[dreg:$0x8] =	wrdreg s28  }
0x2a: {  	s10 =	smov.u32 s13;
	[dreg:$0xc] =	wrdreg s20;
	s28 =	sadd.s32 $0xF000, s30  }
0x2b: {  	s25 =	simm.s32 $0x14100;
	s13 =	simm.s32 $0xD;
	[smem:$0x7FC] =	sst s28  }
.LBB2_1:
0x2c: {  	[smem:$0x7F7] =	sst s0  }
0x2d: {  	s2 =	rddreg [dreg:$0x1a]  }
0x2e: {  	[tilespmem:s11], [sflag:$0x15] =	stream.linear.gather [hbm4b:s2+s4], $0x2800, $0x38;
	[tilespmem:$0x1F900] =	vst v63  }
0x2f: {  	_ =	swait.ge [sflag:s7], $0x2800  }
0x30: {  	[sflag:s7] =	ssyncset.done $0x0  }
0x31: {  	[sflag:s7] =	ssyncadd.s32 $0xFFFFD800  }
0x32: {  	[spmem:s30] =	stream.linear.scatter [tilespmem:s11], [sflag:$0x15], $0x2800, $0x38;
	[tilespmem:$0x1F900] =	vst v63  }
0x33: {  	_ =	swait.ge [sflag:s7], $0x2800  }
0x34: {  	[sflag:s7] =	ssyncset.done $0x0  }
0x35: {  	s12 =	rddreg [dreg:$0x1e];
	[sflag:s7] =	ssyncadd.s32 $0xFFFFD800  }
0x36: {  	[spmem:s12] =	stream.linear.scatter [tilespmem:s11], [sflag:$0x15], $0x2800, $0x38;
	[tilespmem:$0x1F900] =	vst v63  }
0x37: {  	_ =	swait.ge [sflag:s7], $0x2800  }
0x38: {  	[sflag:s7] =	ssyncset.done $0x0  }
0x39: {  	s14 =	rddreg [dreg:$0x1f];
	[sflag:s7] =	ssyncadd.s32 $0xFFFFD800  }
0x3a: {  	[spmem:s14] =	stream.linear.scatter [tilespmem:s11], [sflag:$0x15], $0x2800, $0x38;
	[tilespmem:$0x1F900] =	vst v63  }
0x3b: {  	_ =	swait.ge [sflag:s7], $0x2800  }
0x3c: {  	s20 =	sld [smem:$0x7F9]  }
0x3d: {  	[sflag:s7] =	ssyncset.done $0x0  }
0x3e: {  	[sflag:s7] =	ssyncadd.s32 $0xFFFFD800  }
0x3f: {  	[spmem:s20] =	stream.linear.scatter [tilespmem:s11], [sflag:$0x15], $0x2800, $0x38;
	[tilespmem:$0x1F900] =	vst v63  }
0x40: {  	_ =	swait.ge [sflag:s7], $0x2800  }
0x41: {  	s21 =	sld [smem:$0x7FA]  }
0x42: {  	[sflag:s7] =	ssyncset.done $0x0  }
0x43: {  	[sflag:s7] =	ssyncadd.s32 $0xFFFFD800  }
0x44: {  	[spmem:s21] =	stream.linear.scatter [tilespmem:s11], [sflag:$0x15], $0x2800, $0x38;
	[tilespmem:$0x1F900] =	vst v63  }
0x45: {  	_ =	swait.ge [sflag:s7], $0x2800  }
0x46: {  	s0 =	sld [smem:$0x7FB]  }
0x47: {  	[sflag:s7] =	ssyncset.done $0x0  }
0x48: {  	[sflag:s7] =	ssyncadd.s32 $0xFFFFD800  }
0x49: {  	[spmem:s0] =	stream.linear.scatter [tilespmem:s11], [sflag:$0x15], $0x2800, $0x38;
	[tilespmem:$0x1F900] =	vst v63  }
0x4a: {  	_ =	swait.ge [sflag:s7], $0x2800  }
0x4b: {  	s1 =	sld [smem:$0x7FC]  }
0x4c: {  	[sflag:s7] =	ssyncset.done $0x0  }
0x4d: {  	[sflag:s7] =	ssyncadd.s32 $0xFFFFD800  }
0x4e: {  	[spmem:s1] =	stream.linear.scatter [tilespmem:s11], [sflag:$0x15], $0x2800, $0x38;
	[tilespmem:$0x1F900] =	vst v63  }
0x4f: {  	_ =	swait.ge [sflag:s7], $0x2800  }
0x50: {  	s5 =	sld [smem:$0x7FD]  }
0x51: {  	[sflag:s7] =	ssyncset.done $0x0  }
0x52: {  	[sflag:s7] =	ssyncadd.s32 $0xFFFFD800  }
0x53: {  	[spmem:s5] =	stream.linear.scatter [tilespmem:s11], [sflag:$0x15], $0x2800, $0x38;
	[tilespmem:$0x1F900] =	vst v63  }
0x54: {  	_ =	swait.ge [sflag:s7], $0x2800  }
0x55: {  	[sflag:s7] =	ssyncset.done $0x0  }
0x56: {  	[sflag:s7] =	ssyncadd.s32 $0xFFFFD800  }
0x57: {  	[bflag:$0x0] =	sbarrier.arrive $0xFFFF  }
0x58: {  	s6 =	rddreg [dreg:$0xe]  }
0x59: {  	[tilespmem:s23], [sflag:$0xB] =	stream.linear.gather [hbm4b:s6+s4], $0x48, $0x38;
	[tilespmem:$0x1F900] =	vst v63  }
0x5a: {  	s28 =	simm.s32 $0x14280;
	s7 =	rddreg [dreg:$0xf]  }
0x5b: {  	[tilespmem:s28], [sflag:$0x10] =	stream.linear.gather [hbm4b:s7+s4], $0x48, $0x38;
	[tilespmem:$0x1F900] =	vst v63  }
0x5c: {  	s8 =	rddreg [dreg:$0x10]  }
0x5d: {  	[tilespmem:s24], [sflag:$0xC] =	stream.linear.gather [hbm4b:s8+s4], $0x48, $0x38;
	[tilespmem:$0x1F900] =	vst v63  }
0x5e: {  	s21 =	simm.s32 $0x14300;
	s9 =	rddreg [dreg:$0x11]  }
0x5f: {  	[tilespmem:s21], [sflag:$0x11] =	stream.linear.gather [hbm4b:s9+s4], $0x48, $0x38;
	[tilespmem:$0x1F900] =	vst v63  }
0x60: {  	s12 =	rddreg [dreg:$0x12]  }
0x61: {  	[tilespmem:s25], [sflag:$0xD] =	stream.linear.gather [hbm4b:s12+s4], $0x48, $0x38;
	[tilespmem:$0x1F900] =	vst v63  }
0x62: {  	s14 =	rddreg [dreg:$0x13];
	s8 =	simm.s32 $0x14380  }
0x63: {  	[tilespmem:s8], [sflag:$0x12] =	stream.linear.gather [hbm4b:s14+s4], $0x48, $0x38;
	[tilespmem:$0x1F900] =	vst v63  }
0x64: {  	s20 =	rddreg [dreg:$0x14]  }
0x65: {  	[tilespmem:s26], [sflag:$0xE] =	stream.linear.gather [hbm4b:s20+s4], $0x48, $0x38;
	[tilespmem:$0x1F900] =	vst v63  }
0x66: {  	s0 =	rddreg [dreg:$0x15];
	s12 =	simm.s32 $0x14400  }
0x67: {  	[tilespmem:s12], [sflag:$0x13] =	stream.linear.gather [hbm4b:s0+s4], $0x48, $0x38;
	[tilespmem:$0x1F900] =	vst v63  }
0x68: {  	s31 =	simm.s32 $0x14200;
	s1 =	rddreg [dreg:$0x18]  }
0x69: {  	[tilespmem:s31], [sflag:$0xF] =	stream.linear.gather [hbm4b:s1+s4], $0x48, $0x38;
	[tilespmem:$0x1F900] =	vst v63  }
0x6a: {  	s5 =	rddreg [dreg:$0x19];
	s1 =	simm.s32 $0x14480  }
0x6b: {  	[tilespmem:s1], [sflag:$0x14] =	stream.linear.gather [hbm4b:s5+s4], $0x48, $0x38;
	[tilespmem:$0x1F900] =	vst v63  }
0x6c: {  	_ =	swait.ge [sflag:s16], $0x48  }
0x6d: {  	[sflag:s16] =	ssyncset.done $0x0  }
0x6e: {  	[sflag:s16] =	ssyncadd.s32 $0xFFFFFFB8  }
0x6f: {  	[tilespmem:s11], [sflag:$0x1] =	stream.indirect.gather [hbm4b:s19+s29], $0x80, s23, s29, $0xb8;
	[tilespmem:$0x1F900] =	vst v63  }
0x70: {  	_ =	swait.ge [sflag:s15], $0x48  }
0x71: {  	[sflag:s15] =	ssyncset.done $0x0  }
0x72: {  	[sflag:s15] =	ssyncadd.s32 $0xFFFFFFB8  }
0x73: {  	[tilespmem:s18], [sflag:$0x2] =	stream.indirect.gather [hbm4b:s19+s29], $0x80, s24, s29, $0xb8;
	[tilespmem:$0x1F900] =	vst v63  }
0x74: {  	_ =	swait.ge [sflag:s13], $0x48  }
0x75: {  	[sflag:s13] =	ssyncset.done $0x0  }
0x76: {  	s14 =	simm.s32 $0xE;
	[sflag:s13] =	ssyncadd.s32 $0xFFFFFFB8  }
0x77: {  	[tilespmem:s22], [sflag:$0x3] =	stream.indirect.gather [hbm4b:s19+s29], $0x80, s25, s29, $0xb8;
	[tilespmem:$0x1F900] =	vst v63  }
0x78: {  	_ =	swait.ge [sflag:s14], $0x48  }
0x79: {  	[sflag:s14] =	ssyncset.done $0x0  }
0x7a: {  	s2 =	simm.s32 $0x1B100;
	s5 =	simm.s32 $0xF;
	[sflag:s14] =	ssyncadd.s32 $0xFFFFFFB8  }
0x7b: {  	[tilespmem:s2], [sflag:$0x4] =	stream.indirect.gather [hbm4b:s19+s29], $0x80, s26, s29, $0xb8;
	[tilespmem:$0x1F900] =	vst v63  }
0x7c: {  	_ =	swait.ge [sflag:s5], $0x48  }
0x7d: {  	[sflag:s5] =	ssyncset.done $0x0  }
0x7e: {  	s9 =	simm.s32 $0x1;
	s13 =	simm.s32 $0x1D500;
	[sflag:s5] =	ssyncadd.s32 $0xFFFFFFB8  }
0x7f: {  	[tilespmem:s13], [sflag:$0x5] =	stream.indirect.gather [hbm4b:s19+s29], $0x80, s31, s29, $0xb8;
	[tilespmem:$0x1F900] =	vst v63  }
0x80: {  	_ =	swait.ge [sflag:s9], $0x2400  }
0x81: {  	[sflag:s9] =	ssyncset.done $0x0  }
0x82: {  	s6 =	simm.s32 $0x10;
	[sflag:s9] =	ssyncadd.s32 $0xFFFFDC00  }
0x83: {  	_ =	swait.ge [sflag:s6], $0x48  }
0x84: {  	[sflag:s6] =	ssyncset.done $0x0  }
0x85: {  	[sflag:s6] =	ssyncadd.s32 $0xFFFFFFB8;
	s6 =	simm.s32 $0x2  }
0x86: {  	[spmem:s3] =	stream.indirect.scatter.add.f32 [tilespmem:s11], [sflag:$0x6], $0x80, s28, s29, $0xb8;
	[tilespmem:$0x1F900] =	vst v63  }
0x87: {  	_ =	swait.ge [sflag:s6], $0x2400  }
0x88: {  	[sflag:s6] =	ssyncset.done $0x0  }
0x89: {  	s20 =	simm.s32 $0x11;
	[sflag:s6] =	ssyncadd.s32 $0xFFFFDC00  }
0x8a: {  	_ =	swait.ge [sflag:s20], $0x48  }
0x8b: {  	[sflag:s20] =	ssyncset.done $0x0  }
0x8c: {  	[sflag:s20] =	ssyncadd.s32 $0xFFFFFFB8;
	s20 =	simm.s32 $0x3  }
0x8d: {  	[spmem:s3] =	stream.indirect.scatter.add.f32 [tilespmem:s18], [sflag:$0x7], $0x80, s21, s29, $0xb8;
	[tilespmem:$0x1F900] =	vst v63  }
0x8e: {  	_ =	swait.ge [sflag:s20], $0x2400  }
0x8f: {  	[sflag:s20] =	ssyncset.done $0x0  }
0x90: {  	s0 =	simm.s32 $0x12;
	[sflag:s20] =	ssyncadd.s32 $0xFFFFDC00  }
0x91: {  	_ =	swait.ge [sflag:s0], $0x48  }
0x92: {  	[sflag:s0] =	ssyncset.done $0x0  }
0x93: {  	s30 =	simm.s32 $0x4;
	[sflag:s0] =	ssyncadd.s32 $0xFFFFFFB8  }
0x94: {  	[spmem:s3] =	stream.indirect.scatter.add.f32 [tilespmem:s22], [sflag:$0x8], $0x80, s8, s29, $0xb8;
	[tilespmem:$0x1F900] =	vst v63  }
0x95: {  	_ =	swait.ge [sflag:s30], $0x2400  }
0x96: {  	[sflag:s30] =	ssyncset.done $0x0  }
0x97: {  	s0 =	simm.s32 $0x13;
	[sflag:s30] =	ssyncadd.s32 $0xFFFFDC00  }
0x98: {  	_ =	swait.ge [sflag:s0], $0x48  }
0x99: {  	[sflag:s0] =	ssyncset.done $0x0  }
0x9a: {  	[sflag:s0] =	ssyncadd.s32 $0xFFFFFFB8;
	s0 =	simm.s32 $0x5  }
0x9b: {  	[spmem:s3] =	stream.indirect.scatter.add.f32 [tilespmem:s2], [sflag:$0x9], $0x80, s12, s29, $0xb8;
	[tilespmem:$0x1F900] =	vst v63  }
0x9c: {  	_ =	swait.ge [sflag:s0], $0x2400  }
0x9d: {  	[sflag:s0] =	ssyncset.done $0x0  }
0x9e: {  	s7 =	simm.s32 $0x14;
	[sflag:s0] =	ssyncadd.s32 $0xFFFFDC00  }
0x9f: {  	_ =	swait.ge [sflag:s7], $0x48  }
0xa0: {  	[sflag:s7] =	ssyncset.done $0x0  }
0xa1: {  	s22 =	simm.s32 $0x6;
	[sflag:s7] =	ssyncadd.s32 $0xFFFFFFB8  }
0xa2: {  	[spmem:s3] =	stream.indirect.scatter.add.f32 [tilespmem:s13], [sflag:$0xA], $0x80, s1, s29, $0xb8;
	[tilespmem:$0x1F900] =	vst v63  }
0xa3: {  	_ =	swait.ge [sflag:s22], $0x2400  }
0xa4: {  	s2 =	rddreg [dreg:$0x1d]  }
0xa5: {  	[sflag:s22] =	ssyncset.done $0x0;
	s7 =	sshrl.u32 s2, $0x3  }
0xa6: {  	[sflag:s22] =	ssyncadd.s32 $0xFFFFDC00;
	s13 =	sadd.s32 s17, s7;
	s7 =	sadd.s32 s10, s7  }
0xa7: {  	[tilespmem:s23], [sflag:$0xB] =	stream.linear.gather [hbm4b:s13+s4], $0x48, $0x38;
	[tilespmem:$0x1F900] =	vst v63  }
0xa8: {  	[smem:$0x7F8] =	sst s7;
	s13 =	simm.s32 $0x7  }
0xa9: {  	[tilespmem:s28], [sflag:$0x10] =	stream.linear.gather [hbm4b:s7+s4], $0x48, $0x38;
	[tilespmem:$0x1F900] =	vst v63  }
0xaa: {  	_ =	swait.ge [sflag:s13], $0x2400  }
0xab: {  	s7 =	rddreg [dreg:$0x8];
	[sflag:s13] =	ssyncset.done $0x0  }
0xac: {  	[sflag:s13] =	ssyncadd.s32 $0xFFFFDC00;
	s7 =	sadd.s32 $0x0, s7;
	s13 =	rddreg [dreg:$0xc]  }
0xad: {  	[tilespmem:s24], [sflag:$0xC] =	stream.linear.gather [hbm4b:s7+s4], $0x48, $0x38;
	[tilespmem:$0x1F900] =	vst v63  }
0xae: {  	s7 =	sadd.s32 $0x0, s13  }
0xaf: {  	[tilespmem:s21], [sflag:$0x11] =	stream.linear.gather [hbm4b:s7+s4], $0x48, $0x38;
	[tilespmem:$0x1F900] =	vst v63  }
0xb0: {  	s7 =	simm.s32 $0x8  }
0xb1: {  	_ =	swait.ge [sflag:s7], $0x2400  }
0xb2: {  	s21 =	rddreg [dreg:$0x7];
	[sflag:s7] =	ssyncset.done $0x0  }
0xb3: {  	[sflag:s7] =	ssyncadd.s32 $0xFFFFDC00;
	s7 =	sadd.s32 $0x0, s21;
	s21 =	rddreg [dreg:$0xb]  }
0xb4: {  	[tilespmem:s25], [sflag:$0xD] =	stream.linear.gather [hbm4b:s7+s4], $0x48, $0x38;
	[tilespmem:$0x1F900] =	vst v63  }
0xb5: {  	s13 =	simm.s32 $0x9;
	s7 =	sadd.s32 $0x0, s21  }
0xb6: {  	[tilespmem:s8], [sflag:$0x12] =	stream.linear.gather [hbm4b:s7+s4], $0x48, $0x38;
	[tilespmem:$0x1F900] =	vst v63  }
0xb7: {  	_ =	swait.ge [sflag:s13], $0x2400  }
0xb8: {  	s21 =	rddreg [dreg:$0x6];
	[sflag:s13] =	ssyncset.done $0x0  }
0xb9: {  	s8 =	rddreg [dreg:$0xa];
	[sflag:s13] =	ssyncadd.s32 $0xFFFFDC00;
	s7 =	sadd.s32 $0x0, s21  }
0xba: {  	[tilespmem:s26], [sflag:$0xE] =	stream.linear.gather [hbm4b:s7+s4], $0x48, $0x38;
	[tilespmem:$0x1F900] =	vst v63  }
0xbb: {  	s7 =	sadd.s32 $0x0, s8  }
0xbc: {  	[tilespmem:s12], [sflag:$0x13] =	stream.linear.gather [hbm4b:s7+s4], $0x48, $0x38;
	[tilespmem:$0x1F900] =	vst v63  }
0xbd: {  	s12 =	simm.s32 $0xA  }
0xbe: {  	_ =	swait.ge [sflag:s12], $0x2400  }
0xbf: {  	s13 =	rddreg [dreg:$0x5];
	[sflag:s12] =	ssyncset.done $0x0  }
0xc0: {  	s21 =	rddreg [dreg:$0x9];
	[sflag:s12] =	ssyncadd.s32 $0xFFFFDC00;
	s7 =	sadd.s32 $0x0, s13  }
0xc1: {  	[tilespmem:s31], [sflag:$0xF] =	stream.linear.gather [hbm4b:s7+s4], $0x48, $0x38;
	[tilespmem:$0x1F900] =	vst v63  }
0xc2: {  	s7 =	sadd.s32 $0x0, s21  }
0xc3: {  	[tilespmem:s1], [sflag:$0x14] =	stream.linear.gather [hbm4b:s7+s4], $0x48, $0x38;
	[tilespmem:$0x1F900] =	vst v63  }
0xc4: {  	_ =	swait.ge [sflag:s16], $0x48  }
0xc5: {  	[sflag:s16] =	ssyncset.done $0x0  }
0xc6: {  	[sflag:s16] =	ssyncadd.s32 $0xFFFFFFB8  }
0xc7: {  	[tilespmem:s11], [sflag:$0x1] =	stream.indirect.gather [hbm4b:s19+s29], $0x80, s23, s29, $0xb8;
	[tilespmem:$0x1F900] =	vst v63  }
0xc8: {  	_ =	swait.ge [sflag:s15], $0x48  }
0xc9: {  	[sflag:s15] =	ssyncset.done $0x0  }
0xca: {  	s22 =	simm.s32 $0xD;
	[sflag:s15] =	ssyncadd.s32 $0xFFFFFFB8  }
0xcb: {  	[tilespmem:s18], [sflag:$0x2] =	stream.indirect.gather [hbm4b:s19+s29], $0x80, s24, s29, $0xb8;
	[tilespmem:$0x1F900] =	vst v63  }
0xcc: {  	_ =	swait.ge [sflag:s22], $0x48  }
0xcd: {  	[sflag:s22] =	ssyncset.done $0x0  }
0xce: {  	s24 =	simm.s32 $0x18D00;
	[sflag:s22] =	ssyncadd.s32 $0xFFFFFFB8  }
0xcf: {  	[tilespmem:s24], [sflag:$0x3] =	stream.indirect.gather [hbm4b:s19+s29], $0x80, s25, s29, $0xb8;
	[tilespmem:$0x1F900] =	vst v63  }
0xd0: {  	_ =	swait.ge [sflag:s14], $0x48  }
0xd1: {  	[sflag:s14] =	ssyncset.done $0x0  }
0xd2: {  	s1 =	simm.s32 $0x1B100;
	[sflag:s14] =	ssyncadd.s32 $0xFFFFFFB8  }
0xd3: {  	[tilespmem:s1], [sflag:$0x4] =	stream.indirect.gather [hbm4b:s19+s29], $0x80, s26, s29, $0xb8;
	[tilespmem:$0x1F900] =	vst v63  }
0xd4: {  	s28 =	sadd.s32 $0x168, s2;
	s7 =	simm.s32 $0x2D;
	_ =	swait.ge [sflag:s5], $0x48  }
0xd5: {  	s16 =	simm.s32 $0xB;
	s15 =	simm.s32 $0xC;
	[sflag:s5] =	ssyncset.done $0x0  }
0xd6: {  	s25 =	simm.s32 $0x14100;
	s26 =	simm.s32 $0x14180;
	[sflag:s5] =	ssyncadd.s32 $0xFFFFFFB8  }
.LBB2_2:
0xd7: {  	s23 =	simm.s32 $0x1D500  }
0xd8: {  	[tilespmem:s23], [sflag:$0x5] =	stream.indirect.gather [hbm4b:s19+s29], $0x80, s31, s29, $0xb8;
	[tilespmem:$0x1F900] =	vst v63  }
0xd9: {  	_ =	swait.ge [sflag:s9], $0x2400  }
0xda: {  	[sflag:s9] =	ssyncset.done $0x0  }
0xdb: {  	s2 =	simm.s32 $0x10;
	[sflag:s9] =	ssyncadd.s32 $0xFFFFDC00  }
0xdc: {  	_ =	swait.ge [sflag:s2], $0x48  }
0xdd: {  	[sflag:s2] =	ssyncset.done $0x0  }
0xde: {  	s21 =	simm.s32 $0x14280;
	[sflag:s2] =	ssyncadd.s32 $0xFFFFFFB8  }
0xdf: {  	[spmem:s3] =	stream.indirect.scatter.add.f32 [tilespmem:s11], [sflag:$0x6], $0x80, s21, s29, $0xb8;
	[tilespmem:$0x1F900] =	vst v63  }
0xe0: {  	_ =	swait.ge [sflag:s6], $0x2400  }
0xe1: {  	[sflag:s6] =	ssyncset.done $0x0  }
0xe2: {  	s8 =	simm.s32 $0x11;
	[sflag:s6] =	ssyncadd.s32 $0xFFFFDC00  }
0xe3: {  	_ =	swait.ge [sflag:s8], $0x48  }
0xe4: {  	[sflag:s8] =	ssyncset.done $0x0  }
0xe5: {  	[sflag:s8] =	ssyncadd.s32 $0xFFFFFFB8;
	s8 =	simm.s32 $0x14300  }
0xe6: {  	[spmem:s3] =	stream.indirect.scatter.add.f32 [tilespmem:s18], [sflag:$0x7], $0x80, s8, s29, $0xb8;
	[tilespmem:$0x1F900] =	vst v63  }
0xe7: {  	_ =	swait.ge [sflag:s20], $0x2400  }
0xe8: {  	[sflag:s20] =	ssyncset.done $0x0  }
0xe9: {  	s12 =	simm.s32 $0x12;
	[sflag:s20] =	ssyncadd.s32 $0xFFFFDC00  }
0xea: {  	_ =	swait.ge [sflag:s12], $0x48  }
0xeb: {  	[sflag:s12] =	ssyncset.done $0x0  }
0xec: {  	s24 =	simm.s32 $0x18D00;
	[sflag:s12] =	ssyncadd.s32 $0xFFFFFFB8;
	s12 =	simm.s32 $0x14380  }
0xed: {  	[spmem:s3] =	stream.indirect.scatter.add.f32 [tilespmem:s24], [sflag:$0x8], $0x80, s12, s29, $0xb8;
	[tilespmem:$0x1F900] =	vst v63  }
0xee: {  	_ =	swait.ge [sflag:s30], $0x2400  }
0xef: {  	[sflag:s30] =	ssyncset.done $0x0  }
0xf0: {  	s18 =	simm.s32 $0x13;
	[sflag:s30] =	ssyncadd.s32 $0xFFFFDC00  }
0xf1: {  	_ =	swait.ge [sflag:s18], $0x48  }
0xf2: {  	[sflag:s18] =	ssyncset.done $0x0  }
0xf3: {  	[sflag:s18] =	ssyncadd.s32 $0xFFFFFFB8;
	s18 =	simm.s32 $0x14400  }
0xf4: {  	[spmem:s3] =	stream.indirect.scatter.add.f32 [tilespmem:s1], [sflag:$0x9], $0x80, s18, s29, $0xb8;
	[tilespmem:$0x1F900] =	vst v63  }
0xf5: {  	_ =	swait.ge [sflag:s0], $0x2400  }
0xf6: {  	[sflag:s0] =	ssyncset.done $0x0  }
0xf7: {  	s2 =	simm.s32 $0x14;
	[sflag:s0] =	ssyncadd.s32 $0xFFFFDC00  }
0xf8: {  	_ =	swait.ge [sflag:s2], $0x48  }
0xf9: {  	[sflag:s2] =	ssyncset.done $0x0  }
0xfa: {  	s31 =	simm.s32 $0x6;
	s1 =	simm.s32 $0x14480;
	[sflag:s2] =	ssyncadd.s32 $0xFFFFFFB8  }
0xfb: {  	[spmem:s3] =	stream.indirect.scatter.add.f32 [tilespmem:s23], [sflag:$0xA], $0x80, s1, s29, $0xb8;
	[tilespmem:$0x1F900] =	vst v63  }
0xfc: {  	_ =	swait.ge [sflag:s31], $0x2400  }
0xfd: {  	s2 =	sshrl.u32 s28, $0x3;
	s23 =	simm.s32 $0x14000;
	[sflag:s31] =	ssyncset.done $0x0  }
0xfe: {  	[sflag:s31] =	ssyncadd.s32 $0xFFFFDC00;
	s31 =	smov.u32 s10;
	s10 =	sadd.s32 s17, s2  }
0xff: {  	[tilespmem:s23], [sflag:$0xB] =	stream.linear.gather [hbm4b:s10+s4], $0x48, $0x38;
	[tilespmem:$0x1F900] =	vst v63  }
0x100: {  	s10 =	smov.u32 s31  }
0x101: {  	s2 =	sadd.s32 s10, s2  }
0x102: {  	[tilespmem:s21], [sflag:$0x10] =	stream.linear.gather [hbm4b:s2+s4], $0x48, $0x38;
	[tilespmem:$0x1F900] =	vst v63  }
0x103: {  	s21 =	simm.s32 $0x7  }
0x104: {  	_ =	swait.ge [sflag:s21], $0x2400  }
0x105: {  	s13 =	smov.u32 s7;
	s2 =	rddreg [dreg:$0x8];
	[sflag:s21] =	ssyncset.done $0x0  }
0x106: {  	[sflag:s21] =	ssyncadd.s32 $0xFFFFDC00;
	s2 =	sadd.s32 s13, s2;
	s21 =	simm.s32 $0x14080  }
0x107: {  	[tilespmem:s21], [sflag:$0xC] =	stream.linear.gather [hbm4b:s2+s4], $0x48, $0x38;
	[tilespmem:$0x1F900] =	vst v63  }
0x108: {  	s2 =	rddreg [dreg:$0xc]  }
0x109: {  	s2 =	sadd.s32 s13, s2  }
0x10a: {  	[tilespmem:s8], [sflag:$0x11] =	stream.linear.gather [hbm4b:s2+s4], $0x48, $0x38;
	[tilespmem:$0x1F900] =	vst v63  }
0x10b: {  	s8 =	simm.s32 $0x8  }
0x10c: {  	_ =	swait.ge [sflag:s8], $0x2400  }
0x10d: {  	s2 =	rddreg [dreg:$0x7];
	[sflag:s8] =	ssyncset.done $0x0  }
0x10e: {  	[sflag:s8] =	ssyncadd.s32 $0xFFFFDC00;
	s2 =	sadd.s32 s13, s2;
	s8 =	rddreg [dreg:$0xb]  }
0x10f: {  	[tilespmem:s25], [sflag:$0xD] =	stream.linear.gather [hbm4b:s2+s4], $0x48, $0x38;
	[tilespmem:$0x1F900] =	vst v63  }
0x110: {  	s2 =	sadd.s32 s13, s8  }
0x111: {  	[tilespmem:s12], [sflag:$0x12] =	stream.linear.gather [hbm4b:s2+s4], $0x48, $0x38;
	[tilespmem:$0x1F900] =	vst v63  }
0x112: {  	s2 =	simm.s32 $0x9  }
0x113: {  	_ =	swait.ge [sflag:s2], $0x2400  }
0x114: {  	s12 =	rddreg [dreg:$0x6];
	[sflag:s2] =	ssyncset.done $0x0  }
0x115: {  	[sflag:s2] =	ssyncadd.s32 $0xFFFFDC00;
	s2 =	sadd.s32 s13, s12;
	s12 =	rddreg [dreg:$0xa]  }
0x116: {  	[tilespmem:s26], [sflag:$0xE] =	stream.linear.gather [hbm4b:s2+s4], $0x48, $0x38;
	[tilespmem:$0x1F900] =	vst v63  }
0x117: {  	s2 =	sadd.s32 s13, s12  }
0x118: {  	[tilespmem:s18], [sflag:$0x13] =	stream.linear.gather [hbm4b:s2+s4], $0x48, $0x38;
	[tilespmem:$0x1F900] =	vst v63  }
0x119: {  	s2 =	simm.s32 $0xA  }
0x11a: {  	_ =	swait.ge [sflag:s2], $0x2400  }
0x11b: {  	s31 =	simm.s32 $0x14200;
	s12 =	rddreg [dreg:$0x5];
	[sflag:s2] =	ssyncset.done $0x0  }
0x11c: {  	[sflag:s2] =	ssyncadd.s32 $0xFFFFDC00;
	s2 =	sadd.s32 s13, s12;
	s12 =	rddreg [dreg:$0x9]  }
0x11d: {  	[tilespmem:s31], [sflag:$0xF] =	stream.linear.gather [hbm4b:s2+s4], $0x48, $0x38;
	[tilespmem:$0x1F900] =	vst v63  }
0x11e: {  	s2 =	sadd.s32 s13, s12  }
0x11f: {  	[tilespmem:s1], [sflag:$0x14] =	stream.linear.gather [hbm4b:s2+s4], $0x48, $0x38;
	[tilespmem:$0x1F900] =	vst v63  }
0x120: {  	_ =	swait.ge [sflag:s16], $0x48  }
0x121: {  	[sflag:s16] =	ssyncset.done $0x0  }
0x122: {  	[sflag:s16] =	ssyncadd.s32 $0xFFFFFFB8  }
0x123: {  	[tilespmem:s11], [sflag:$0x1] =	stream.indirect.gather [hbm4b:s19+s29], $0x80, s23, s29, $0xb8;
	[tilespmem:$0x1F900] =	vst v63  }
0x124: {  	_ =	swait.ge [sflag:s15], $0x48  }
0x125: {  	[sflag:s15] =	ssyncset.done $0x0  }
0x126: {  	s18 =	simm.s32 $0x16900;
	[sflag:s15] =	ssyncadd.s32 $0xFFFFFFB8  }
0x127: {  	[tilespmem:s18], [sflag:$0x2] =	stream.indirect.gather [hbm4b:s19+s29], $0x80, s21, s29, $0xb8;
	[tilespmem:$0x1F900] =	vst v63  }
0x128: {  	_ =	swait.ge [sflag:s22], $0x48  }
0x129: {  	[sflag:s22] =	ssyncset.done $0x0  }
0x12a: {  	[sflag:s22] =	ssyncadd.s32 $0xFFFFFFB8  }
0x12b: {  	[tilespmem:s24], [sflag:$0x3] =	stream.indirect.gather [hbm4b:s19+s29], $0x80, s25, s29, $0xb8;
	[tilespmem:$0x1F900] =	vst v63  }
0x12c: {  	_ =	swait.ge [sflag:s14], $0x48  }
0x12d: {  	p0 =	sne.s32 s7, $0x97E;
	[sflag:s14] =	ssyncset.done $0x0  }
.Ltmp0:
0x12e: {  	s1 =	simm.s32 $0x1B100;
	[sflag:s14] =	ssyncadd.s32 $0xFFFFFFB8;
	(pc) =	sbr.rel @p0 .LBB2_2-.Ltmp0, $4  }
0x12f: {  	[tilespmem:s1], [sflag:$0x4] =	stream.indirect.gather [hbm4b:s19+s29], $0x80, s26, s29, $0xb8;
	[tilespmem:$0x1F900] =	vst v63  }
0x130: {  	_ =	swait.ge [sflag:s5], $0x48  }
0x131: {  	s7 =	sadd.s32 $0x2D, s7;
	[sflag:s5] =	ssyncset.done $0x0  }
0x132: {  	s28 =	sadd.s32 $0x168, s28;
	s12 =	simm.s32 $0x18D00;
	[sflag:s5] =	ssyncadd.s32 $0xFFFFFFB8  }
0x133: {  	s2 =	simm.s32 $0x1D500  }
0x134: {  	[tilespmem:s2], [sflag:$0x5] =	stream.indirect.gather [hbm4b:s19+s29], $0x80, s31, s29, $0xb8;
	[tilespmem:$0x1F900] =	vst v63  }
0x135: {  	_ =	swait.ge [sflag:s9], $0x2400  }
0x136: {  	[sflag:s9] =	ssyncset.done $0x0  }
0x137: {  	s5 =	simm.s32 $0x10;
	[sflag:s9] =	ssyncadd.s32 $0xFFFFDC00  }
0x138: {  	_ =	swait.ge [sflag:s5], $0x48  }
0x139: {  	[sflag:s5] =	ssyncset.done $0x0  }
0x13a: {  	s16 =	simm.s32 $0x14280;
	[sflag:s5] =	ssyncadd.s32 $0xFFFFFFB8  }
0x13b: {  	[spmem:s3] =	stream.indirect.scatter.add.f32 [tilespmem:s11], [sflag:$0x6], $0x80, s16, s29, $0xb8;
	[tilespmem:$0x1F900] =	vst v63  }
0x13c: {  	_ =	swait.ge [sflag:s6], $0x2400  }
0x13d: {  	[sflag:s6] =	ssyncset.done $0x0  }
0x13e: {  	[sflag:s6] =	ssyncadd.s32 $0xFFFFDC00;
	s6 =	simm.s32 $0x11  }
0x13f: {  	_ =	swait.ge [sflag:s6], $0x48  }
0x140: {  	[sflag:s6] =	ssyncset.done $0x0  }
0x141: {  	s21 =	simm.s32 $0x14300;
	[sflag:s6] =	ssyncadd.s32 $0xFFFFFFB8  }
0x142: {  	[spmem:s3] =	stream.indirect.scatter.add.f32 [tilespmem:s18], [sflag:$0x7], $0x80, s21, s29, $0xb8;
	[tilespmem:$0x1F900] =	vst v63  }
0x143: {  	_ =	swait.ge [sflag:s20], $0x2400  }
0x144: {  	[sflag:s20] =	ssyncset.done $0x0  }
0x145: {  	s9 =	simm.s32 $0x12;
	[sflag:s20] =	ssyncadd.s32 $0xFFFFDC00  }
0x146: {  	_ =	swait.ge [sflag:s9], $0x48  }
0x147: {  	[sflag:s9] =	ssyncset.done $0x0  }
0x148: {  	s8 =	simm.s32 $0x14380;
	[sflag:s9] =	ssyncadd.s32 $0xFFFFFFB8  }
0x149: {  	[spmem:s3] =	stream.indirect.scatter.add.f32 [tilespmem:s12], [sflag:$0x8], $0x80, s8, s29, $0xb8;
	[tilespmem:$0x1F900] =	vst v63  }
0x14a: {  	_ =	swait.ge [sflag:s30], $0x2400  }
0x14b: {  	[sflag:s30] =	ssyncset.done $0x0  }
0x14c: {  	s14 =	simm.s32 $0x13;
	[sflag:s30] =	ssyncadd.s32 $0xFFFFDC00  }
0x14d: {  	_ =	swait.ge [sflag:s14], $0x48  }
0x14e: {  	[sflag:s14] =	ssyncset.done $0x0  }
0x14f: {  	s12 =	simm.s32 $0x14400;
	[sflag:s14] =	ssyncadd.s32 $0xFFFFFFB8  }
0x150: {  	[spmem:s3] =	stream.indirect.scatter.add.f32 [tilespmem:s1], [sflag:$0x9], $0x80, s12, s29, $0xb8;
	[tilespmem:$0x1F900] =	vst v63  }
0x151: {  	_ =	swait.ge [sflag:s0], $0x2400  }
0x152: {  	[sflag:s0] =	ssyncset.done $0x0  }
0x153: {  	s15 =	simm.s32 $0x14;
	[sflag:s0] =	ssyncadd.s32 $0xFFFFDC00  }
0x154: {  	_ =	swait.ge [sflag:s15], $0x48  }
0x155: {  	[sflag:s15] =	ssyncset.done $0x0  }
0x156: {  	s1 =	simm.s32 $0x14480;
	s0 =	simm.s32 $0x6;
	[sflag:s15] =	ssyncadd.s32 $0xFFFFFFB8  }
0x157: {  	[spmem:s3] =	stream.indirect.scatter.add.f32 [tilespmem:s2], [sflag:$0xA], $0x80, s1, s29, $0xb8;
	[tilespmem:$0x1F900] =	vst v63  }
0x158: {  	_ =	swait.ge [sflag:s0], $0x2400  }
0x159: {  	[sflag:s0] =	ssyncset.done $0x0  }
0x15a: {  	s18 =	simm.s32 $0x7;
	[sflag:s0] =	ssyncadd.s32 $0xFFFFDC00  }
0x15b: {  	_ =	swait.ge [sflag:s18], $0x2400  }
0x15c: {  	[sflag:s18] =	ssyncset.done $0x0  }
0x15d: {  	s20 =	simm.s32 $0x8;
	[sflag:s18] =	ssyncadd.s32 $0xFFFFDC00  }
0x15e: {  	_ =	swait.ge [sflag:s20], $0x2400  }
0x15f: {  	[sflag:s20] =	ssyncset.done $0x0  }
0x160: {  	s22 =	simm.s32 $0x9;
	[sflag:s20] =	ssyncadd.s32 $0xFFFFDC00  }
0x161: {  	_ =	swait.ge [sflag:s22], $0x2400  }
0x162: {  	[sflag:s22] =	ssyncset.done $0x0  }
0x163: {  	s23 =	simm.s32 $0xA;
	[sflag:s22] =	ssyncadd.s32 $0xFFFFDC00  }
0x164: {  	_ =	swait.ge [sflag:s23], $0x2400  }
0x165: {  	[sflag:s23] =	ssyncset.done $0x0  }
0x166: {  	[sflag:s23] =	ssyncadd.s32 $0xFFFFDC00  }
0x167: {  	s25 =	stileid.u32;
	[bflag:$0x0] =	sbarrier.arrive $0xFFFF  }
0x168: {  	s2 =	sshll.u32 s25, $0x6;
	s30 =	rddreg [dreg:$0xd]  }
0x169: {  	s7 =	sor.u32 $0x1C15, s2;
	s26 =	rddreg [dreg:$0x16]  }
0x16a: {  	[smem:$0x7F5] =	sst s7;
	s13 =	sshrl.u32 s30, $0x3  }
0x16b: {  	[smem:$0x7F6] =	sst s13  }
0x16c: {  	[hbm:s26], [sflag:s7] =	dma.local [spmem:s13], $0x2800  }
0x16d: {  	s13 =	simm.s32 $0x15  }
0x16e: {  	_ =	swait.ge [sflag:s13], $0x2800  }
0x16f: {  	[sflag:s13] =	ssyncset.done $0x0  }
0x170: {  	s2 =	simm.s32 $0x0;
	s31 =	rddreg [dreg:$0x1a];
	[sflag:s13] =	ssyncadd.s32 $0xFFFFD800  }
0x171: {  	[tilespmem:s11], [sflag:$0x15] =	stream.linear.gather [hbm4b:s31+s2], $0x2800, $0x38;
	[tilespmem:$0x1F900] =	vst v63  }
0x172: {  	_ =	swait.ge [sflag:s13], $0x2800  }
0x173: {  	[sflag:s13] =	ssyncset.done $0x0  }
0x174: {  	[sflag:s13] =	ssyncadd.s32 $0xFFFFD800  }
0x175: {  	[spmem:s30] =	stream.linear.scatter [tilespmem:s11], [sflag:$0x15], $0x2800, $0x38;
	[tilespmem:$0x1F900] =	vst v63  }
0x176: {  	_ =	swait.ge [sflag:s13], $0x2800  }
0x177: {  	[sflag:s13] =	ssyncset.done $0x0  }
0x178: {  	s24 =	rddreg [dreg:$0x1e];
	[sflag:s13] =	ssyncadd.s32 $0xFFFFD800  }
0x179: {  	[spmem:s24] =	stream.linear.scatter [tilespmem:s11], [sflag:$0x15], $0x2800, $0x38;
	[tilespmem:$0x1F900] =	vst v63  }
0x17a: {  	_ =	swait.ge [sflag:s13], $0x2800  }
0x17b: {  	[sflag:s13] =	ssyncset.done $0x0  }
0x17c: {  	s25 =	rddreg [dreg:$0x1f];
	[sflag:s13] =	ssyncadd.s32 $0xFFFFD800  }
0x17d: {  	[spmem:s25] =	stream.linear.scatter [tilespmem:s11], [sflag:$0x15], $0x2800, $0x38;
	[tilespmem:$0x1F900] =	vst v63  }
0x17e: {  	_ =	swait.ge [sflag:s13], $0x2800  }
0x17f: {  	s26 =	sld [smem:$0x7F9]  }
0x180: {  	[sflag:s13] =	ssyncset.done $0x0  }
0x181: {  	[sflag:s13] =	ssyncadd.s32 $0xFFFFD800  }
0x182: {  	[spmem:s26] =	stream.linear.scatter [tilespmem:s11], [sflag:$0x15], $0x2800, $0x38;
	[tilespmem:$0x1F900] =	vst v63  }
0x183: {  	_ =	swait.ge [sflag:s13], $0x2800  }
0x184: {  	s31 =	sld [smem:$0x7FA]  }
0x185: {  	[sflag:s13] =	ssyncset.done $0x0  }
0x186: {  	[sflag:s13] =	ssyncadd.s32 $0xFFFFD800  }
0x187: {  	[spmem:s31] =	stream.linear.scatter [tilespmem:s11], [sflag:$0x15], $0x2800, $0x38;
	[tilespmem:$0x1F900] =	vst v63  }
0x188: {  	_ =	swait.ge [sflag:s13], $0x2800  }
0x189: {  	s24 =	sld [smem:$0x7FB]  }
0x18a: {  	[sflag:s13] =	ssyncset.done $0x0  }
0x18b: {  	[sflag:s13] =	ssyncadd.s32 $0xFFFFD800  }
0x18c: {  	[spmem:s24] =	stream.linear.scatter [tilespmem:s11], [sflag:$0x15], $0x2800, $0x38;
	[tilespmem:$0x1F900] =	vst v63  }
0x18d: {  	_ =	swait.ge [sflag:s13], $0x2800  }
0x18e: {  	s25 =	sld [smem:$0x7FC]  }
0x18f: {  	[sflag:s13] =	ssyncset.done $0x0  }
0x190: {  	[sflag:s13] =	ssyncadd.s32 $0xFFFFD800  }
0x191: {  	[spmem:s25] =	stream.linear.scatter [tilespmem:s11], [sflag:$0x15], $0x2800, $0x38;
	[tilespmem:$0x1F900] =	vst v63  }
0x192: {  	_ =	swait.ge [sflag:s13], $0x2800  }
0x193: {  	s26 =	sld [smem:$0x7FD]  }
0x194: {  	[sflag:s13] =	ssyncset.done $0x0  }
0x195: {  	[sflag:s13] =	ssyncadd.s32 $0xFFFFD800  }
0x196: {  	[spmem:s26] =	stream.linear.scatter [tilespmem:s11], [sflag:$0x15], $0x2800, $0x38;
	[tilespmem:$0x1F900] =	vst v63  }
0x197: {  	_ =	swait.ge [sflag:s13], $0x2800  }
0x198: {  	[sflag:s13] =	ssyncset.done $0x0  }
0x199: {  	s31 =	rddreg [dreg:$0x1b];
	[sflag:s13] =	ssyncadd.s32 $0xFFFFD800  }
0x19a: {  	[tilespmem:s11], [sflag:$0x15] =	stream.linear.gather [hbm4b:s31+s2], $0x2400, $0x38;
	[tilespmem:$0x1F900] =	vst v63  }
0x19b: {  	_ =	swait.ge [sflag:s13], $0x2400  }
0x19c: {  	[sflag:s13] =	ssyncset.done $0x0  }
0x19d: {  	[sflag:s13] =	ssyncadd.s32 $0xFFFFDC00  }
0x19e: {  	[bflag:$0x0] =	sbarrier.arrive $0xFFFF  }
0x19f: {  	s24 =	rddreg [dreg:$0xf]  }
0x1a0: {  	[tilespmem:s16], [sflag:$0x10] =	stream.linear.gather [hbm4b:s24+s2], $0x48, $0x38;
	[tilespmem:$0x1F900] =	vst v63  }
0x1a1: {  	s25 =	rddreg [dreg:$0x11]  }
0x1a2: {  	[tilespmem:s21], [sflag:$0x11] =	stream.linear.gather [hbm4b:s25+s2], $0x48, $0x38;
	[tilespmem:$0x1F900] =	vst v63  }
0x1a3: {  	s26 =	rddreg [dreg:$0x13]  }
0x1a4: {  	[tilespmem:s8], [sflag:$0x12] =	stream.linear.gather [hbm4b:s26+s2], $0x48, $0x38;
	[tilespmem:$0x1F900] =	vst v63  }
0x1a5: {  	s31 =	rddreg [dreg:$0x15]  }
0x1a6: {  	[tilespmem:s12], [sflag:$0x13] =	stream.linear.gather [hbm4b:s31+s2], $0x48, $0x38;
	[tilespmem:$0x1F900] =	vst v63  }
0x1a7: {  	s13 =	rddreg [dreg:$0x19]  }
0x1a8: {  	[tilespmem:s1], [sflag:$0x14] =	stream.linear.gather [hbm4b:s13+s2], $0x48, $0x38;
	[tilespmem:$0x1F900] =	vst v63  }
0x1a9: {  	_ =	swait.ge [sflag:s5], $0x48  }
0x1aa: {  	[sflag:s5] =	ssyncset.done $0x0  }
0x1ab: {  	[sflag:s5] =	ssyncadd.s32 $0xFFFFFFB8  }
0x1ac: {  	[spmem:s3] =	stream.indirect.scatter.add.f32 [tilespmem:s11], [sflag:$0x6], $0x80, s16, s29, $0xb8;
	[tilespmem:$0x1F900] =	vst v63  }
0x1ad: {  	_ =	swait.ge [sflag:s6], $0x48  }
0x1ae: {  	[sflag:s6] =	ssyncset.done $0x0  }
0x1af: {  	[sflag:s6] =	ssyncadd.s32 $0xFFFFFFB8  }
0x1b0: {  	[spmem:s3] =	stream.indirect.scatter.add.f32 [tilespmem:s11], [sflag:$0x7], $0x80, s21, s29, $0xb8;
	[tilespmem:$0x1F900] =	vst v63  }
0x1b1: {  	_ =	swait.ge [sflag:s9], $0x48  }
0x1b2: {  	[sflag:s9] =	ssyncset.done $0x0  }
0x1b3: {  	[sflag:s9] =	ssyncadd.s32 $0xFFFFFFB8  }
0x1b4: {  	[spmem:s3] =	stream.indirect.scatter.add.f32 [tilespmem:s11], [sflag:$0x8], $0x80, s8, s29, $0xb8;
	[tilespmem:$0x1F900] =	vst v63  }
0x1b5: {  	_ =	swait.ge [sflag:s14], $0x48  }
0x1b6: {  	[sflag:s14] =	ssyncset.done $0x0  }
0x1b7: {  	[sflag:s14] =	ssyncadd.s32 $0xFFFFFFB8  }
0x1b8: {  	[spmem:s3] =	stream.indirect.scatter.add.f32 [tilespmem:s11], [sflag:$0x9], $0x80, s12, s29, $0xb8;
	[tilespmem:$0x1F900] =	vst v63  }
0x1b9: {  	_ =	swait.ge [sflag:s15], $0x48  }
0x1ba: {  	[sflag:s15] =	ssyncset.done $0x0  }
0x1bb: {  	[sflag:s15] =	ssyncadd.s32 $0xFFFFFFB8  }
0x1bc: {  	[spmem:s3] =	stream.indirect.scatter.add.f32 [tilespmem:s11], [sflag:$0xA], $0x80, s1, s29, $0xb8;
	[tilespmem:$0x1F900] =	vst v63  }
0x1bd: {  	_ =	swait.ge [sflag:s0], $0x2400  }
0x1be: {  	s15 =	sld [smem:$0x7F8]  }
0x1bf: {  	[sflag:s0] =	ssyncset.done $0x0  }
0x1c0: {  	[sflag:s0] =	ssyncadd.s32 $0xFFFFDC00  }
0x1c1: {  	[tilespmem:s16], [sflag:$0x10] =	stream.linear.gather [hbm4b:s15+s4], $0x48, $0x38;
	[tilespmem:$0x1F900] =	vst v63  }
0x1c2: {  	_ =	swait.ge [sflag:s18], $0x2400  }
0x1c3: {  	[sflag:s18] =	ssyncset.done $0x0;
	s26 =	rddreg [dreg:$0xc]  }
0x1c4: {  	[sflag:s18] =	ssyncadd.s32 $0xFFFFDC00;
	s18 =	sadd.s32 $0x0, s26  }
0x1c5: {  	[tilespmem:s21], [sflag:$0x11] =	stream.linear.gather [hbm4b:s18+s4], $0x48, $0x38;
	[tilespmem:$0x1F900] =	vst v63  }
0x1c6: {  	_ =	swait.ge [sflag:s20], $0x2400  }
0x1c7: {  	[sflag:s20] =	ssyncset.done $0x0;
	s25 =	rddreg [dreg:$0xb]  }
0x1c8: {  	[sflag:s20] =	ssyncadd.s32 $0xFFFFDC00;
	s21 =	sadd.s32 $0x0, s25  }
0x1c9: {  	[tilespmem:s8], [sflag:$0x12] =	stream.linear.gather [hbm4b:s21+s4], $0x48, $0x38;
	[tilespmem:$0x1F900] =	vst v63  }
0x1ca: {  	_ =	swait.ge [sflag:s22], $0x2400  }
0x1cb: {  	[sflag:s22] =	ssyncset.done $0x0;
	s24 =	rddreg [dreg:$0xa]  }
0x1cc: {  	[sflag:s22] =	ssyncadd.s32 $0xFFFFDC00;
	s22 =	sadd.s32 $0x0, s24  }
0x1cd: {  	[tilespmem:s12], [sflag:$0x13] =	stream.linear.gather [hbm4b:s22+s4], $0x48, $0x38;
	[tilespmem:$0x1F900] =	vst v63  }
0x1ce: {  	_ =	swait.ge [sflag:s23], $0x2400  }
0x1cf: {  	[sflag:s23] =	ssyncset.done $0x0;
	s31 =	rddreg [dreg:$0x1d]  }
0x1d0: {  	s7 =	simm.s32 $0x2D;
	[sflag:s23] =	ssyncadd.s32 $0xFFFFDC00;
	s23 =	rddreg [dreg:$0x9]  }
0x1d1: {  	s22 =	simm.s32 $0x18D00;
	s13 =	sadd.s32 $0x168, s31;
	s28 =	sadd.s32 $0x0, s23  }
.LBB2_4:
0x1d2: {  	s2 =	simm.s32 $0x14480  }
0x1d3: {  	[tilespmem:s2], [sflag:$0x14] =	stream.linear.gather [hbm4b:s28+s4], $0x48, $0x38;
	[tilespmem:$0x1F900] =	vst v63  }
0x1d4: {  	s1 =	simm.s32 $0x10;
	s28 =	smov.u32 s7  }
0x1d5: {  	p0 =	sne.s32 s7, $0x97E;
	s7 =	sadd.s32 $0x2D, s7;
	_ =	swait.ge [sflag:s1], $0x48  }
0x1d6: {  	[sflag:s1] =	ssyncset.done $0x0  }
0x1d7: {  	s21 =	simm.s32 $0x14280;
	[sflag:s1] =	ssyncadd.s32 $0xFFFFFFB8;
	s1 =	simm.s32 $0x11  }
0x1d8: {  	[spmem:s3] =	stream.indirect.scatter.add.f32 [tilespmem:s11], [sflag:$0x6], $0x80, s21, s29, $0xb8;
	[tilespmem:$0x1F900] =	vst v63  }
0x1d9: {  	_ =	swait.ge [sflag:s1], $0x48  }
0x1da: {  	[sflag:s1] =	ssyncset.done $0x0  }
0x1db: {  	s31 =	simm.s32 $0x14300;
	[sflag:s1] =	ssyncadd.s32 $0xFFFFFFB8;
	s1 =	simm.s32 $0x12  }
0x1dc: {  	[spmem:s3] =	stream.indirect.scatter.add.f32 [tilespmem:s11], [sflag:$0x7], $0x80, s31, s29, $0xb8;
	[tilespmem:$0x1F900] =	vst v63  }
0x1dd: {  	_ =	swait.ge [sflag:s1], $0x48  }
0x1de: {  	[sflag:s1] =	ssyncset.done $0x0  }
0x1df: {  	s18 =	simm.s32 $0x14380;
	[sflag:s1] =	ssyncadd.s32 $0xFFFFFFB8;
	s1 =	simm.s32 $0x13  }
0x1e0: {  	[spmem:s3] =	stream.indirect.scatter.add.f32 [tilespmem:s11], [sflag:$0x8], $0x80, s18, s29, $0xb8;
	[tilespmem:$0x1F900] =	vst v63  }
0x1e1: {  	_ =	swait.ge [sflag:s1], $0x48  }
0x1e2: {  	[sflag:s1] =	ssyncset.done $0x0  }
0x1e3: {  	s5 =	simm.s32 $0x14;
	[sflag:s1] =	ssyncadd.s32 $0xFFFFFFB8;
	s1 =	simm.s32 $0x14400  }
0x1e4: {  	[spmem:s3] =	stream.indirect.scatter.add.f32 [tilespmem:s11], [sflag:$0x9], $0x80, s1, s29, $0xb8;
	[tilespmem:$0x1F900] =	vst v63  }
0x1e5: {  	_ =	swait.ge [sflag:s5], $0x48  }
0x1e6: {  	[sflag:s5] =	ssyncset.done $0x0  }
0x1e7: {  	s0 =	simm.s32 $0x6;
	[sflag:s5] =	ssyncadd.s32 $0xFFFFFFB8  }
0x1e8: {  	[spmem:s3] =	stream.indirect.scatter.add.f32 [tilespmem:s11], [sflag:$0xA], $0x80, s2, s29, $0xb8;
	[tilespmem:$0x1F900] =	vst v63  }
0x1e9: {  	_ =	swait.ge [sflag:s0], $0x2400  }
0x1ea: {  	s16 =	simm.s32 $0x14280;
	s2 =	sshrl.u32 s13, $0x3;
	[sflag:s0] =	ssyncset.done $0x0  }
0x1eb: {  	s2 =	sadd.s32 s10, s2;
	[sflag:s0] =	ssyncadd.s32 $0xFFFFDC00;
	s0 =	simm.s32 $0x7  }
0x1ec: {  	[tilespmem:s21], [sflag:$0x10] =	stream.linear.gather [hbm4b:s2+s4], $0x48, $0x38;
	[tilespmem:$0x1F900] =	vst v63  }
0x1ed: {  	_ =	swait.ge [sflag:s0], $0x2400  }
0x1ee: {  	s8 =	simm.s32 $0x14300;
	[sflag:s0] =	ssyncset.done $0x0  }
0x1ef: {  	s2 =	sadd.s32 s28, s26;
	[sflag:s0] =	ssyncadd.s32 $0xFFFFDC00;
	s0 =	simm.s32 $0x8  }
0x1f0: {  	[tilespmem:s31], [sflag:$0x11] =	stream.linear.gather [hbm4b:s2+s4], $0x48, $0x38;
	[tilespmem:$0x1F900] =	vst v63  }
0x1f1: {  	_ =	swait.ge [sflag:s0], $0x2400  }
0x1f2: {  	s12 =	simm.s32 $0x14380;
	[sflag:s0] =	ssyncset.done $0x0  }
0x1f3: {  	s2 =	sadd.s32 s28, s25;
	[sflag:s0] =	ssyncadd.s32 $0xFFFFDC00;
	s0 =	simm.s32 $0x9  }
0x1f4: {  	[tilespmem:s18], [sflag:$0x12] =	stream.linear.gather [hbm4b:s2+s4], $0x48, $0x38;
	[tilespmem:$0x1F900] =	vst v63  }
0x1f5: {  	_ =	swait.ge [sflag:s0], $0x2400  }
0x1f6: {  	s2 =	sadd.s32 s28, s24;
	s18 =	simm.s32 $0x14400;
	[sflag:s0] =	ssyncset.done $0x0  }
.Ltmp1:
0x1f7: {  	[sflag:s0] =	ssyncadd.s32 $0xFFFFDC00;
	s0 =	simm.s32 $0xA;
	(pc) =	sbr.rel @p0 .LBB2_4-.Ltmp1, $4  }
0x1f8: {  	[tilespmem:s1], [sflag:$0x13] =	stream.linear.gather [hbm4b:s2+s4], $0x48, $0x38;
	[tilespmem:$0x1F900] =	vst v63  }
0x1f9: {  	_ =	swait.ge [sflag:s0], $0x2400  }
0x1fa: {  	[sflag:s0] =	ssyncset.done $0x0  }
0x1fb: {  	s13 =	sadd.s32 $0x168, s13;
	s28 =	sadd.s32 s28, s23;
	[sflag:s0] =	ssyncadd.s32 $0xFFFFDC00  }
0x1fc: {  	s1 =	simm.s32 $0x14480;
	s2 =	simm.s32 $0x10  }
0x1fd: {  	[tilespmem:s1], [sflag:$0x14] =	stream.linear.gather [hbm4b:s28+s4], $0x48, $0x38;
	[tilespmem:$0x1F900] =	vst v63  }
0x1fe: {  	_ =	swait.ge [sflag:s2], $0x48  }
0x1ff: {  	[sflag:s2] =	ssyncset.done $0x0  }
0x200: {  	s13 =	simm.s32 $0x11;
	[sflag:s2] =	ssyncadd.s32 $0xFFFFFFB8  }
0x201: {  	[spmem:s3] =	stream.indirect.scatter.add.f32 [tilespmem:s11], [sflag:$0x6], $0x80, s16, s29, $0xb8;
	[tilespmem:$0x1F900] =	vst v63  }
0x202: {  	_ =	swait.ge [sflag:s13], $0x48  }
0x203: {  	[sflag:s13] =	ssyncset.done $0x0  }
0x204: {  	s14 =	simm.s32 $0x12;
	[sflag:s13] =	ssyncadd.s32 $0xFFFFFFB8  }
0x205: {  	[spmem:s3] =	stream.indirect.scatter.add.f32 [tilespmem:s11], [sflag:$0x7], $0x80, s8, s29, $0xb8;
	[tilespmem:$0x1F900] =	vst v63  }
0x206: {  	_ =	swait.ge [sflag:s14], $0x48  }
0x207: {  	[sflag:s14] =	ssyncset.done $0x0  }
0x208: {  	s15 =	simm.s32 $0x13;
	[sflag:s14] =	ssyncadd.s32 $0xFFFFFFB8  }
0x209: {  	[spmem:s3] =	stream.indirect.scatter.add.f32 [tilespmem:s11], [sflag:$0x8], $0x80, s12, s29, $0xb8;
	[tilespmem:$0x1F900] =	vst v63  }
0x20a: {  	_ =	swait.ge [sflag:s15], $0x48  }
0x20b: {  	[sflag:s15] =	ssyncset.done $0x0  }
0x20c: {  	s16 =	simm.s32 $0x14;
	[sflag:s15] =	ssyncadd.s32 $0xFFFFFFB8  }
0x20d: {  	[spmem:s3] =	stream.indirect.scatter.add.f32 [tilespmem:s11], [sflag:$0x9], $0x80, s18, s29, $0xb8;
	[tilespmem:$0x1F900] =	vst v63  }
0x20e: {  	_ =	swait.ge [sflag:s16], $0x48  }
0x20f: {  	[sflag:s16] =	ssyncset.done $0x0  }
0x210: {  	s0 =	simm.s32 $0x6;
	[sflag:s16] =	ssyncadd.s32 $0xFFFFFFB8  }
0x211: {  	[spmem:s3] =	stream.indirect.scatter.add.f32 [tilespmem:s11], [sflag:$0xA], $0x80, s1, s29, $0xb8;
	[tilespmem:$0x1F900] =	vst v63  }
0x212: {  	_ =	swait.ge [sflag:s0], $0x2400  }
0x213: {  	[sflag:s0] =	ssyncset.done $0x0  }
0x214: {  	s18 =	simm.s32 $0x7;
	[sflag:s0] =	ssyncadd.s32 $0xFFFFDC00  }
0x215: {  	_ =	swait.ge [sflag:s18], $0x2400  }
0x216: {  	[sflag:s18] =	ssyncset.done $0x0  }
0x217: {  	s20 =	simm.s32 $0x8;
	[sflag:s18] =	ssyncadd.s32 $0xFFFFDC00  }
0x218: {  	_ =	swait.ge [sflag:s20], $0x2400  }
0x219: {  	[sflag:s20] =	ssyncset.done $0x0  }
0x21a: {  	s21 =	simm.s32 $0x9;
	[sflag:s20] =	ssyncadd.s32 $0xFFFFDC00  }
0x21b: {  	_ =	swait.ge [sflag:s21], $0x2400  }
0x21c: {  	[sflag:s21] =	ssyncset.done $0x0  }
0x21d: {  	s23 =	simm.s32 $0xA;
	[sflag:s21] =	ssyncadd.s32 $0xFFFFDC00  }
0x21e: {  	_ =	swait.ge [sflag:s23], $0x2400  }
0x21f: {  	[sflag:s23] =	ssyncset.done $0x0  }
0x220: {  	[sflag:s23] =	ssyncadd.s32 $0xFFFFDC00  }
0x221: {  	[bflag:$0x0] =	sbarrier.arrive $0xFFFF  }
0x222: {  	s25 =	sld [smem:$0x7F5]  }
0x223: {  	s26 =	sld [smem:$0x7F6];
	_ =	sdelay $0x1  }
0x224: {  	s7 =	simm.s32 $0x15;
	s24 =	rddreg [dreg:$0x17]  }
0x225: {  	[hbm:s24], [sflag:s25] =	dma.local [spmem:s26], $0x2800  }
0x226: {  	_ =	swait.ge [sflag:s7], $0x2800  }
0x227: {  	s28 =	sld [smem:$0x7F7];
	_ =	sdelay $0x2  }
0x228: {  	s31 =	rddreg [dreg:$0x1c];
	s0 =	sadd.s32 $0x1, s28  }
0x229: {  	p0 =	sne.s32 s0, s31  }
.Ltmp2:
0x22a: {  	_ = 	snop;
	(pc) =	sbr.rel @p0 .LBB2_1-.Ltmp2, $4  }
0x22b: {  	s13 =	simm.s32 $0xD  }
0x22c: {  	s15 =	simm.s32 $0xC;
	s16 =	simm.s32 $0xB;
	s18 =	simm.s32 $0x16900  }
0x22d: {  	s23 =	simm.s32 $0x14000;
	s24 =	simm.s32 $0x14080;
	[sflag:s7] =	ssyncset.done $0x0  }
0x22e: {  	s25 =	simm.s32 $0x14100;
	s26 =	simm.s32 $0x14180;
	[sflag:s7] =	ssyncadd.s32 $0xFFFFD800  }
0x22f: {  	_ =	sfence.sel $0x180000  }
0x230: {  	[bflag:$0x0] =	sbarrier.arrive $0xFFFF  }
0x231: {  	_ =	strace $0x90000047  }
0x232: {  	s0 =	stileid.u32;
	[bflag:$0x2] =	sbarrier.arrive $0xFFFF  }
0x233: {  	p0 =	sne.s32 s0, $0x0;
	s0 =	rddreg [dreg:$0x4]  }
0x234: {  	s0 =	sadd.s32 @!p0 $0x100000, s0  }
0x235: {  	[sflag:s0] =	ssyncadd.tile.s32 @!p0 $0x1;
	_ =	shalt  }
.Lfunc_end2:
_tile_overlayer_lowered:
.L_overlay_start_2:
0x236: {  	(tag) =	ssettag $0x2  }
0x237: {  	s0 =	rddreg [dreg:$0x0];
	s2 =	stileid.u32  }
0x238: {  	s1 =	rddreg [dreg:$0x1];
	p0 =	sne.s32 s2, $0x0  }
0x239: {  	s3 =	rddreg [dreg:$0x2];
	[bflag:$0x3] =	sbarrier.arrive $0xFFFF;
	s2 =	simm.s32 @!p0 $0x1C15  }
0x23a: {  	[timem:s3], [sflag:s2] =	dma.local @!p0 [hbm:s0], s1  }
0x23b: {  	s0 =	simm.s32 @!p0 $0x15  }
0x23c: {  	_ =	swait.ge @!p0 [sflag:s0], s1  }
0x23d: {  	s1 =	ssub.s32 @!p0 $0x0, s1;
	[sflag:s0] =	ssyncset.done @!p0 $0x0  }
0x23e: {  	[sflag:s0] =	ssyncadd.s32 @!p0 s1  }
0x23f: {  	[bflag:$0x3] =	sbarrier.arrive $0xFFFF  }
0x240: {  	_ =	shalt  }

</sc_bundles>
